<compile_context>
chip_gen: v7x
topology: tpu7x:2x2x1
jax: 0.10.2.dev20260603
libtpu: 0.0.44.dev20260713+nightly
codegen_flags: <defaults>
</compile_context>

<pallas_src>
import dataclasses
import functools

import jax
import jax.numpy as jnp
from jax import lax
from jax.experimental import pallas as pl
from jax.experimental.pallas import tpu as pltpu
from jax.experimental.pallas import tpu_sc as plsc

N_CORES = 2
N_SUBCORES = 16
N_WORKERS = N_CORES * N_SUBCORES
BATCH = 64
NBUF = 4
IDX_CHUNK = 16




def _fill(ref, nrows, d, value, flat):
    @pl.loop(0, nrows)
    def _(r):
        @pl.loop(0, d, step=16)
        def _(col):
            if flat:
                ref.at[r, pl.ds(col, 16)][...] = value
            else:
                ref.at[pl.ds(r, 1), pl.ds(col, 16)][...] = value


def _zero_acc_slice(zsrc, acc, base, rows_per_sub):
    chunk = zsrc.shape[0]
    nfull = rows_per_sub // chunk
    rem = rows_per_sub % chunk

    @pl.loop(0, nfull)
    def _(i):
        pltpu.sync_copy(zsrc, acc.at[pl.ds(base + i * chunk, chunk)])

    if rem:
        pltpu.sync_copy(zsrc.at[pl.ds(0, rem)],
                        acc.at[pl.ds(base + nfull * chunk, rem)])


def _make_seg_sum(n_pad, d, nb0, nb1, do_count=False, ich=IDX_CHUNK):
    mesh = plsc.VectorSubcoreMesh(core_axis_name="c", subcore_axis_name="s")
    rows_per_sub = n_pad // N_SUBCORES
    scratch = (
        [
            pltpu.VMEM((ich, BATCH), jnp.int32),
            pltpu.VMEM((ich, BATCH), jnp.int32),
        ]
        + [pltpu.VMEM((BATCH, d), jnp.float32)] * NBUF
        + [pltpu.VMEM_SHARED((n_pad, d), jnp.float32)]
        + [pltpu.SemaphoreType.DMA] * NBUF
        + [pltpu.SemaphoreType.DMA] * NBUF
    )
    out_type = jax.ShapeDtypeStruct((N_CORES, n_pad, d), jnp.float32)
    cp = None
    if do_count:
        out_type = [out_type,
                    jax.ShapeDtypeStruct((N_WORKERS, n_pad), jnp.float32)]
        scratch = scratch + [pltpu.VMEM((n_pad,), jnp.float32)]
        cp = pltpu.CompilerParams()
        if "needs_layout_passes" in pltpu.CompilerParams.__dataclass_fields__:
            cp = dataclasses.replace(cp, needs_layout_passes=False)

    @functools.partial(
        pl.kernel,
        out_type=out_type,
        mesh=mesh,
        scratch_types=scratch,
        compiler_params=cp,
    )
    def seg_sum(y_hbm, src_hbm, dst_hbm, *args):
        if do_count:
            out_hbm, cnt_hbm, src_v, dst_v, *refs = args
            cnt_v = refs[-1]
            refs = refs[:-1]
        else:
            out_hbm, src_v, dst_v, *refs = args
        rows = refs[:NBUF]
        acc = refs[NBUF]
        sem_g = refs[NBUF + 1:2 * NBUF + 1]
        sem_s = refs[2 * NBUF + 1:]
        c = lax.axis_index("c")
        s = lax.axis_index("s")
        blk0 = jnp.where(c == 0, 0, nb0)
        nchunks = jnp.where(c == 0, nb0 // ich, nb1 // ich)

        def gather(j, b):
            pltpu.async_copy(y_hbm.at[src_v.at[j]], rows[b], sem_g[b])

        def scatter(j, b):
            pltpu.async_copy(rows[b], acc.at[dst_v.at[j]], sem_s[b],
                             add=True)

        def wait_gather(b):
            pltpu.make_async_copy(y_hbm.at[src_v.at[0]], rows[b],
                                  sem_g[b]).wait()

        def wait_scatter(b):
            pltpu.make_async_copy(rows[b], acc.at[dst_v.at[0]],
                                  sem_s[b]).wait()

        zshape = (16,) if do_count else (1, 16)
        _fill(rows[0], BATCH, d, jnp.zeros(zshape, jnp.float32), do_count)
        base = s * rows_per_sub
        _zero_acc_slice(rows[0], acc, base, rows_per_sub)
        if do_count:
            z16 = jnp.zeros((16,), jnp.float32)

            @pl.loop(0, n_pad, step=16)
            def _(i):
                cnt_v.at[pl.ds(i, 16)][...] = z16
        one16 = jnp.ones((16,), jnp.float32)
        plsc.subcore_barrier()

        @pl.loop(0, nchunks)
        def _(ci):
            off = blk0 + ci * ich
            pltpu.sync_copy(src_hbm.at[s, pl.ds(off, ich)], src_v)
            pltpu.sync_copy(dst_hbm.at[s, pl.ds(off, ich)], dst_v)
            gather(0, 0)
            gather(1, 1)

            @pl.loop(0, ich // NBUF)
            def _(p):
                for b in range(NBUF):
                    j = p * NBUF + b
                    wait_gather(b)
                    scatter(j, b)
                    if do_count:
                        @pl.loop(0, BATCH, step=16)
                        def _(k):
                            plsc.addupdate_scatter(
                                cnt_v, [dst_v.at[j, pl.ds(k, 16)][...]],
                                one16)
                    b2 = (b + 2) % NBUF

                    @pl.when(j >= 2)
                    def _():
                        wait_scatter(b2)

                    @pl.when(j + 2 < ich)
                    def _():
                        gather(j + 2, b2)

            wait_scatter((ich - 2) % NBUF)
            wait_scatter((ich - 1) % NBUF)

        if do_count:
            pltpu.sync_copy(cnt_v, cnt_hbm.at[s * N_CORES + c])
        plsc.subcore_barrier()

        pltpu.sync_copy(acc.at[pl.ds(base, rows_per_sub)],
                        out_hbm.at[c, pl.ds(base, rows_per_sub)])

    return seg_sum



_ROW_BLK = 2000


def _mm2_kernel(x_ref, wa_ref, wb_ref, a_ref, b_ref):
    xb = x_ref[...]
    a_ref[...] = jnp.dot(xb, wa_ref[...], preferred_element_type=jnp.float32)
    b_ref[...] = jnp.dot(xb, wb_ref[...], preferred_element_type=jnp.float32)


def _mm2(x, wa_t, wb_t):
    n, d = x.shape
    grid = n // _ROW_BLK
    w_spec = pl.BlockSpec((d, wa_t.shape[1]), lambda i: (0, 0))
    row_spec = pl.BlockSpec((_ROW_BLK, d), lambda i: (i, 0))
    out_spec = pl.BlockSpec((_ROW_BLK, wa_t.shape[1]), lambda i: (i, 0))
    return pl.pallas_call(
        _mm2_kernel,
        grid=(grid,),
        in_specs=[row_spec, w_spec, w_spec],
        out_specs=[out_spec, out_spec],
        out_shape=[
            jax.ShapeDtypeStruct((n, wa_t.shape[1]), jnp.float32),
            jax.ShapeDtypeStruct((n, wb_t.shape[1]), jnp.float32),
        ],
    )(x, wa_t, wb_t)


def _combine_mm2_kernel(aggp_ref, cntp_ref, r_ref, bl_ref, wa_ref, wb_ref,
                        a_ref, b_ref):
    agg = aggp_ref[0] + aggp_ref[1]
    cnt = jnp.sum(cntp_ref[...], axis=1)[:, None]
    mean = agg / jnp.maximum(cnt, 1.0)
    h = jnp.maximum(mean + bl_ref[...] + r_ref[...], 0.0)
    a_ref[...] = jnp.dot(h, wa_ref[...], preferred_element_type=jnp.float32)
    b_ref[...] = jnp.dot(h, wb_ref[...], preferred_element_type=jnp.float32)


def _combine_mm2(aggp, cntp, r, bl, wa_t, wb_t):
    n, d = r.shape
    grid = n // _ROW_BLK
    return pl.pallas_call(
        _combine_mm2_kernel,
        grid=(grid,),
        in_specs=[
            pl.BlockSpec((N_CORES, _ROW_BLK, d), lambda i: (0, i, 0)),
            pl.BlockSpec((_ROW_BLK, N_WORKERS), lambda i: (i, 0)),
            pl.BlockSpec((_ROW_BLK, d), lambda i: (i, 0)),
            pl.BlockSpec((d,), lambda i: (0,)),
            pl.BlockSpec((d, wa_t.shape[1]), lambda i: (0, 0)),
            pl.BlockSpec((d, wb_t.shape[1]), lambda i: (0, 0)),
        ],
        out_specs=[
            pl.BlockSpec((_ROW_BLK, wa_t.shape[1]), lambda i: (i, 0)),
            pl.BlockSpec((_ROW_BLK, wb_t.shape[1]), lambda i: (i, 0)),
        ],
        out_shape=[
            jax.ShapeDtypeStruct((n, wa_t.shape[1]), jnp.float32),
            jax.ShapeDtypeStruct((n, wb_t.shape[1]), jnp.float32),
        ],
    )(aggp, cntp, r, bl, wa_t, wb_t)


def _combine_out_kernel(aggp_ref, cntp_ref, r_ref, bl_ref, w_ref, blin_ref,
                        o_ref):
    agg = aggp_ref[0] + aggp_ref[1]
    cnt = jnp.sum(cntp_ref[...], axis=1)[:, None]
    mean = agg / jnp.maximum(cnt, 1.0)
    h = jnp.maximum(mean + bl_ref[...] + r_ref[...], 0.0)
    o_ref[...] = (
        jnp.dot(h, w_ref[...], preferred_element_type=jnp.float32)
        + blin_ref[...]
    )


def _combine_out(aggp, cntp, r, bl, w_t, blin):
    n, d = r.shape
    grid = n // _ROW_BLK
    return pl.pallas_call(
        _combine_out_kernel,
        grid=(grid,),
        in_specs=[
            pl.BlockSpec((N_CORES, _ROW_BLK, d), lambda i: (0, i, 0)),
            pl.BlockSpec((_ROW_BLK, N_WORKERS), lambda i: (i, 0)),
            pl.BlockSpec((_ROW_BLK, d), lambda i: (i, 0)),
            pl.BlockSpec((d,), lambda i: (0,)),
            pl.BlockSpec((d, w_t.shape[1]), lambda i: (0, 0)),
            pl.BlockSpec((w_t.shape[1],), lambda i: (0,)),
        ],
        out_specs=pl.BlockSpec((_ROW_BLK, w_t.shape[1]), lambda i: (i, 0)),
        out_shape=jax.ShapeDtypeStruct((n, w_t.shape[1]), jnp.float32),
    )(aggp, cntp, r, bl, w_t, blin)




def kernel(x, edge_index, Wl1, bl1, Wr1, Wl2, bl2, Wr2, Wlin, blin):
    n, d = x.shape
    e = edge_index.shape[1]

    nbt = -(-e // (N_SUBCORES * BATCH * IDX_CHUNK)) * IDX_CHUNK
    nb0 = min(nbt, max(IDX_CHUNK, round(0.75 * nbt / IDX_CHUNK) * IDX_CHUNK))
    nb1 = nbt - nb0
    e_pad = N_SUBCORES * nbt * BATCH
    n_pad = -(-(n + 1) // (N_SUBCORES * 8)) * (N_SUBCORES * 8)

    pad = e_pad - e
    src = jnp.concatenate(
        [edge_index[0], jnp.zeros((pad,), jnp.int32)]
    ).reshape(N_SUBCORES, nbt, BATCH)
    dst = jnp.concatenate(
        [edge_index[1], jnp.full((pad,), n, jnp.int32)]
    ).reshape(N_SUBCORES, nbt, BATCH)
    seg_sum_cnt = _make_seg_sum(n_pad, d, nb0, nb1, do_count=True)
    ich2 = 40 if (nb0 % 40 == 0 and nb1 % 40 == 0) else IDX_CHUNK
    seg_sum = _make_seg_sum(n_pad, d, nb0, nb1, ich=ich2)

    y1, r1 = _mm2(x, Wl1.T, Wr1.T)
    aggp1, cntp = seg_sum_cnt(y1, src, dst)
    cntp = cntp.T
    y2, r2 = _combine_mm2(aggp1, cntp, r1, bl1, Wl2.T, Wr2.T)
    aggp2 = seg_sum(y2, src, dst)
    return _combine_out(aggp2, cntp, r2, bl2, Wlin.T, blin)

# --- scband reference (transcript-rebuilt; emitter-appended) ---
"""Pipeline reference for scband-gnn-6305011991202 (READ-ONLY COPY).

The authoritative reference and input builder live on the scoring server;
editing this copy changes nothing except your own understanding.
"""

import jax, jax.numpy as jnp
import numpy as np

N_NODES = 10000
N_EDGES = 320000
D_FEAT = 128
HIDDEN = 128
OUT = 128


def _glorot(key, shape):
    fan_in, fan_out = shape[1], shape[0]
    limit = np.sqrt(6.0 / (fan_in + fan_out))
    return jax.random.uniform(key, shape, dtype=jnp.float32, minval=-limit, maxval=limit)


def setup_inputs(seed: int = 0) -> dict:
    key = jax.random.key(seed)
    ks = jax.random.split(key, 12)
    x = jax.random.normal(ks[0], (N_NODES, D_FEAT), dtype=jnp.float32)
    edge_index = jax.random.randint(ks[1], (2, N_EDGES), 0, N_NODES, dtype=jnp.int64 if jax.config.jax_enable_x64 else jnp.int32).astype(jnp.int32)
    # SAGEConv params: lin_l (neighbor agg, with bias), lin_r (root, no bias)
    Wl1 = _glorot(ks[2], (HIDDEN, D_FEAT)); bl1 = jnp.zeros((HIDDEN,), jnp.float32)
    Wr1 = _glorot(ks[3], (HIDDEN, D_FEAT))
    Wl2 = _glorot(ks[4], (HIDDEN, HIDDEN)); bl2 = jnp.zeros((HIDDEN,), jnp.float32)
    Wr2 = _glorot(ks[5], (HIDDEN, HIDDEN))
    Wlin = _glorot(ks[6], (OUT, HIDDEN)); blin = jnp.zeros((OUT,), jnp.float32)
    return {"x": x, "edge_index": edge_index, "Wl1": Wl1, "bl1": bl1, "Wr1": Wr1,
            "Wl2": Wl2, "bl2": bl2, "Wr2": Wr2, "Wlin": Wlin, "blin": blin}


def _sage_conv(x, edge_index, Wl, bl, Wr):
    # PyG SAGEConv(aggr='mean'): out_i = lin_l(mean_{j in N(i)} x_j) + lin_r(x_i)
    src = edge_index[0]
    dst = edge_index[1]
    msg = jnp.take(x, src, axis=0)
    agg = jax.ops.segment_sum(msg, dst, num_segments=N_NODES)
    cnt = jax.ops.segment_sum(jnp.ones((msg.shape[0],), jnp.float32), dst, num_segments=N_NODES)
    mean = agg / jnp.clip(cnt, 1.0, None)[:, None]
    return mean @ Wl.T + bl + x @ Wr.T


def reference(x, edge_index, Wl1, bl1, Wr1, Wl2, bl2, Wr2, Wlin, blin):
    h = jax.nn.relu(_sage_conv(x, edge_index, Wl1, bl1, Wr1))
    h = _sage_conv(h, edge_index, Wl2, bl2, Wr2)
    h = jax.nn.relu(h)
    out = h @ Wlin.T + blin
    return out

if __name__ == "__main__":
    import jax
    _d = setup_inputs()
    print(jax.jit(kernel)(*tuple(_d.values())))

</pallas_src>

<mosaic_0001>
#map = affine_map<(d0, d1) -> (0, 0)>
#map1 = affine_map<(d0, d1) -> (0, 0, 0)>
module attributes {stable_mosaic.version = 14 : i64} {
  func.func @seg_sum(%arg0: i32, %arg1: i32, %arg2: memref<10000x128xf32, #tpu.memory_space<hbm>>, %arg3: memref<16x320x64xi32, #tpu.memory_space<hbm>>, %arg4: memref<16x320x64xi32, #tpu.memory_space<hbm>>, %arg5: memref<2x10112x128xf32, #tpu.memory_space<hbm>>, %arg6: memref<40x64xi32, #tpu.memory_space<vmem>>, %arg7: memref<40x64xi32, #tpu.memory_space<vmem>>, %arg8: memref<64x128xf32, #tpu.memory_space<vmem>>, %arg9: memref<64x128xf32, #tpu.memory_space<vmem>>, %arg10: memref<64x128xf32, #tpu.memory_space<vmem>>, %arg11: memref<64x128xf32, #tpu.memory_space<vmem>>, %arg12: memref<10112x128xf32, #tpu.memory_space<vmem_shared>>, %arg13: memref<!tpu.dma_semaphore, #tpu.memory_space<semaphore_mem>>, %arg14: memref<!tpu.dma_semaphore, #tpu.memory_space<semaphore_mem>>, %arg15: memref<!tpu.dma_semaphore, #tpu.memory_space<semaphore_mem>>, %arg16: memref<!tpu.dma_semaphore, #tpu.memory_space<semaphore_mem>>, %arg17: memref<!tpu.dma_semaphore, #tpu.memory_space<semaphore_mem>>, %arg18: memref<!tpu.dma_semaphore, #tpu.memory_space<semaphore_mem>>, %arg19: memref<!tpu.dma_semaphore, #tpu.memory_space<semaphore_mem>>, %arg20: memref<!tpu.dma_semaphore, #tpu.memory_space<semaphore_mem>>) attributes {dimension_semantics = [#tpu.dimension_semantics<core_parallel>, #tpu.dimension_semantics<subcore_parallel>], iteration_bounds = array<i64: 2, 16>, scalar_prefetch = 0 : i64, scratch_operands = 15 : i64, tpu.core_type = #tpu.core_type<sc_vector_subcore>, window_params = [{transform_indices = #map}, {transform_indices = #map1}, {transform_indices = #map1}, {transform_indices = #map1}]} {
    %eq3A = arith.constant 0 : i32
    %eq3A_0 = arith.cmpi eq, %arg0, %eq3A : i32
    %jit3A = arith.constant 0 : i32
    %jit3A_1 = arith.constant 240 : i32
    %select_n3A = arith.select %eq3A_0, %jit3A, %jit3A_1 : i32
    %eq3A_2 = arith.constant 0 : i32
    %eq3A_3 = arith.cmpi eq, %arg0, %eq3A_2 : i32
    %jit3A_4 = arith.constant 6 : i32
    %jit3A_5 = arith.constant 2 : i32
    %select_n3A_6 = arith.select %eq3A_3, %jit3A_4, %jit3A_5 : i32
    %broadcast_in_dim3A = arith.constant 0.000000e+00 : f32
    %broadcast_in_dim3A_7 = vector.broadcast %broadcast_in_dim3A : f32 to vector<1x16xf32>
    %scan3A = arith.constant 0 : i32
    %scan3A_8 = arith.constant 64 : i32
    %scan3A_9 = arith.addi %scan3A, %scan3A_8 : i32
    %scan3A_10 = arith.constant 1 : i32
    scf.for %scan3A_38 = %scan3A to %scan3A_9 step %scan3A_10  : i32 {
      %mul3A_39 = arith.constant 1 : i32
      %mul3A_40 = arith.muli %scan3A_38, %mul3A_39 : i32
      %add3A_41 = arith.constant 0 : i32
      %add3A_42 = arith.addi %add3A_41, %mul3A_40 : i32
      %scan3A_43 = arith.constant 0 : i32
      %scan3A_44 = arith.constant 8 : i32
      %scan3A_45 = arith.addi %scan3A_43, %scan3A_44 : i32
      %scan3A_46 = arith.constant 1 : i32
      scf.for %scan3A_48 = %scan3A_43 to %scan3A_45 step %scan3A_46  : i32 {
        %mul3A_49 = arith.constant 16 : i32
        %mul3A_50 = arith.muli %scan3A_48, %mul3A_49 : i32
        %add3A_51 = arith.constant 0 : i32
        %add3A_52 = arith.addi %add3A_51, %mul3A_50 : i32
        %swap3A = arith.index_cast %add3A_42 : i32 to index
        %swap3A_53 = arith.index_cast %add3A_52 : i32 to index
        %swap3A_54 = tpu.vector_load %arg8[%swap3A, %swap3A_53] {strides = array<i32>} : memref<64x128xf32, #tpu.memory_space<vmem>>, vector<1x16xf32>,
        %swap3A_55 = vector.shape_cast %swap3A_54 : vector<1x16xf32> to vector<1x16xf32>
        %swap3A_56 = vector.shape_cast %broadcast_in_dim3A_7 : vector<1x16xf32> to vector<1x16xf32>
        tpu.vector_store %arg8[%swap3A, %swap3A_53], %swap3A_56 {strides = array<i32>} : memref<64x128xf32, #tpu.memory_space<vmem>>, vector<1x16xf32>,
      }
      %scan3A_47 = arith.constant 8 : i32
    }
    %scan3A_11 = arith.constant 64 : i32
    %mul3A = arith.constant 632 : i32
    %mul3A_12 = arith.muli %arg1, %mul3A : i32
    %scan3A_13 = arith.constant 0 : i32
    %scan3A_14 = arith.constant 9 : i32
    %scan3A_15 = arith.addi %scan3A_13, %scan3A_14 : i32
    %scan3A_16 = arith.constant 1 : i32
    scf.for %scan3A_38 = %scan3A_13 to %scan3A_15 step %scan3A_16  : i32 {
      %mul3A_39 = arith.constant 1 : i32
      %mul3A_40 = arith.muli %scan3A_38, %mul3A_39 : i32
      %add3A_41 = arith.constant 0 : i32
      %add3A_42 = arith.addi %add3A_41, %mul3A_40 : i32
      %mul3A_43 = arith.constant 64 : i32
      %mul3A_44 = arith.muli %add3A_42, %mul3A_43 : i32
      %add3A_45 = arith.addi %mul3A_12, %mul3A_44 : i32
      "tpu.region"() ({
        %run_scoped3A = tpu.sem_alloc : memref<!tpu.dma_semaphore, #tpu.memory_space<semaphore_mem>>
        %dma_start3A = arith.constant 0 : i32
        %dma_start3A_46 = tpu.memref_slice %arg12[%add3A_45, %dma_start3A] : memref<10112x128xf32, #tpu.memory_space<vmem_shared>> -> memref<64x128xf32, #tpu.memory_space<vmem_shared>>
        %dma_start3A_47 = arith.constant 0 : i32
        %dma_start3A_48 = tpu.memref_slice %arg12[%add3A_45, %dma_start3A_47] : memref<10112x128xf32, #tpu.memory_space<vmem_shared>> -> memref<64x128xf32, #tpu.memory_space<vmem_shared>>
        tpu.enqueue_dma source(%arg8 : memref<64x128xf32, #tpu.memory_space<vmem>>) target(%dma_start3A_48 : memref<64x128xf32, #tpu.memory_space<vmem_shared>>) target_semaphore(%run_scoped3A : memref<!tpu.dma_semaphore, #tpu.memory_space<semaphore_mem>>)
        %dma_wait3A = arith.constant 0 : i32
        %dma_wait3A_49 = tpu.memref_slice %arg12[%add3A_45, %dma_wait3A] : memref<10112x128xf32, #tpu.memory_space<vmem_shared>> -> memref<64x128xf32, #tpu.memory_space<vmem_shared>>
        %dma_wait3A_50 = arith.constant 0 : i32
        %dma_wait3A_51 = tpu.memref_slice %arg12[%add3A_45, %dma_wait3A_50] : memref<10112x128xf32, #tpu.memory_space<vmem_shared>> -> memref<64x128xf32, #tpu.memory_space<vmem_shared>>
        tpu.wait_dma2 semaphore(%run_scoped3A : memref<!tpu.dma_semaphore, #tpu.memory_space<semaphore_mem>>) src(%arg8 : memref<64x128xf32, #tpu.memory_space<vmem>>) dst(%dma_wait3A_51 : memref<64x128xf32, #tpu.memory_space<vmem_shared>>)
        tpu.yield
      }) : () -> ()
    }
    %scan3A_17 = arith.constant 9 : i32
    %add3A = arith.constant 576 : i32
    %add3A_18 = arith.addi %mul3A_12, %add3A : i32
    "tpu.region"() ({
      %run_scoped3A = tpu.sem_alloc : memref<!tpu.dma_semaphore, #tpu.memory_space<semaphore_mem>>
      %dma_start3A = arith.constant 0 : i32
      %dma_start3A_38 = arith.constant 0 : i32
      %dma_start3A_39 = tpu.memref_slice %arg8[%dma_start3A, %dma_start3A_38] : memref<64x128xf32, #tpu.memory_space<vmem>> -> memref<56x128xf32, #tpu.memory_space<vmem>>
      %dma_start3A_40 = arith.constant 0 : i32
      %dma_start3A_41 = tpu.memref_slice %arg12[%add3A_18, %dma_start3A_40] : memref<10112x128xf32, #tpu.memory_space<vmem_shared>> -> memref<56x128xf32, #tpu.memory_space<vmem_shared>>
      %dma_start3A_42 = arith.constant 0 : i32
      %dma_start3A_43 = tpu.memref_slice %arg12[%add3A_18, %dma_start3A_42] : memref<10112x128xf32, #tpu.memory_space<vmem_shared>> -> memref<56x128xf32, #tpu.memory_space<vmem_shared>>
      %dma_start3A_44 = arith.constant 0 : i32
      %dma_start3A_45 = arith.constant 0 : i32
      %dma_start3A_46 = tpu.memref_slice %arg8[%dma_start3A_44, %dma_start3A_45] : memref<64x128xf32, #tpu.memory_space<vmem>> -> memref<56x128xf32, #tpu.memory_space<vmem>>
      tpu.enqueue_dma source(%dma_start3A_46 : memref<56x128xf32, #tpu.memory_space<vmem>>) target(%dma_start3A_43 : memref<56x128xf32, #tpu.memory_space<vmem_shared>>) target_semaphore(%run_scoped3A : memref<!tpu.dma_semaphore, #tpu.memory_space<semaphore_mem>>)
      %dma_wait3A = arith.constant 0 : i32
      %dma_wait3A_47 = arith.constant 0 : i32
      %dma_wait3A_48 = tpu.memref_slice %arg8[%dma_wait3A, %dma_wait3A_47] : memref<64x128xf32, #tpu.memory_space<vmem>> -> memref<56x128xf32, #tpu.memory_space<vmem>>
      %dma_wait3A_49 = arith.constant 0 : i32
      %dma_wait3A_50 = tpu.memref_slice %arg12[%add3A_18, %dma_wait3A_49] : memref<10112x128xf32, #tpu.memory_space<vmem_shared>> -> memref<56x128xf32, #tpu.memory_space<vmem_shared>>
      %dma_wait3A_51 = arith.constant 0 : i32
      %dma_wait3A_52 = tpu.memref_slice %arg12[%add3A_18, %dma_wait3A_51] : memref<10112x128xf32, #tpu.memory_space<vmem_shared>> -> memref<56x128xf32, #tpu.memory_space<vmem_shared>>
      %dma_wait3A_53 = arith.constant 0 : i32
      %dma_wait3A_54 = arith.constant 0 : i32
      %dma_wait3A_55 = tpu.memref_slice %arg8[%dma_wait3A_53, %dma_wait3A_54] : memref<64x128xf32, #tpu.memory_space<vmem>> -> memref<56x128xf32, #tpu.memory_space<vmem>>
      tpu.wait_dma2 semaphore(%run_scoped3A : memref<!tpu.dma_semaphore, #tpu.memory_space<semaphore_mem>>) src(%dma_wait3A_55 : memref<56x128xf32, #tpu.memory_space<vmem>>) dst(%dma_wait3A_52 : memref<56x128xf32, #tpu.memory_space<vmem_shared>>)
      tpu.yield
    }) : () -> ()
    %broadcast_in_dim3A_19 = arith.constant 1.000000e+00 : f32
    %broadcast_in_dim3A_20 = vector.broadcast %broadcast_in_dim3A_19 : f32 to vector<16xf32>
    %barrier3A = arith.constant 0 : index
    tpu.barrier barrier_id(%barrier3A)
    %sub3A = arith.constant 0 : i32
    %sub3A_21 = arith.subi %select_n3A_6, %sub3A : i32
    %sub3A_22 = arith.constant 1 : i32
    %sub3A_23 = arith.constant 1 : i32
    %sub3A_24 = arith.subi %sub3A_22, %sub3A_23 : i32
    %add3A_25 = arith.addi %sub3A_21, %sub3A_24 : i32
    %div3A = arith.constant 1 : i32
    %div3A_26 = arith.divsi %add3A_25, %div3A : i32
    %while3A = arith.constant 1 : i32
    %while3A_27 = arith.constant 0 : i32
    %while3A_28 = arith.constant 0 : i32
    %while3A_29 = arith.subi %div3A_26, %while3A_28 : i32
    %while3A_30 = arith.addi %while3A_28, %while3A_29 : i32
    %while3A_31 = arith.constant 1 : i32
    %while3A_32 = arith.divsi %while3A_29, %while3A_31 : i32
    %while3A_33 = arith.muli %while3A_32, %while3A_31 : i32
    %while3A_34 = arith.addi %while3A_28, %while3A_33 : i32
    %while3A_35 = arith.constant 1 : i32
    scf.for %while3A_38 = %while3A_28 to %while3A_34 step %while3A_35  : i32 {
      %mul3A_39 = arith.muli %while3A_38, %while3A : i32
      %add3A_40 = arith.addi %while3A_27, %mul3A_39 : i32
      %mul3A_41 = arith.constant 40 : i32
      %mul3A_42 = arith.muli %add3A_40, %mul3A_41 : i32
      %add3A_43 = arith.addi %select_n3A, %mul3A_42 : i32
      "tpu.region"() ({
        %run_scoped3A = tpu.sem_alloc : memref<!tpu.dma_semaphore, #tpu.memory_space<semaphore_mem>>
        %dma_start3A_75 = arith.constant 0 : i32
        %dma_start3A_76 = tpu.memref_slice %arg3[%arg1, %add3A_43, %dma_start3A_75] : memref<16x320x64xi32, #tpu.memory_space<hbm>> -> memref<1x40x64xi32, #tpu.memory_space<hbm>>
        %dma_start3A_77 = tpu.memref_squeeze %dma_start3A_76 : memref<1x40x64xi32, #tpu.memory_space<hbm>> -> memref<40x64xi32, #tpu.memory_space<hbm>>
        %dma_start3A_78 = arith.constant 0 : i32
        %dma_start3A_79 = tpu.memref_slice %arg3[%arg1, %add3A_43, %dma_start3A_78] : memref<16x320x64xi32, #tpu.memory_space<hbm>> -> memref<1x40x64xi32, #tpu.memory_space<hbm>>
        %dma_start3A_80 = tpu.memref_squeeze %dma_start3A_79 : memref<1x40x64xi32, #tpu.memory_space<hbm>> -> memref<40x64xi32, #tpu.memory_space<hbm>>
        tpu.enqueue_dma source(%dma_start3A_80 : memref<40x64xi32, #tpu.memory_space<hbm>>) target(%arg6 : memref<40x64xi32, #tpu.memory_space<vmem>>) target_semaphore(%run_scoped3A : memref<!tpu.dma_semaphore, #tpu.memory_space<semaphore_mem>>)
        %dma_wait3A_81 = arith.constant 0 : i32
        %dma_wait3A_82 = tpu.memref_slice %arg3[%arg1, %add3A_43, %dma_wait3A_81] : memref<16x320x64xi32, #tpu.memory_space<hbm>> -> memref<1x40x64xi32, #tpu.memory_space<hbm>>
        %dma_wait3A_83 = tpu.memref_squeeze %dma_wait3A_82 : memref<1x40x64xi32, #tpu.memory_space<hbm>> -> memref<40x64xi32, #tpu.memory_space<hbm>>
        %dma_wait3A_84 = arith.constant 0 : i32
        %dma_wait3A_85 = tpu.memref_slice %arg3[%arg1, %add3A_43, %dma_wait3A_84] : memref<16x320x64xi32, #tpu.memory_space<hbm>> -> memref<1x40x64xi32, #tpu.memory_space<hbm>>
        %dma_wait3A_86 = tpu.memref_squeeze %dma_wait3A_85 : memref<1x40x64xi32, #tpu.memory_space<hbm>> -> memref<40x64xi32, #tpu.memory_space<hbm>>
        tpu.wait_dma2 semaphore(%run_scoped3A : memref<!tpu.dma_semaphore, #tpu.memory_space<semaphore_mem>>) src(%dma_wait3A_86 : memref<40x64xi32, #tpu.memory_space<hbm>>) dst(%arg6 : memref<40x64xi32, #tpu.memory_space<vmem>>)
        tpu.yield
      }) : () -> ()
      "tpu.region"() ({
        %run_scoped3A = tpu.sem_alloc : memref<!tpu.dma_semaphore, #tpu.memory_space<semaphore_mem>>
        %dma_start3A_75 = arith.constant 0 : i32
        %dma_start3A_76 = tpu.memref_slice %arg4[%arg1, %add3A_43, %dma_start3A_75] : memref<16x320x64xi32, #tpu.memory_space<hbm>> -> memref<1x40x64xi32, #tpu.memory_space<hbm>>
        %dma_start3A_77 = tpu.memref_squeeze %dma_start3A_76 : memref<1x40x64xi32, #tpu.memory_space<hbm>> -> memref<40x64xi32, #tpu.memory_space<hbm>>
        %dma_start3A_78 = arith.constant 0 : i32
        %dma_start3A_79 = tpu.memref_slice %arg4[%arg1, %add3A_43, %dma_start3A_78] : memref<16x320x64xi32, #tpu.memory_space<hbm>> -> memref<1x40x64xi32, #tpu.memory_space<hbm>>
        %dma_start3A_80 = tpu.memref_squeeze %dma_start3A_79 : memref<1x40x64xi32, #tpu.memory_space<hbm>> -> memref<40x64xi32, #tpu.memory_space<hbm>>
        tpu.enqueue_dma source(%dma_start3A_80 : memref<40x64xi32, #tpu.memory_space<hbm>>) target(%arg7 : memref<40x64xi32, #tpu.memory_space<vmem>>) target_semaphore(%run_scoped3A : memref<!tpu.dma_semaphore, #tpu.memory_space<semaphore_mem>>)
        %dma_wait3A_81 = arith.constant 0 : i32
        %dma_wait3A_82 = tpu.memref_slice %arg4[%arg1, %add3A_43, %dma_wait3A_81] : memref<16x320x64xi32, #tpu.memory_space<hbm>> -> memref<1x40x64xi32, #tpu.memory_space<hbm>>
        %dma_wait3A_83 = tpu.memref_squeeze %dma_wait3A_82 : memref<1x40x64xi32, #tpu.memory_space<hbm>> -> memref<40x64xi32, #tpu.memory_space<hbm>>
        %dma_wait3A_84 = arith.constant 0 : i32
        %dma_wait3A_85 = tpu.memref_slice %arg4[%arg1, %add3A_43, %dma_wait3A_84] : memref<16x320x64xi32, #tpu.memory_space<hbm>> -> memref<1x40x64xi32, #tpu.memory_space<hbm>>
        %dma_wait3A_86 = tpu.memref_squeeze %dma_wait3A_85 : memref<1x40x64xi32, #tpu.memory_space<hbm>> -> memref<40x64xi32, #tpu.memory_space<hbm>>
        tpu.wait_dma2 semaphore(%run_scoped3A : memref<!tpu.dma_semaphore, #tpu.memory_space<semaphore_mem>>) src(%dma_wait3A_86 : memref<40x64xi32, #tpu.memory_space<hbm>>) dst(%arg7 : memref<40x64xi32, #tpu.memory_space<vmem>>)
        tpu.yield
      }) : () -> ()
      %dma_start3A = arith.constant 0 : i32
      %dma_start3A_44 = arith.constant 0 : i32
      %dma_start3A_45 = tpu.memref_slice %arg6[%dma_start3A, %dma_start3A_44] : memref<40x64xi32, #tpu.memory_space<vmem>> -> memref<1x64xi32, #tpu.memory_space<vmem>>
      %dma_start3A_46 = tpu.memref_squeeze %dma_start3A_45 : memref<1x64xi32, #tpu.memory_space<vmem>> -> memref<64xi32, #tpu.memory_space<vmem>>
      %dma_start3A_47 = arith.constant 0 : i32
      %dma_start3A_48 = arith.constant 0 : i32
      %dma_start3A_49 = tpu.memref_slice %arg2[%dma_start3A_47, %dma_start3A_48] : memref<10000x128xf32, #tpu.memory_space<hbm>> -> memref<10000x128xf32, #tpu.memory_space<hbm>>
      tpu.enqueue_indirect_dma source(%dma_start3A_49 : memref<10000x128xf32, #tpu.memory_space<hbm>>) target(%arg8 : memref<64x128xf32, #tpu.memory_space<vmem>>) offsets(%dma_start3A_46 : memref<64xi32, #tpu.memory_space<vmem>>) semaphore(%arg13 : memref<!tpu.dma_semaphore, #tpu.memory_space<semaphore_mem>>)
      %dma_start3A_50 = arith.constant 1 : i32
      %dma_start3A_51 = arith.constant 0 : i32
      %dma_start3A_52 = tpu.memref_slice %arg6[%dma_start3A_50, %dma_start3A_51] : memref<40x64xi32, #tpu.memory_space<vmem>> -> memref<1x64xi32, #tpu.memory_space<vmem>>
      %dma_start3A_53 = tpu.memref_squeeze %dma_start3A_52 : memref<1x64xi32, #tpu.memory_space<vmem>> -> memref<64xi32, #tpu.memory_space<vmem>>
      %dma_start3A_54 = arith.constant 0 : i32
      %dma_start3A_55 = arith.constant 0 : i32
      %dma_start3A_56 = tpu.memref_slice %arg2[%dma_start3A_54, %dma_start3A_55] : memref<10000x128xf32, #tpu.memory_space<hbm>> -> memref<10000x128xf32, #tpu.memory_space<hbm>>
      tpu.enqueue_indirect_dma source(%dma_start3A_56 : memref<10000x128xf32, #tpu.memory_space<hbm>>) target(%arg9 : memref<64x128xf32, #tpu.memory_space<vmem>>) offsets(%dma_start3A_53 : memref<64xi32, #tpu.memory_space<vmem>>) semaphore(%arg14 : memref<!tpu.dma_semaphore, #tpu.memory_space<semaphore_mem>>)
      %scan3A_57 = arith.constant 0 : i32
      %scan3A_58 = arith.constant 10 : i32
      %scan3A_59 = arith.addi %scan3A_57, %scan3A_58 : i32
      %scan3A_60 = arith.constant 1 : i32
      scf.for %scan3A_75 = %scan3A_57 to %scan3A_59 step %scan3A_60  : i32 {
        %mul3A_76 = arith.constant 1 : i32
        %mul3A_77 = arith.muli %scan3A_75, %mul3A_76 : i32
        %add3A_78 = arith.constant 0 : i32
        %add3A_79 = arith.addi %add3A_78, %mul3A_77 : i32
        %mul3A_80 = arith.constant 4 : i32
        %mul3A_81 = arith.muli %add3A_79, %mul3A_80 : i32
        %add3A_82 = arith.constant 0 : i32
        %add3A_83 = arith.addi %mul3A_81, %add3A_82 : i32
        %dma_wait3A_84 = arith.constant 0 : i32
        %dma_wait3A_85 = arith.constant 0 : i32
        %dma_wait3A_86 = tpu.memref_slice %arg6[%dma_wait3A_84, %dma_wait3A_85] : memref<40x64xi32, #tpu.memory_space<vmem>> -> memref<1x64xi32, #tpu.memory_space<vmem>>
        %dma_wait3A_87 = tpu.memref_squeeze %dma_wait3A_86 : memref<1x64xi32, #tpu.memory_space<vmem>> -> memref<64xi32, #tpu.memory_space<vmem>>
        %dma_wait3A_88 = arith.constant 0 : i32
        %dma_wait3A_89 = arith.constant 0 : i32
        %dma_wait3A_90 = tpu.memref_slice %arg2[%dma_wait3A_88, %dma_wait3A_89] : memref<10000x128xf32, #tpu.memory_space<hbm>> -> memref<10000x128xf32, #tpu.memory_space<hbm>>
        tpu.wait_indirect_dma semaphore(%arg13 : memref<!tpu.dma_semaphore, #tpu.memory_space<semaphore_mem>>) src(%dma_wait3A_90 : memref<10000x128xf32, #tpu.memory_space<hbm>>) dst(%arg8 : memref<64x128xf32, #tpu.memory_space<vmem>>)
        %dma_start3A_91 = arith.constant 0 : i32
        %dma_start3A_92 = tpu.memref_slice %arg7[%add3A_83, %dma_start3A_91] : memref<40x64xi32, #tpu.memory_space<vmem>> -> memref<1x64xi32, #tpu.memory_space<vmem>>
        %dma_start3A_93 = tpu.memref_squeeze %dma_start3A_92 : memref<1x64xi32, #tpu.memory_space<vmem>> -> memref<64xi32, #tpu.memory_space<vmem>>
        %dma_start3A_94 = arith.constant 0 : i32
        %dma_start3A_95 = arith.constant 0 : i32
        %dma_start3A_96 = tpu.memref_slice %arg12[%dma_start3A_94, %dma_start3A_95] : memref<10112x128xf32, #tpu.memory_space<vmem_shared>> -> memref<10112x128xf32, #tpu.memory_space<vmem_shared>>
        tpu.enqueue_indirect_dma source(%arg8 : memref<64x128xf32, #tpu.memory_space<vmem>>) target(%dma_start3A_96 : memref<10112x128xf32, #tpu.memory_space<vmem_shared>>) offsets(%dma_start3A_93 : memref<64xi32, #tpu.memory_space<vmem>>) semaphore(%arg17 : memref<!tpu.dma_semaphore, #tpu.memory_space<semaphore_mem>>) {add = true}
        %ge3A = arith.constant 2 : i32
        %ge3A_97 = arith.cmpi sge, %add3A_83, %ge3A : i32
        %convert_element_type3A = arith.extui %ge3A_97 : i1 to i32
        %cond3A = arith.constant 0 : i32
        %cond3A_98 = arith.cmpi ne, %convert_element_type3A, %cond3A : i32
        scf.if %cond3A_98 {
          %dma_wait3A_192 = arith.constant 0 : i32
          %dma_wait3A_193 = arith.constant 0 : i32
          %dma_wait3A_194 = tpu.memref_slice %arg7[%dma_wait3A_192, %dma_wait3A_193] : memref<40x64xi32, #tpu.memory_space<vmem>> -> memref<1x64xi32, #tpu.memory_space<vmem>>
          %dma_wait3A_195 = tpu.memref_squeeze %dma_wait3A_194 : memref<1x64xi32, #tpu.memory_space<vmem>> -> memref<64xi32, #tpu.memory_space<vmem>>
          %dma_wait3A_196 = arith.constant 0 : i32
          %dma_wait3A_197 = arith.constant 0 : i32
          %dma_wait3A_198 = tpu.memref_slice %arg12[%dma_wait3A_196, %dma_wait3A_197] : memref<10112x128xf32, #tpu.memory_space<vmem_shared>> -> memref<10112x128xf32, #tpu.memory_space<vmem_shared>>
          tpu.wait_indirect_dma semaphore(%arg19 : memref<!tpu.dma_semaphore, #tpu.memory_space<semaphore_mem>>) src(%arg10 : memref<64x128xf32, #tpu.memory_space<vmem>>) dst(%dma_wait3A_198 : memref<10112x128xf32, #tpu.memory_space<vmem_shared>>)
        } else {
        }
        %add3A_99 = arith.constant 2 : i32
        %add3A_100 = arith.addi %add3A_83, %add3A_99 : i32
        %lt3A = arith.constant 40 : i32
        %lt3A_101 = arith.cmpi slt, %add3A_100, %lt3A : i32
        %convert_element_type3A_102 = arith.extui %lt3A_101 : i1 to i32
        %cond3A_103 = arith.constant 0 : i32
        %cond3A_104 = arith.cmpi ne, %convert_element_type3A_102, %cond3A_103 : i32
        scf.if %cond3A_104 {
          %add3A_192 = arith.constant 2 : i32
          %add3A_193 = arith.addi %add3A_83, %add3A_192 : i32
          %dma_start3A_194 = arith.constant 0 : i32
          %dma_start3A_195 = tpu.memref_slice %arg6[%add3A_193, %dma_start3A_194] : memref<40x64xi32, #tpu.memory_space<vmem>> -> memref<1x64xi32, #tpu.memory_space<vmem>>
          %dma_start3A_196 = tpu.memref_squeeze %dma_start3A_195 : memref<1x64xi32, #tpu.memory_space<vmem>> -> memref<64xi32, #tpu.memory_space<vmem>>
          %dma_start3A_197 = arith.constant 0 : i32
          %dma_start3A_198 = arith.constant 0 : i32
          %dma_start3A_199 = tpu.memref_slice %arg2[%dma_start3A_197, %dma_start3A_198] : memref<10000x128xf32, #tpu.memory_space<hbm>> -> memref<10000x128xf32, #tpu.memory_space<hbm>>
          tpu.enqueue_indirect_dma source(%dma_start3A_199 : memref<10000x128xf32, #tpu.memory_space<hbm>>) target(%arg10 : memref<64x128xf32, #tpu.memory_space<vmem>>) offsets(%dma_start3A_196 : memref<64xi32, #tpu.memory_space<vmem>>) semaphore(%arg15 : memref<!tpu.dma_semaphore, #tpu.memory_space<semaphore_mem>>)
        } else {
        }
        %mul3A_105 = arith.constant 4 : i32
        %mul3A_106 = arith.muli %add3A_79, %mul3A_105 : i32
        %add3A_107 = arith.constant 1 : i32
        %add3A_108 = arith.addi %mul3A_106, %add3A_107 : i32
        %dma_wait3A_109 = arith.constant 0 : i32
        %dma_wait3A_110 = arith.constant 0 : i32
        %dma_wait3A_111 = tpu.memref_slice %arg6[%dma_wait3A_109, %dma_wait3A_110] : memref<40x64xi32, #tpu.memory_space<vmem>> -> memref<1x64xi32, #tpu.memory_space<vmem>>
        %dma_wait3A_112 = tpu.memref_squeeze %dma_wait3A_111 : memref<1x64xi32, #tpu.memory_space<vmem>> -> memref<64xi32, #tpu.memory_space<vmem>>
        %dma_wait3A_113 = arith.constant 0 : i32
        %dma_wait3A_114 = arith.constant 0 : i32
        %dma_wait3A_115 = tpu.memref_slice %arg2[%dma_wait3A_113, %dma_wait3A_114] : memref<10000x128xf32, #tpu.memory_space<hbm>> -> memref<10000x128xf32, #tpu.memory_space<hbm>>
        tpu.wait_indirect_dma semaphore(%arg14 : memref<!tpu.dma_semaphore, #tpu.memory_space<semaphore_mem>>) src(%dma_wait3A_115 : memref<10000x128xf32, #tpu.memory_space<hbm>>) dst(%arg9 : memref<64x128xf32, #tpu.memory_space<vmem>>)
        %dma_start3A_116 = arith.constant 0 : i32
        %dma_start3A_117 = tpu.memref_slice %arg7[%add3A_108, %dma_start3A_116] : memref<40x64xi32, #tpu.memory_space<vmem>> -> memref<1x64xi32, #tpu.memory_space<vmem>>
        %dma_start3A_118 = tpu.memref_squeeze %dma_start3A_117 : memref<1x64xi32, #tpu.memory_space<vmem>> -> memref<64xi32, #tpu.memory_space<vmem>>
        %dma_start3A_119 = arith.constant 0 : i32
        %dma_start3A_120 = arith.constant 0 : i32
        %dma_start3A_121 = tpu.memref_slice %arg12[%dma_start3A_119, %dma_start3A_120] : memref<10112x128xf32, #tpu.memory_space<vmem_shared>> -> memref<10112x128xf32, #tpu.memory_space<vmem_shared>>
        tpu.enqueue_indirect_dma source(%arg9 : memref<64x128xf32, #tpu.memory_space<vmem>>) target(%dma_start3A_121 : memref<10112x128xf32, #tpu.memory_space<vmem_shared>>) offsets(%dma_start3A_118 : memref<64xi32, #tpu.memory_space<vmem>>) semaphore(%arg18 : memref<!tpu.dma_semaphore, #tpu.memory_space<semaphore_mem>>) {add = true}
        %ge3A_122 = arith.constant 2 : i32
        %ge3A_123 = arith.cmpi sge, %add3A_108, %ge3A_122 : i32
        %convert_element_type3A_124 = arith.extui %ge3A_123 : i1 to i32
        %cond3A_125 = arith.constant 0 : i32
        %cond3A_126 = arith.cmpi ne, %convert_element_type3A_124, %cond3A_125 : i32
        scf.if %cond3A_126 {
          %dma_wait3A_192 = arith.constant 0 : i32
          %dma_wait3A_193 = arith.constant 0 : i32
          %dma_wait3A_194 = tpu.memref_slice %arg7[%dma_wait3A_192, %dma_wait3A_193] : memref<40x64xi32, #tpu.memory_space<vmem>> -> memref<1x64xi32, #tpu.memory_space<vmem>>
          %dma_wait3A_195 = tpu.memref_squeeze %dma_wait3A_194 : memref<1x64xi32, #tpu.memory_space<vmem>> -> memref<64xi32, #tpu.memory_space<vmem>>
          %dma_wait3A_196 = arith.constant 0 : i32
          %dma_wait3A_197 = arith.constant 0 : i32
          %dma_wait3A_198 = tpu.memref_slice %arg12[%dma_wait3A_196, %dma_wait3A_197] : memref<10112x128xf32, #tpu.memory_space<vmem_shared>> -> memref<10112x128xf32, #tpu.memory_space<vmem_shared>>
          tpu.wait_indirect_dma semaphore(%arg20 : memref<!tpu.dma_semaphore, #tpu.memory_space<semaphore_mem>>) src(%arg11 : memref<64x128xf32, #tpu.memory_space<vmem>>) dst(%dma_wait3A_198 : memref<10112x128xf32, #tpu.memory_space<vmem_shared>>)
        } else {
        }
        %add3A_127 = arith.constant 2 : i32
        %add3A_128 = arith.addi %add3A_108, %add3A_127 : i32
        %lt3A_129 = arith.constant 40 : i32
        %lt3A_130 = arith.cmpi slt, %add3A_128, %lt3A_129 : i32
        %convert_element_type3A_131 = arith.extui %lt3A_130 : i1 to i32
        %cond3A_132 = arith.constant 0 : i32
        %cond3A_133 = arith.cmpi ne, %convert_element_type3A_131, %cond3A_132 : i32
        scf.if %cond3A_133 {
          %add3A_192 = arith.constant 2 : i32
          %add3A_193 = arith.addi %add3A_108, %add3A_192 : i32
          %dma_start3A_194 = arith.constant 0 : i32
          %dma_start3A_195 = tpu.memref_slice %arg6[%add3A_193, %dma_start3A_194] : memref<40x64xi32, #tpu.memory_space<vmem>> -> memref<1x64xi32, #tpu.memory_space<vmem>>
          %dma_start3A_196 = tpu.memref_squeeze %dma_start3A_195 : memref<1x64xi32, #tpu.memory_space<vmem>> -> memref<64xi32, #tpu.memory_space<vmem>>
          %dma_start3A_197 = arith.constant 0 : i32
          %dma_start3A_198 = arith.constant 0 : i32
          %dma_start3A_199 = tpu.memref_slice %arg2[%dma_start3A_197, %dma_start3A_198] : memref<10000x128xf32, #tpu.memory_space<hbm>> -> memref<10000x128xf32, #tpu.memory_space<hbm>>
          tpu.enqueue_indirect_dma source(%dma_start3A_199 : memref<10000x128xf32, #tpu.memory_space<hbm>>) target(%arg11 : memref<64x128xf32, #tpu.memory_space<vmem>>) offsets(%dma_start3A_196 : memref<64xi32, #tpu.memory_space<vmem>>) semaphore(%arg16 : memref<!tpu.dma_semaphore, #tpu.memory_space<semaphore_mem>>)
        } else {
        }
        %mul3A_134 = arith.constant 4 : i32
        %mul3A_135 = arith.muli %add3A_79, %mul3A_134 : i32
        %add3A_136 = arith.constant 2 : i32
        %add3A_137 = arith.addi %mul3A_135, %add3A_136 : i32
        %dma_wait3A_138 = arith.constant 0 : i32
        %dma_wait3A_139 = arith.constant 0 : i32
        %dma_wait3A_140 = tpu.memref_slice %arg6[%dma_wait3A_138, %dma_wait3A_139] : memref<40x64xi32, #tpu.memory_space<vmem>> -> memref<1x64xi32, #tpu.memory_space<vmem>>
        %dma_wait3A_141 = tpu.memref_squeeze %dma_wait3A_140 : memref<1x64xi32, #tpu.memory_space<vmem>> -> memref<64xi32, #tpu.memory_space<vmem>>
        %dma_wait3A_142 = arith.constant 0 : i32
        %dma_wait3A_143 = arith.constant 0 : i32
        %dma_wait3A_144 = tpu.memref_slice %arg2[%dma_wait3A_142, %dma_wait3A_143] : memref<10000x128xf32, #tpu.memory_space<hbm>> -> memref<10000x128xf32, #tpu.memory_space<hbm>>
        tpu.wait_indirect_dma semaphore(%arg15 : memref<!tpu.dma_semaphore, #tpu.memory_space<semaphore_mem>>) src(%dma_wait3A_144 : memref<10000x128xf32, #tpu.memory_space<hbm>>) dst(%arg10 : memref<64x128xf32, #tpu.memory_space<vmem>>)
        %dma_start3A_145 = arith.constant 0 : i32
        %dma_start3A_146 = tpu.memref_slice %arg7[%add3A_137, %dma_start3A_145] : memref<40x64xi32, #tpu.memory_space<vmem>> -> memref<1x64xi32, #tpu.memory_space<vmem>>
        %dma_start3A_147 = tpu.memref_squeeze %dma_start3A_146 : memref<1x64xi32, #tpu.memory_space<vmem>> -> memref<64xi32, #tpu.memory_space<vmem>>
        %dma_start3A_148 = arith.constant 0 : i32
        %dma_start3A_149 = arith.constant 0 : i32
        %dma_start3A_150 = tpu.memref_slice %arg12[%dma_start3A_148, %dma_start3A_149] : memref<10112x128xf32, #tpu.memory_space<vmem_shared>> -> memref<10112x128xf32, #tpu.memory_space<vmem_shared>>
        tpu.enqueue_indirect_dma source(%arg10 : memref<64x128xf32, #tpu.memory_space<vmem>>) target(%dma_start3A_150 : memref<10112x128xf32, #tpu.memory_space<vmem_shared>>) offsets(%dma_start3A_147 : memref<64xi32, #tpu.memory_space<vmem>>) semaphore(%arg19 : memref<!tpu.dma_semaphore, #tpu.memory_space<semaphore_mem>>) {add = true}
        %ge3A_151 = arith.constant 2 : i32
        %ge3A_152 = arith.cmpi sge, %add3A_137, %ge3A_151 : i32
        %convert_element_type3A_153 = arith.extui %ge3A_152 : i1 to i32
        %cond3A_154 = arith.constant 0 : i32
        %cond3A_155 = arith.cmpi ne, %convert_element_type3A_153, %cond3A_154 : i32
        scf.if %cond3A_155 {
          %dma_wait3A_192 = arith.constant 0 : i32
          %dma_wait3A_193 = arith.constant 0 : i32
          %dma_wait3A_194 = tpu.memref_slice %arg7[%dma_wait3A_192, %dma_wait3A_193] : memref<40x64xi32, #tpu.memory_space<vmem>> -> memref<1x64xi32, #tpu.memory_space<vmem>>
          %dma_wait3A_195 = tpu.memref_squeeze %dma_wait3A_194 : memref<1x64xi32, #tpu.memory_space<vmem>> -> memref<64xi32, #tpu.memory_space<vmem>>
          %dma_wait3A_196 = arith.constant 0 : i32
          %dma_wait3A_197 = arith.constant 0 : i32
          %dma_wait3A_198 = tpu.memref_slice %arg12[%dma_wait3A_196, %dma_wait3A_197] : memref<10112x128xf32, #tpu.memory_space<vmem_shared>> -> memref<10112x128xf32, #tpu.memory_space<vmem_shared>>
          tpu.wait_indirect_dma semaphore(%arg17 : memref<!tpu.dma_semaphore, #tpu.memory_space<semaphore_mem>>) src(%arg8 : memref<64x128xf32, #tpu.memory_space<vmem>>) dst(%dma_wait3A_198 : memref<10112x128xf32, #tpu.memory_space<vmem_shared>>)
        } else {
        }
        %add3A_156 = arith.constant 2 : i32
        %add3A_157 = arith.addi %add3A_137, %add3A_156 : i32
        %lt3A_158 = arith.constant 40 : i32
        %lt3A_159 = arith.cmpi slt, %add3A_157, %lt3A_158 : i32
        %convert_element_type3A_160 = arith.extui %lt3A_159 : i1 to i32
        %cond3A_161 = arith.constant 0 : i32
        %cond3A_162 = arith.cmpi ne, %convert_element_type3A_160, %cond3A_161 : i32
        scf.if %cond3A_162 {
          %add3A_192 = arith.constant 2 : i32
          %add3A_193 = arith.addi %add3A_137, %add3A_192 : i32
          %dma_start3A_194 = arith.constant 0 : i32
          %dma_start3A_195 = tpu.memref_slice %arg6[%add3A_193, %dma_start3A_194] : memref<40x64xi32, #tpu.memory_space<vmem>> -> memref<1x64xi32, #tpu.memory_space<vmem>>
          %dma_start3A_196 = tpu.memref_squeeze %dma_start3A_195 : memref<1x64xi32, #tpu.memory_space<vmem>> -> memref<64xi32, #tpu.memory_space<vmem>>
          %dma_start3A_197 = arith.constant 0 : i32
          %dma_start3A_198 = arith.constant 0 : i32
          %dma_start3A_199 = tpu.memref_slice %arg2[%dma_start3A_197, %dma_start3A_198] : memref<10000x128xf32, #tpu.memory_space<hbm>> -> memref<10000x128xf32, #tpu.memory_space<hbm>>
          tpu.enqueue_indirect_dma source(%dma_start3A_199 : memref<10000x128xf32, #tpu.memory_space<hbm>>) target(%arg8 : memref<64x128xf32, #tpu.memory_space<vmem>>) offsets(%dma_start3A_196 : memref<64xi32, #tpu.memory_space<vmem>>) semaphore(%arg13 : memref<!tpu.dma_semaphore, #tpu.memory_space<semaphore_mem>>)
        } else {
        }
        %mul3A_163 = arith.constant 4 : i32
        %mul3A_164 = arith.muli %add3A_79, %mul3A_163 : i32
        %add3A_165 = arith.constant 3 : i32
        %add3A_166 = arith.addi %mul3A_164, %add3A_165 : i32
        %dma_wait3A_167 = arith.constant 0 : i32
        %dma_wait3A_168 = arith.constant 0 : i32
        %dma_wait3A_169 = tpu.memref_slice %arg6[%dma_wait3A_167, %dma_wait3A_168] : memref<40x64xi32, #tpu.memory_space<vmem>> -> memref<1x64xi32, #tpu.memory_space<vmem>>
        %dma_wait3A_170 = tpu.memref_squeeze %dma_wait3A_169 : memref<1x64xi32, #tpu.memory_space<vmem>> -> memref<64xi32, #tpu.memory_space<vmem>>
        %dma_wait3A_171 = arith.constant 0 : i32
        %dma_wait3A_172 = arith.constant 0 : i32
        %dma_wait3A_173 = tpu.memref_slice %arg2[%dma_wait3A_171, %dma_wait3A_172] : memref<10000x128xf32, #tpu.memory_space<hbm>> -> memref<10000x128xf32, #tpu.memory_space<hbm>>
        tpu.wait_indirect_dma semaphore(%arg16 : memref<!tpu.dma_semaphore, #tpu.memory_space<semaphore_mem>>) src(%dma_wait3A_173 : memref<10000x128xf32, #tpu.memory_space<hbm>>) dst(%arg11 : memref<64x128xf32, #tpu.memory_space<vmem>>)
        %dma_start3A_174 = arith.constant 0 : i32
        %dma_start3A_175 = tpu.memref_slice %arg7[%add3A_166, %dma_start3A_174] : memref<40x64xi32, #tpu.memory_space<vmem>> -> memref<1x64xi32, #tpu.memory_space<vmem>>
        %dma_start3A_176 = tpu.memref_squeeze %dma_start3A_175 : memref<1x64xi32, #tpu.memory_space<vmem>> -> memref<64xi32, #tpu.memory_space<vmem>>
        %dma_start3A_177 = arith.constant 0 : i32
        %dma_start3A_178 = arith.constant 0 : i32
        %dma_start3A_179 = tpu.memref_slice %arg12[%dma_start3A_177, %dma_start3A_178] : memref<10112x128xf32, #tpu.memory_space<vmem_shared>> -> memref<10112x128xf32, #tpu.memory_space<vmem_shared>>
        tpu.enqueue_indirect_dma source(%arg11 : memref<64x128xf32, #tpu.memory_space<vmem>>) target(%dma_start3A_179 : memref<10112x128xf32, #tpu.memory_space<vmem_shared>>) offsets(%dma_start3A_176 : memref<64xi32, #tpu.memory_space<vmem>>) semaphore(%arg20 : memref<!tpu.dma_semaphore, #tpu.memory_space<semaphore_mem>>) {add = true}
        %ge3A_180 = arith.constant 2 : i32
        %ge3A_181 = arith.cmpi sge, %add3A_166, %ge3A_180 : i32
        %convert_element_type3A_182 = arith.extui %ge3A_181 : i1 to i32
        %cond3A_183 = arith.constant 0 : i32
        %cond3A_184 = arith.cmpi ne, %convert_element_type3A_182, %cond3A_183 : i32
        scf.if %cond3A_184 {
          %dma_wait3A_192 = arith.constant 0 : i32
          %dma_wait3A_193 = arith.constant 0 : i32
          %dma_wait3A_194 = tpu.memref_slice %arg7[%dma_wait3A_192, %dma_wait3A_193] : memref<40x64xi32, #tpu.memory_space<vmem>> -> memref<1x64xi32, #tpu.memory_space<vmem>>
          %dma_wait3A_195 = tpu.memref_squeeze %dma_wait3A_194 : memref<1x64xi32, #tpu.memory_space<vmem>> -> memref<64xi32, #tpu.memory_space<vmem>>
          %dma_wait3A_196 = arith.constant 0 : i32
          %dma_wait3A_197 = arith.constant 0 : i32
          %dma_wait3A_198 = tpu.memref_slice %arg12[%dma_wait3A_196, %dma_wait3A_197] : memref<10112x128xf32, #tpu.memory_space<vmem_shared>> -> memref<10112x128xf32, #tpu.memory_space<vmem_shared>>
          tpu.wait_indirect_dma semaphore(%arg18 : memref<!tpu.dma_semaphore, #tpu.memory_space<semaphore_mem>>) src(%arg9 : memref<64x128xf32, #tpu.memory_space<vmem>>) dst(%dma_wait3A_198 : memref<10112x128xf32, #tpu.memory_space<vmem_shared>>)
        } else {
        }
        %add3A_185 = arith.constant 2 : i32
        %add3A_186 = arith.addi %add3A_166, %add3A_185 : i32
        %lt3A_187 = arith.constant 40 : i32
        %lt3A_188 = arith.cmpi slt, %add3A_186, %lt3A_187 : i32
        %convert_element_type3A_189 = arith.extui %lt3A_188 : i1 to i32
        %cond3A_190 = arith.constant 0 : i32
        %cond3A_191 = arith.cmpi ne, %convert_element_type3A_189, %cond3A_190 : i32
        scf.if %cond3A_191 {
          %add3A_192 = arith.constant 2 : i32
          %add3A_193 = arith.addi %add3A_166, %add3A_192 : i32
          %dma_start3A_194 = arith.constant 0 : i32
          %dma_start3A_195 = tpu.memref_slice %arg6[%add3A_193, %dma_start3A_194] : memref<40x64xi32, #tpu.memory_space<vmem>> -> memref<1x64xi32, #tpu.memory_space<vmem>>
          %dma_start3A_196 = tpu.memref_squeeze %dma_start3A_195 : memref<1x64xi32, #tpu.memory_space<vmem>> -> memref<64xi32, #tpu.memory_space<vmem>>
          %dma_start3A_197 = arith.constant 0 : i32
          %dma_start3A_198 = arith.constant 0 : i32
          %dma_start3A_199 = tpu.memref_slice %arg2[%dma_start3A_197, %dma_start3A_198] : memref<10000x128xf32, #tpu.memory_space<hbm>> -> memref<10000x128xf32, #tpu.memory_space<hbm>>
          tpu.enqueue_indirect_dma source(%dma_start3A_199 : memref<10000x128xf32, #tpu.memory_space<hbm>>) target(%arg9 : memref<64x128xf32, #tpu.memory_space<vmem>>) offsets(%dma_start3A_196 : memref<64xi32, #tpu.memory_space<vmem>>) semaphore(%arg14 : memref<!tpu.dma_semaphore, #tpu.memory_space<semaphore_mem>>)
        } else {
        }
      }
      %scan3A_61 = arith.constant 10 : i32
      %dma_wait3A = arith.constant 0 : i32
      %dma_wait3A_62 = arith.constant 0 : i32
      %dma_wait3A_63 = tpu.memref_slice %arg7[%dma_wait3A, %dma_wait3A_62] : memref<40x64xi32, #tpu.memory_space<vmem>> -> memref<1x64xi32, #tpu.memory_space<vmem>>
      %dma_wait3A_64 = tpu.memref_squeeze %dma_wait3A_63 : memref<1x64xi32, #tpu.memory_space<vmem>> -> memref<64xi32, #tpu.memory_space<vmem>>
      %dma_wait3A_65 = arith.constant 0 : i32
      %dma_wait3A_66 = arith.constant 0 : i32
      %dma_wait3A_67 = tpu.memref_slice %arg12[%dma_wait3A_65, %dma_wait3A_66] : memref<10112x128xf32, #tpu.memory_space<vmem_shared>> -> memref<10112x128xf32, #tpu.memory_space<vmem_shared>>
      tpu.wait_indirect_dma semaphore(%arg19 : memref<!tpu.dma_semaphore, #tpu.memory_space<semaphore_mem>>) src(%arg10 : memref<64x128xf32, #tpu.memory_space<vmem>>) dst(%dma_wait3A_67 : memref<10112x128xf32, #tpu.memory_space<vmem_shared>>)
      %dma_wait3A_68 = arith.constant 0 : i32
      %dma_wait3A_69 = arith.constant 0 : i32
      %dma_wait3A_70 = tpu.memref_slice %arg7[%dma_wait3A_68, %dma_wait3A_69] : memref<40x64xi32, #tpu.memory_space<vmem>> -> memref<1x64xi32, #tpu.memory_space<vmem>>
      %dma_wait3A_71 = tpu.memref_squeeze %dma_wait3A_70 : memref<1x64xi32, #tpu.memory_space<vmem>> -> memref<64xi32, #tpu.memory_space<vmem>>
      %dma_wait3A_72 = arith.constant 0 : i32
      %dma_wait3A_73 = arith.constant 0 : i32
      %dma_wait3A_74 = tpu.memref_slice %arg12[%dma_wait3A_72, %dma_wait3A_73] : memref<10112x128xf32, #tpu.memory_space<vmem_shared>> -> memref<10112x128xf32, #tpu.memory_space<vmem_shared>>
      tpu.wait_indirect_dma semaphore(%arg20 : memref<!tpu.dma_semaphore, #tpu.memory_space<semaphore_mem>>) src(%arg11 : memref<64x128xf32, #tpu.memory_space<vmem>>) dst(%dma_wait3A_74 : memref<10112x128xf32, #tpu.memory_space<vmem_shared>>)
    }
    %while3A_36 = arith.constant 1 : i32
    scf.for %while3A_38 = %while3A_34 to %while3A_30 step %while3A_36  : i32 {
      %mul3A_39 = arith.muli %while3A_38, %while3A : i32
      %add3A_40 = arith.addi %while3A_27, %mul3A_39 : i32
      %mul3A_41 = arith.constant 40 : i32
      %mul3A_42 = arith.muli %add3A_40, %mul3A_41 : i32
      %add3A_43 = arith.addi %select_n3A, %mul3A_42 : i32
      "tpu.region"() ({
        %run_scoped3A = tpu.sem_alloc : memref<!tpu.dma_semaphore, #tpu.memory_space<semaphore_mem>>
        %dma_start3A_75 = arith.constant 0 : i32
        %dma_start3A_76 = tpu.memref_slice %arg3[%arg1, %add3A_43, %dma_start3A_75] : memref<16x320x64xi32, #tpu.memory_space<hbm>> -> memref<1x40x64xi32, #tpu.memory_space<hbm>>
        %dma_start3A_77 = tpu.memref_squeeze %dma_start3A_76 : memref<1x40x64xi32, #tpu.memory_space<hbm>> -> memref<40x64xi32, #tpu.memory_space<hbm>>
        %dma_start3A_78 = arith.constant 0 : i32
        %dma_start3A_79 = tpu.memref_slice %arg3[%arg1, %add3A_43, %dma_start3A_78] : memref<16x320x64xi32, #tpu.memory_space<hbm>> -> memref<1x40x64xi32, #tpu.memory_space<hbm>>
        %dma_start3A_80 = tpu.memref_squeeze %dma_start3A_79 : memref<1x40x64xi32, #tpu.memory_space<hbm>> -> memref<40x64xi32, #tpu.memory_space<hbm>>
        tpu.enqueue_dma source(%dma_start3A_80 : memref<40x64xi32, #tpu.memory_space<hbm>>) target(%arg6 : memref<40x64xi32, #tpu.memory_space<vmem>>) target_semaphore(%run_scoped3A : memref<!tpu.dma_semaphore, #tpu.memory_space<semaphore_mem>>)
        %dma_wait3A_81 = arith.constant 0 : i32
        %dma_wait3A_82 = tpu.memref_slice %arg3[%arg1, %add3A_43, %dma_wait3A_81] : memref<16x320x64xi32, #tpu.memory_space<hbm>> -> memref<1x40x64xi32, #tpu.memory_space<hbm>>
        %dma_wait3A_83 = tpu.memref_squeeze %dma_wait3A_82 : memref<1x40x64xi32, #tpu.memory_space<hbm>> -> memref<40x64xi32, #tpu.memory_space<hbm>>
        %dma_wait3A_84 = arith.constant 0 : i32
        %dma_wait3A_85 = tpu.memref_slice %arg3[%arg1, %add3A_43, %dma_wait3A_84] : memref<16x320x64xi32, #tpu.memory_space<hbm>> -> memref<1x40x64xi32, #tpu.memory_space<hbm>>
        %dma_wait3A_86 = tpu.memref_squeeze %dma_wait3A_85 : memref<1x40x64xi32, #tpu.memory_space<hbm>> -> memref<40x64xi32, #tpu.memory_space<hbm>>
        tpu.wait_dma2 semaphore(%run_scoped3A : memref<!tpu.dma_semaphore, #tpu.memory_space<semaphore_mem>>) src(%dma_wait3A_86 : memref<40x64xi32, #tpu.memory_space<hbm>>) dst(%arg6 : memref<40x64xi32, #tpu.memory_space<vmem>>)
        tpu.yield
      }) : () -> ()
      "tpu.region"() ({
        %run_scoped3A = tpu.sem_alloc : memref<!tpu.dma_semaphore, #tpu.memory_space<semaphore_mem>>
        %dma_start3A_75 = arith.constant 0 : i32
        %dma_start3A_76 = tpu.memref_slice %arg4[%arg1, %add3A_43, %dma_start3A_75] : memref<16x320x64xi32, #tpu.memory_space<hbm>> -> memref<1x40x64xi32, #tpu.memory_space<hbm>>
        %dma_start3A_77 = tpu.memref_squeeze %dma_start3A_76 : memref<1x40x64xi32, #tpu.memory_space<hbm>> -> memref<40x64xi32, #tpu.memory_space<hbm>>
        %dma_start3A_78 = arith.constant 0 : i32
        %dma_start3A_79 = tpu.memref_slice %arg4[%arg1, %add3A_43, %dma_start3A_78] : memref<16x320x64xi32, #tpu.memory_space<hbm>> -> memref<1x40x64xi32, #tpu.memory_space<hbm>>
        %dma_start3A_80 = tpu.memref_squeeze %dma_start3A_79 : memref<1x40x64xi32, #tpu.memory_space<hbm>> -> memref<40x64xi32, #tpu.memory_space<hbm>>
        tpu.enqueue_dma source(%dma_start3A_80 : memref<40x64xi32, #tpu.memory_space<hbm>>) target(%arg7 : memref<40x64xi32, #tpu.memory_space<vmem>>) target_semaphore(%run_scoped3A : memref<!tpu.dma_semaphore, #tpu.memory_space<semaphore_mem>>)
        %dma_wait3A_81 = arith.constant 0 : i32
        %dma_wait3A_82 = tpu.memref_slice %arg4[%arg1, %add3A_43, %dma_wait3A_81] : memref<16x320x64xi32, #tpu.memory_space<hbm>> -> memref<1x40x64xi32, #tpu.memory_space<hbm>>
        %dma_wait3A_83 = tpu.memref_squeeze %dma_wait3A_82 : memref<1x40x64xi32, #tpu.memory_space<hbm>> -> memref<40x64xi32, #tpu.memory_space<hbm>>
        %dma_wait3A_84 = arith.constant 0 : i32
        %dma_wait3A_85 = tpu.memref_slice %arg4[%arg1, %add3A_43, %dma_wait3A_84] : memref<16x320x64xi32, #tpu.memory_space<hbm>> -> memref<1x40x64xi32, #tpu.memory_space<hbm>>
        %dma_wait3A_86 = tpu.memref_squeeze %dma_wait3A_85 : memref<1x40x64xi32, #tpu.memory_space<hbm>> -> memref<40x64xi32, #tpu.memory_space<hbm>>
        tpu.wait_dma2 semaphore(%run_scoped3A : memref<!tpu.dma_semaphore, #tpu.memory_space<semaphore_mem>>) src(%dma_wait3A_86 : memref<40x64xi32, #tpu.memory_space<hbm>>) dst(%arg7 : memref<40x64xi32, #tpu.memory_space<vmem>>)
        tpu.yield
      }) : () -> ()
      %dma_start3A = arith.constant 0 : i32
      %dma_start3A_44 = arith.constant 0 : i32
      %dma_start3A_45 = tpu.memref_slice %arg6[%dma_start3A, %dma_start3A_44] : memref<40x64xi32, #tpu.memory_space<vmem>> -> memref<1x64xi32, #tpu.memory_space<vmem>>
      %dma_start3A_46 = tpu.memref_squeeze %dma_start3A_45 : memref<1x64xi32, #tpu.memory_space<vmem>> -> memref<64xi32, #tpu.memory_space<vmem>>
      %dma_start3A_47 = arith.constant 0 : i32
      %dma_start3A_48 = arith.constant 0 : i32
      %dma_start3A_49 = tpu.memref_slice %arg2[%dma_start3A_47, %dma_start3A_48] : memref<10000x128xf32, #tpu.memory_space<hbm>> -> memref<10000x128xf32, #tpu.memory_space<hbm>>
      tpu.enqueue_indirect_dma source(%dma_start3A_49 : memref<10000x128xf32, #tpu.memory_space<hbm>>) target(%arg8 : memref<64x128xf32, #tpu.memory_space<vmem>>) offsets(%dma_start3A_46 : memref<64xi32, #tpu.memory_space<vmem>>) semaphore(%arg13 : memref<!tpu.dma_semaphore, #tpu.memory_space<semaphore_mem>>)
      %dma_start3A_50 = arith.constant 1 : i32
      %dma_start3A_51 = arith.constant 0 : i32
      %dma_start3A_52 = tpu.memref_slice %arg6[%dma_start3A_50, %dma_start3A_51] : memref<40x64xi32, #tpu.memory_space<vmem>> -> memref<1x64xi32, #tpu.memory_space<vmem>>
      %dma_start3A_53 = tpu.memref_squeeze %dma_start3A_52 : memref<1x64xi32, #tpu.memory_space<vmem>> -> memref<64xi32, #tpu.memory_space<vmem>>
      %dma_start3A_54 = arith.constant 0 : i32
      %dma_start3A_55 = arith.constant 0 : i32
      %dma_start3A_56 = tpu.memref_slice %arg2[%dma_start3A_54, %dma_start3A_55] : memref<10000x128xf32, #tpu.memory_space<hbm>> -> memref<10000x128xf32, #tpu.memory_space<hbm>>
      tpu.enqueue_indirect_dma source(%dma_start3A_56 : memref<10000x128xf32, #tpu.memory_space<hbm>>) target(%arg9 : memref<64x128xf32, #tpu.memory_space<vmem>>) offsets(%dma_start3A_53 : memref<64xi32, #tpu.memory_space<vmem>>) semaphore(%arg14 : memref<!tpu.dma_semaphore, #tpu.memory_space<semaphore_mem>>)
      %scan3A_57 = arith.constant 0 : i32
      %scan3A_58 = arith.constant 10 : i32
      %scan3A_59 = arith.addi %scan3A_57, %scan3A_58 : i32
      %scan3A_60 = arith.constant 1 : i32
      scf.for %scan3A_75 = %scan3A_57 to %scan3A_59 step %scan3A_60  : i32 {
        %mul3A_76 = arith.constant 1 : i32
        %mul3A_77 = arith.muli %scan3A_75, %mul3A_76 : i32
        %add3A_78 = arith.constant 0 : i32
        %add3A_79 = arith.addi %add3A_78, %mul3A_77 : i32
        %mul3A_80 = arith.constant 4 : i32
        %mul3A_81 = arith.muli %add3A_79, %mul3A_80 : i32
        %add3A_82 = arith.constant 0 : i32
        %add3A_83 = arith.addi %mul3A_81, %add3A_82 : i32
        %dma_wait3A_84 = arith.constant 0 : i32
        %dma_wait3A_85 = arith.constant 0 : i32
        %dma_wait3A_86 = tpu.memref_slice %arg6[%dma_wait3A_84, %dma_wait3A_85] : memref<40x64xi32, #tpu.memory_space<vmem>> -> memref<1x64xi32, #tpu.memory_space<vmem>>
        %dma_wait3A_87 = tpu.memref_squeeze %dma_wait3A_86 : memref<1x64xi32, #tpu.memory_space<vmem>> -> memref<64xi32, #tpu.memory_space<vmem>>
        %dma_wait3A_88 = arith.constant 0 : i32
        %dma_wait3A_89 = arith.constant 0 : i32
        %dma_wait3A_90 = tpu.memref_slice %arg2[%dma_wait3A_88, %dma_wait3A_89] : memref<10000x128xf32, #tpu.memory_space<hbm>> -> memref<10000x128xf32, #tpu.memory_space<hbm>>
        tpu.wait_indirect_dma semaphore(%arg13 : memref<!tpu.dma_semaphore, #tpu.memory_space<semaphore_mem>>) src(%dma_wait3A_90 : memref<10000x128xf32, #tpu.memory_space<hbm>>) dst(%arg8 : memref<64x128xf32, #tpu.memory_space<vmem>>)
        %dma_start3A_91 = arith.constant 0 : i32
        %dma_start3A_92 = tpu.memref_slice %arg7[%add3A_83, %dma_start3A_91] : memref<40x64xi32, #tpu.memory_space<vmem>> -> memref<1x64xi32, #tpu.memory_space<vmem>>
        %dma_start3A_93 = tpu.memref_squeeze %dma_start3A_92 : memref<1x64xi32, #tpu.memory_space<vmem>> -> memref<64xi32, #tpu.memory_space<vmem>>
        %dma_start3A_94 = arith.constant 0 : i32
        %dma_start3A_95 = arith.constant 0 : i32
        %dma_start3A_96 = tpu.memref_slice %arg12[%dma_start3A_94, %dma_start3A_95] : memref<10112x128xf32, #tpu.memory_space<vmem_shared>> -> memref<10112x128xf32, #tpu.memory_space<vmem_shared>>
        tpu.enqueue_indirect_dma source(%arg8 : memref<64x128xf32, #tpu.memory_space<vmem>>) target(%dma_start3A_96 : memref<10112x128xf32, #tpu.memory_space<vmem_shared>>) offsets(%dma_start3A_93 : memref<64xi32, #tpu.memory_space<vmem>>) semaphore(%arg17 : memref<!tpu.dma_semaphore, #tpu.memory_space<semaphore_mem>>) {add = true}
        %ge3A = arith.constant 2 : i32
        %ge3A_97 = arith.cmpi sge, %add3A_83, %ge3A : i32
        %convert_element_type3A = arith.extui %ge3A_97 : i1 to i32
        %cond3A = arith.constant 0 : i32
        %cond3A_98 = arith.cmpi ne, %convert_element_type3A, %cond3A : i32
        scf.if %cond3A_98 {
          %dma_wait3A_192 = arith.constant 0 : i32
          %dma_wait3A_193 = arith.constant 0 : i32
          %dma_wait3A_194 = tpu.memref_slice %arg7[%dma_wait3A_192, %dma_wait3A_193] : memref<40x64xi32, #tpu.memory_space<vmem>> -> memref<1x64xi32, #tpu.memory_space<vmem>>
          %dma_wait3A_195 = tpu.memref_squeeze %dma_wait3A_194 : memref<1x64xi32, #tpu.memory_space<vmem>> -> memref<64xi32, #tpu.memory_space<vmem>>
          %dma_wait3A_196 = arith.constant 0 : i32
          %dma_wait3A_197 = arith.constant 0 : i32
          %dma_wait3A_198 = tpu.memref_slice %arg12[%dma_wait3A_196, %dma_wait3A_197] : memref<10112x128xf32, #tpu.memory_space<vmem_shared>> -> memref<10112x128xf32, #tpu.memory_space<vmem_shared>>
          tpu.wait_indirect_dma semaphore(%arg19 : memref<!tpu.dma_semaphore, #tpu.memory_space<semaphore_mem>>) src(%arg10 : memref<64x128xf32, #tpu.memory_space<vmem>>) dst(%dma_wait3A_198 : memref<10112x128xf32, #tpu.memory_space<vmem_shared>>)
        } else {
        }
        %add3A_99 = arith.constant 2 : i32
        %add3A_100 = arith.addi %add3A_83, %add3A_99 : i32
        %lt3A = arith.constant 40 : i32
        %lt3A_101 = arith.cmpi slt, %add3A_100, %lt3A : i32
        %convert_element_type3A_102 = arith.extui %lt3A_101 : i1 to i32
        %cond3A_103 = arith.constant 0 : i32
        %cond3A_104 = arith.cmpi ne, %convert_element_type3A_102, %cond3A_103 : i32
        scf.if %cond3A_104 {
          %add3A_192 = arith.constant 2 : i32
          %add3A_193 = arith.addi %add3A_83, %add3A_192 : i32
          %dma_start3A_194 = arith.constant 0 : i32
          %dma_start3A_195 = tpu.memref_slice %arg6[%add3A_193, %dma_start3A_194] : memref<40x64xi32, #tpu.memory_space<vmem>> -> memref<1x64xi32, #tpu.memory_space<vmem>>
          %dma_start3A_196 = tpu.memref_squeeze %dma_start3A_195 : memref<1x64xi32, #tpu.memory_space<vmem>> -> memref<64xi32, #tpu.memory_space<vmem>>
          %dma_start3A_197 = arith.constant 0 : i32
          %dma_start3A_198 = arith.constant 0 : i32
          %dma_start3A_199 = tpu.memref_slice %arg2[%dma_start3A_197, %dma_start3A_198] : memref<10000x128xf32, #tpu.memory_space<hbm>> -> memref<10000x128xf32, #tpu.memory_space<hbm>>
          tpu.enqueue_indirect_dma source(%dma_start3A_199 : memref<10000x128xf32, #tpu.memory_space<hbm>>) target(%arg10 : memref<64x128xf32, #tpu.memory_space<vmem>>) offsets(%dma_start3A_196 : memref<64xi32, #tpu.memory_space<vmem>>) semaphore(%arg15 : memref<!tpu.dma_semaphore, #tpu.memory_space<semaphore_mem>>)
        } else {
        }
        %mul3A_105 = arith.constant 4 : i32
        %mul3A_106 = arith.muli %add3A_79, %mul3A_105 : i32
        %add3A_107 = arith.constant 1 : i32
        %add3A_108 = arith.addi %mul3A_106, %add3A_107 : i32
        %dma_wait3A_109 = arith.constant 0 : i32
        %dma_wait3A_110 = arith.constant 0 : i32
        %dma_wait3A_111 = tpu.memref_slice %arg6[%dma_wait3A_109, %dma_wait3A_110] : memref<40x64xi32, #tpu.memory_space<vmem>> -> memref<1x64xi32, #tpu.memory_space<vmem>>
        %dma_wait3A_112 = tpu.memref_squeeze %dma_wait3A_111 : memref<1x64xi32, #tpu.memory_space<vmem>> -> memref<64xi32, #tpu.memory_space<vmem>>
        %dma_wait3A_113 = arith.constant 0 : i32
        %dma_wait3A_114 = arith.constant 0 : i32
        %dma_wait3A_115 = tpu.memref_slice %arg2[%dma_wait3A_113, %dma_wait3A_114] : memref<10000x128xf32, #tpu.memory_space<hbm>> -> memref<10000x128xf32, #tpu.memory_space<hbm>>
        tpu.wait_indirect_dma semaphore(%arg14 : memref<!tpu.dma_semaphore, #tpu.memory_space<semaphore_mem>>) src(%dma_wait3A_115 : memref<10000x128xf32, #tpu.memory_space<hbm>>) dst(%arg9 : memref<64x128xf32, #tpu.memory_space<vmem>>)
        %dma_start3A_116 = arith.constant 0 : i32
        %dma_start3A_117 = tpu.memref_slice %arg7[%add3A_108, %dma_start3A_116] : memref<40x64xi32, #tpu.memory_space<vmem>> -> memref<1x64xi32, #tpu.memory_space<vmem>>
        %dma_start3A_118 = tpu.memref_squeeze %dma_start3A_117 : memref<1x64xi32, #tpu.memory_space<vmem>> -> memref<64xi32, #tpu.memory_space<vmem>>
        %dma_start3A_119 = arith.constant 0 : i32
        %dma_start3A_120 = arith.constant 0 : i32
        %dma_start3A_121 = tpu.memref_slice %arg12[%dma_start3A_119, %dma_start3A_120] : memref<10112x128xf32, #tpu.memory_space<vmem_shared>> -> memref<10112x128xf32, #tpu.memory_space<vmem_shared>>
        tpu.enqueue_indirect_dma source(%arg9 : memref<64x128xf32, #tpu.memory_space<vmem>>) target(%dma_start3A_121 : memref<10112x128xf32, #tpu.memory_space<vmem_shared>>) offsets(%dma_start3A_118 : memref<64xi32, #tpu.memory_space<vmem>>) semaphore(%arg18 : memref<!tpu.dma_semaphore, #tpu.memory_space<semaphore_mem>>) {add = true}
        %ge3A_122 = arith.constant 2 : i32
        %ge3A_123 = arith.cmpi sge, %add3A_108, %ge3A_122 : i32
        %convert_element_type3A_124 = arith.extui %ge3A_123 : i1 to i32
        %cond3A_125 = arith.constant 0 : i32
        %cond3A_126 = arith.cmpi ne, %convert_element_type3A_124, %cond3A_125 : i32
        scf.if %cond3A_126 {
          %dma_wait3A_192 = arith.constant 0 : i32
          %dma_wait3A_193 = arith.constant 0 : i32
          %dma_wait3A_194 = tpu.memref_slice %arg7[%dma_wait3A_192, %dma_wait3A_193] : memref<40x64xi32, #tpu.memory_space<vmem>> -> memref<1x64xi32, #tpu.memory_space<vmem>>
          %dma_wait3A_195 = tpu.memref_squeeze %dma_wait3A_194 : memref<1x64xi32, #tpu.memory_space<vmem>> -> memref<64xi32, #tpu.memory_space<vmem>>
          %dma_wait3A_196 = arith.constant 0 : i32
          %dma_wait3A_197 = arith.constant 0 : i32
          %dma_wait3A_198 = tpu.memref_slice %arg12[%dma_wait3A_196, %dma_wait3A_197] : memref<10112x128xf32, #tpu.memory_space<vmem_shared>> -> memref<10112x128xf32, #tpu.memory_space<vmem_shared>>
          tpu.wait_indirect_dma semaphore(%arg20 : memref<!tpu.dma_semaphore, #tpu.memory_space<semaphore_mem>>) src(%arg11 : memref<64x128xf32, #tpu.memory_space<vmem>>) dst(%dma_wait3A_198 : memref<10112x128xf32, #tpu.memory_space<vmem_shared>>)
        } else {
        }
        %add3A_127 = arith.constant 2 : i32
        %add3A_128 = arith.addi %add3A_108, %add3A_127 : i32
        %lt3A_129 = arith.constant 40 : i32
        %lt3A_130 = arith.cmpi slt, %add3A_128, %lt3A_129 : i32
        %convert_element_type3A_131 = arith.extui %lt3A_130 : i1 to i32
        %cond3A_132 = arith.constant 0 : i32
        %cond3A_133 = arith.cmpi ne, %convert_element_type3A_131, %cond3A_132 : i32
        scf.if %cond3A_133 {
          %add3A_192 = arith.constant 2 : i32
          %add3A_193 = arith.addi %add3A_108, %add3A_192 : i32
          %dma_start3A_194 = arith.constant 0 : i32
          %dma_start3A_195 = tpu.memref_slice %arg6[%add3A_193, %dma_start3A_194] : memref<40x64xi32, #tpu.memory_space<vmem>> -> memref<1x64xi32, #tpu.memory_space<vmem>>
          %dma_start3A_196 = tpu.memref_squeeze %dma_start3A_195 : memref<1x64xi32, #tpu.memory_space<vmem>> -> memref<64xi32, #tpu.memory_space<vmem>>
          %dma_start3A_197 = arith.constant 0 : i32
          %dma_start3A_198 = arith.constant 0 : i32
          %dma_start3A_199 = tpu.memref_slice %arg2[%dma_start3A_197, %dma_start3A_198] : memref<10000x128xf32, #tpu.memory_space<hbm>> -> memref<10000x128xf32, #tpu.memory_space<hbm>>
          tpu.enqueue_indirect_dma source(%dma_start3A_199 : memref<10000x128xf32, #tpu.memory_space<hbm>>) target(%arg11 : memref<64x128xf32, #tpu.memory_space<vmem>>) offsets(%dma_start3A_196 : memref<64xi32, #tpu.memory_space<vmem>>) semaphore(%arg16 : memref<!tpu.dma_semaphore, #tpu.memory_space<semaphore_mem>>)
        } else {
        }
        %mul3A_134 = arith.constant 4 : i32
        %mul3A_135 = arith.muli %add3A_79, %mul3A_134 : i32
        %add3A_136 = arith.constant 2 : i32
        %add3A_137 = arith.addi %mul3A_135, %add3A_136 : i32
        %dma_wait3A_138 = arith.constant 0 : i32
        %dma_wait3A_139 = arith.constant 0 : i32
        %dma_wait3A_140 = tpu.memref_slice %arg6[%dma_wait3A_138, %dma_wait3A_139] : memref<40x64xi32, #tpu.memory_space<vmem>> -> memref<1x64xi32, #tpu.memory_space<vmem>>
        %dma_wait3A_141 = tpu.memref_squeeze %dma_wait3A_140 : memref<1x64xi32, #tpu.memory_space<vmem>> -> memref<64xi32, #tpu.memory_space<vmem>>
        %dma_wait3A_142 = arith.constant 0 : i32
        %dma_wait3A_143 = arith.constant 0 : i32
        %dma_wait3A_144 = tpu.memref_slice %arg2[%dma_wait3A_142, %dma_wait3A_143] : memref<10000x128xf32, #tpu.memory_space<hbm>> -> memref<10000x128xf32, #tpu.memory_space<hbm>>
        tpu.wait_indirect_dma semaphore(%arg15 : memref<!tpu.dma_semaphore, #tpu.memory_space<semaphore_mem>>) src(%dma_wait3A_144 : memref<10000x128xf32, #tpu.memory_space<hbm>>) dst(%arg10 : memref<64x128xf32, #tpu.memory_space<vmem>>)
        %dma_start3A_145 = arith.constant 0 : i32
        %dma_start3A_146 = tpu.memref_slice %arg7[%add3A_137, %dma_start3A_145] : memref<40x64xi32, #tpu.memory_space<vmem>> -> memref<1x64xi32, #tpu.memory_space<vmem>>
        %dma_start3A_147 = tpu.memref_squeeze %dma_start3A_146 : memref<1x64xi32, #tpu.memory_space<vmem>> -> memref<64xi32, #tpu.memory_space<vmem>>
        %dma_start3A_148 = arith.constant 0 : i32
        %dma_start3A_149 = arith.constant 0 : i32
        %dma_start3A_150 = tpu.memref_slice %arg12[%dma_start3A_148, %dma_start3A_149] : memref<10112x128xf32, #tpu.memory_space<vmem_shared>> -> memref<10112x128xf32, #tpu.memory_space<vmem_shared>>
        tpu.enqueue_indirect_dma source(%arg10 : memref<64x128xf32, #tpu.memory_space<vmem>>) target(%dma_start3A_150 : memref<10112x128xf32, #tpu.memory_space<vmem_shared>>) offsets(%dma_start3A_147 : memref<64xi32, #tpu.memory_space<vmem>>) semaphore(%arg19 : memref<!tpu.dma_semaphore, #tpu.memory_space<semaphore_mem>>) {add = true}
        %ge3A_151 = arith.constant 2 : i32
        %ge3A_152 = arith.cmpi sge, %add3A_137, %ge3A_151 : i32
        %convert_element_type3A_153 = arith.extui %ge3A_152 : i1 to i32
        %cond3A_154 = arith.constant 0 : i32
        %cond3A_155 = arith.cmpi ne, %convert_element_type3A_153, %cond3A_154 : i32
        scf.if %cond3A_155 {
          %dma_wait3A_192 = arith.constant 0 : i32
          %dma_wait3A_193 = arith.constant 0 : i32
          %dma_wait3A_194 = tpu.memref_slice %arg7[%dma_wait3A_192, %dma_wait3A_193] : memref<40x64xi32, #tpu.memory_space<vmem>> -> memref<1x64xi32, #tpu.memory_space<vmem>>
          %dma_wait3A_195 = tpu.memref_squeeze %dma_wait3A_194 : memref<1x64xi32, #tpu.memory_space<vmem>> -> memref<64xi32, #tpu.memory_space<vmem>>
          %dma_wait3A_196 = arith.constant 0 : i32
          %dma_wait3A_197 = arith.constant 0 : i32
          %dma_wait3A_198 = tpu.memref_slice %arg12[%dma_wait3A_196, %dma_wait3A_197] : memref<10112x128xf32, #tpu.memory_space<vmem_shared>> -> memref<10112x128xf32, #tpu.memory_space<vmem_shared>>
          tpu.wait_indirect_dma semaphore(%arg17 : memref<!tpu.dma_semaphore, #tpu.memory_space<semaphore_mem>>) src(%arg8 : memref<64x128xf32, #tpu.memory_space<vmem>>) dst(%dma_wait3A_198 : memref<10112x128xf32, #tpu.memory_space<vmem_shared>>)
        } else {
        }
        %add3A_156 = arith.constant 2 : i32
        %add3A_157 = arith.addi %add3A_137, %add3A_156 : i32
        %lt3A_158 = arith.constant 40 : i32
        %lt3A_159 = arith.cmpi slt, %add3A_157, %lt3A_158 : i32
        %convert_element_type3A_160 = arith.extui %lt3A_159 : i1 to i32
        %cond3A_161 = arith.constant 0 : i32
        %cond3A_162 = arith.cmpi ne, %convert_element_type3A_160, %cond3A_161 : i32
        scf.if %cond3A_162 {
          %add3A_192 = arith.constant 2 : i32
          %add3A_193 = arith.addi %add3A_137, %add3A_192 : i32
          %dma_start3A_194 = arith.constant 0 : i32
          %dma_start3A_195 = tpu.memref_slice %arg6[%add3A_193, %dma_start3A_194] : memref<40x64xi32, #tpu.memory_space<vmem>> -> memref<1x64xi32, #tpu.memory_space<vmem>>
          %dma_start3A_196 = tpu.memref_squeeze %dma_start3A_195 : memref<1x64xi32, #tpu.memory_space<vmem>> -> memref<64xi32, #tpu.memory_space<vmem>>
          %dma_start3A_197 = arith.constant 0 : i32
          %dma_start3A_198 = arith.constant 0 : i32
          %dma_start3A_199 = tpu.memref_slice %arg2[%dma_start3A_197, %dma_start3A_198] : memref<10000x128xf32, #tpu.memory_space<hbm>> -> memref<10000x128xf32, #tpu.memory_space<hbm>>
          tpu.enqueue_indirect_dma source(%dma_start3A_199 : memref<10000x128xf32, #tpu.memory_space<hbm>>) target(%arg8 : memref<64x128xf32, #tpu.memory_space<vmem>>) offsets(%dma_start3A_196 : memref<64xi32, #tpu.memory_space<vmem>>) semaphore(%arg13 : memref<!tpu.dma_semaphore, #tpu.memory_space<semaphore_mem>>)
        } else {
        }
        %mul3A_163 = arith.constant 4 : i32
        %mul3A_164 = arith.muli %add3A_79, %mul3A_163 : i32
        %add3A_165 = arith.constant 3 : i32
        %add3A_166 = arith.addi %mul3A_164, %add3A_165 : i32
        %dma_wait3A_167 = arith.constant 0 : i32
        %dma_wait3A_168 = arith.constant 0 : i32
        %dma_wait3A_169 = tpu.memref_slice %arg6[%dma_wait3A_167, %dma_wait3A_168] : memref<40x64xi32, #tpu.memory_space<vmem>> -> memref<1x64xi32, #tpu.memory_space<vmem>>
        %dma_wait3A_170 = tpu.memref_squeeze %dma_wait3A_169 : memref<1x64xi32, #tpu.memory_space<vmem>> -> memref<64xi32, #tpu.memory_space<vmem>>
        %dma_wait3A_171 = arith.constant 0 : i32
        %dma_wait3A_172 = arith.constant 0 : i32
        %dma_wait3A_173 = tpu.memref_slice %arg2[%dma_wait3A_171, %dma_wait3A_172] : memref<10000x128xf32, #tpu.memory_space<hbm>> -> memref<10000x128xf32, #tpu.memory_space<hbm>>
        tpu.wait_indirect_dma semaphore(%arg16 : memref<!tpu.dma_semaphore, #tpu.memory_space<semaphore_mem>>) src(%dma_wait3A_173 : memref<10000x128xf32, #tpu.memory_space<hbm>>) dst(%arg11 : memref<64x128xf32, #tpu.memory_space<vmem>>)
        %dma_start3A_174 = arith.constant 0 : i32
        %dma_start3A_175 = tpu.memref_slice %arg7[%add3A_166, %dma_start3A_174] : memref<40x64xi32, #tpu.memory_space<vmem>> -> memref<1x64xi32, #tpu.memory_space<vmem>>
        %dma_start3A_176 = tpu.memref_squeeze %dma_start3A_175 : memref<1x64xi32, #tpu.memory_space<vmem>> -> memref<64xi32, #tpu.memory_space<vmem>>
        %dma_start3A_177 = arith.constant 0 : i32
        %dma_start3A_178 = arith.constant 0 : i32
        %dma_start3A_179 = tpu.memref_slice %arg12[%dma_start3A_177, %dma_start3A_178] : memref<10112x128xf32, #tpu.memory_space<vmem_shared>> -> memref<10112x128xf32, #tpu.memory_space<vmem_shared>>
        tpu.enqueue_indirect_dma source(%arg11 : memref<64x128xf32, #tpu.memory_space<vmem>>) target(%dma_start3A_179 : memref<10112x128xf32, #tpu.memory_space<vmem_shared>>) offsets(%dma_start3A_176 : memref<64xi32, #tpu.memory_space<vmem>>) semaphore(%arg20 : memref<!tpu.dma_semaphore, #tpu.memory_space<semaphore_mem>>) {add = true}
        %ge3A_180 = arith.constant 2 : i32
        %ge3A_181 = arith.cmpi sge, %add3A_166, %ge3A_180 : i32
        %convert_element_type3A_182 = arith.extui %ge3A_181 : i1 to i32
        %cond3A_183 = arith.constant 0 : i32
        %cond3A_184 = arith.cmpi ne, %convert_element_type3A_182, %cond3A_183 : i32
        scf.if %cond3A_184 {
          %dma_wait3A_192 = arith.constant 0 : i32
          %dma_wait3A_193 = arith.constant 0 : i32
          %dma_wait3A_194 = tpu.memref_slice %arg7[%dma_wait3A_192, %dma_wait3A_193] : memref<40x64xi32, #tpu.memory_space<vmem>> -> memref<1x64xi32, #tpu.memory_space<vmem>>
          %dma_wait3A_195 = tpu.memref_squeeze %dma_wait3A_194 : memref<1x64xi32, #tpu.memory_space<vmem>> -> memref<64xi32, #tpu.memory_space<vmem>>
          %dma_wait3A_196 = arith.constant 0 : i32
          %dma_wait3A_197 = arith.constant 0 : i32
          %dma_wait3A_198 = tpu.memref_slice %arg12[%dma_wait3A_196, %dma_wait3A_197] : memref<10112x128xf32, #tpu.memory_space<vmem_shared>> -> memref<10112x128xf32, #tpu.memory_space<vmem_shared>>
          tpu.wait_indirect_dma semaphore(%arg18 : memref<!tpu.dma_semaphore, #tpu.memory_space<semaphore_mem>>) src(%arg9 : memref<64x128xf32, #tpu.memory_space<vmem>>) dst(%dma_wait3A_198 : memref<10112x128xf32, #tpu.memory_space<vmem_shared>>)
        } else {
        }
        %add3A_185 = arith.constant 2 : i32
        %add3A_186 = arith.addi %add3A_166, %add3A_185 : i32
        %lt3A_187 = arith.constant 40 : i32
        %lt3A_188 = arith.cmpi slt, %add3A_186, %lt3A_187 : i32
        %convert_element_type3A_189 = arith.extui %lt3A_188 : i1 to i32
        %cond3A_190 = arith.constant 0 : i32
        %cond3A_191 = arith.cmpi ne, %convert_element_type3A_189, %cond3A_190 : i32
        scf.if %cond3A_191 {
          %add3A_192 = arith.constant 2 : i32
          %add3A_193 = arith.addi %add3A_166, %add3A_192 : i32
          %dma_start3A_194 = arith.constant 0 : i32
          %dma_start3A_195 = tpu.memref_slice %arg6[%add3A_193, %dma_start3A_194] : memref<40x64xi32, #tpu.memory_space<vmem>> -> memref<1x64xi32, #tpu.memory_space<vmem>>
          %dma_start3A_196 = tpu.memref_squeeze %dma_start3A_195 : memref<1x64xi32, #tpu.memory_space<vmem>> -> memref<64xi32, #tpu.memory_space<vmem>>
          %dma_start3A_197 = arith.constant 0 : i32
          %dma_start3A_198 = arith.constant 0 : i32
          %dma_start3A_199 = tpu.memref_slice %arg2[%dma_start3A_197, %dma_start3A_198] : memref<10000x128xf32, #tpu.memory_space<hbm>> -> memref<10000x128xf32, #tpu.memory_space<hbm>>
          tpu.enqueue_indirect_dma source(%dma_start3A_199 : memref<10000x128xf32, #tpu.memory_space<hbm>>) target(%arg9 : memref<64x128xf32, #tpu.memory_space<vmem>>) offsets(%dma_start3A_196 : memref<64xi32, #tpu.memory_space<vmem>>) semaphore(%arg14 : memref<!tpu.dma_semaphore, #tpu.memory_space<semaphore_mem>>)
        } else {
        }
      }
      %scan3A_61 = arith.constant 10 : i32
      %dma_wait3A = arith.constant 0 : i32
      %dma_wait3A_62 = arith.constant 0 : i32
      %dma_wait3A_63 = tpu.memref_slice %arg7[%dma_wait3A, %dma_wait3A_62] : memref<40x64xi32, #tpu.memory_space<vmem>> -> memref<1x64xi32, #tpu.memory_space<vmem>>
      %dma_wait3A_64 = tpu.memref_squeeze %dma_wait3A_63 : memref<1x64xi32, #tpu.memory_space<vmem>> -> memref<64xi32, #tpu.memory_space<vmem>>
      %dma_wait3A_65 = arith.constant 0 : i32
      %dma_wait3A_66 = arith.constant 0 : i32
      %dma_wait3A_67 = tpu.memref_slice %arg12[%dma_wait3A_65, %dma_wait3A_66] : memref<10112x128xf32, #tpu.memory_space<vmem_shared>> -> memref<10112x128xf32, #tpu.memory_space<vmem_shared>>
      tpu.wait_indirect_dma semaphore(%arg19 : memref<!tpu.dma_semaphore, #tpu.memory_space<semaphore_mem>>) src(%arg10 : memref<64x128xf32, #tpu.memory_space<vmem>>) dst(%dma_wait3A_67 : memref<10112x128xf32, #tpu.memory_space<vmem_shared>>)
      %dma_wait3A_68 = arith.constant 0 : i32
      %dma_wait3A_69 = arith.constant 0 : i32
      %dma_wait3A_70 = tpu.memref_slice %arg7[%dma_wait3A_68, %dma_wait3A_69] : memref<40x64xi32, #tpu.memory_space<vmem>> -> memref<1x64xi32, #tpu.memory_space<vmem>>
      %dma_wait3A_71 = tpu.memref_squeeze %dma_wait3A_70 : memref<1x64xi32, #tpu.memory_space<vmem>> -> memref<64xi32, #tpu.memory_space<vmem>>
      %dma_wait3A_72 = arith.constant 0 : i32
      %dma_wait3A_73 = arith.constant 0 : i32
      %dma_wait3A_74 = tpu.memref_slice %arg12[%dma_wait3A_72, %dma_wait3A_73] : memref<10112x128xf32, #tpu.memory_space<vmem_shared>> -> memref<10112x128xf32, #tpu.memory_space<vmem_shared>>
      tpu.wait_indirect_dma semaphore(%arg20 : memref<!tpu.dma_semaphore, #tpu.memory_space<semaphore_mem>>) src(%arg11 : memref<64x128xf32, #tpu.memory_space<vmem>>) dst(%dma_wait3A_74 : memref<10112x128xf32, #tpu.memory_space<vmem_shared>>)
    }
    %barrier3A_37 = arith.constant 0 : index
    tpu.barrier barrier_id(%barrier3A_37)
    "tpu.region"() ({
      %run_scoped3A = tpu.sem_alloc : memref<!tpu.dma_semaphore, #tpu.memory_space<semaphore_mem>>
      %dma_start3A = arith.constant 0 : i32
      %dma_start3A_38 = tpu.memref_slice %arg5[%arg0, %mul3A_12, %dma_start3A] : memref<2x10112x128xf32, #tpu.memory_space<hbm>> -> memref<1x632x128xf32, #tpu.memory_space<hbm>>
      %dma_start3A_39 = tpu.memref_squeeze %dma_start3A_38 : memref<1x632x128xf32, #tpu.memory_space<hbm>> -> memref<632x128xf32, #tpu.memory_space<hbm>>
      %dma_start3A_40 = arith.constant 0 : i32
      %dma_start3A_41 = tpu.memref_slice %arg12[%mul3A_12, %dma_start3A_40] : memref<10112x128xf32, #tpu.memory_space<vmem_shared>> -> memref<632x128xf32, #tpu.memory_space<vmem_shared>>
      tpu.enqueue_dma source(%dma_start3A_41 : memref<632x128xf32, #tpu.memory_space<vmem_shared>>) target(%dma_start3A_39 : memref<632x128xf32, #tpu.memory_space<hbm>>) target_semaphore(%run_scoped3A : memref<!tpu.dma_semaphore, #tpu.memory_space<semaphore_mem>>)
      %dma_wait3A = arith.constant 0 : i32
      %dma_wait3A_42 = tpu.memref_slice %arg5[%arg0, %mul3A_12, %dma_wait3A] : memref<2x10112x128xf32, #tpu.memory_space<hbm>> -> memref<1x632x128xf32, #tpu.memory_space<hbm>>
      %dma_wait3A_43 = tpu.memref_squeeze %dma_wait3A_42 : memref<1x632x128xf32, #tpu.memory_space<hbm>> -> memref<632x128xf32, #tpu.memory_space<hbm>>
      %dma_wait3A_44 = arith.constant 0 : i32
      %dma_wait3A_45 = tpu.memref_slice %arg12[%mul3A_12, %dma_wait3A_44] : memref<10112x128xf32, #tpu.memory_space<vmem_shared>> -> memref<632x128xf32, #tpu.memory_space<vmem_shared>>
      tpu.wait_dma2 semaphore(%run_scoped3A : memref<!tpu.dma_semaphore, #tpu.memory_space<semaphore_mem>>) src(%dma_wait3A_45 : memref<632x128xf32, #tpu.memory_space<vmem_shared>>) dst(%dma_wait3A_43 : memref<632x128xf32, #tpu.memory_space<hbm>>)
      tpu.yield
    }) : () -> ()
    return
  }
}

#map = affine_map<(d0, d1) -> (0, 0)>
#map1 = affine_map<(d0, d1) -> (0, 0, 0)>
module attributes {stable_mosaic.version = 14 : i64} {
  func.func @seg_sum(%arg0: i32, %arg1: i32, %arg2: memref<10000x128xf32, #tpu.memory_space<hbm>>, %arg3: memref<16x320x64xi32, #tpu.memory_space<hbm>>, %arg4: memref<16x320x64xi32, #tpu.memory_space<hbm>>, %arg5: memref<2x10112x128xf32, #tpu.memory_space<hbm>>, %arg6: memref<32x10112xf32, #tpu.memory_space<hbm>>, %arg7: memref<16x64xi32, #tpu.memory_space<vmem>>, %arg8: memref<16x64xi32, #tpu.memory_space<vmem>>, %arg9: memref<64x128xf32, #tpu.memory_space<vmem>>, %arg10: memref<64x128xf32, #tpu.memory_space<vmem>>, %arg11: memref<64x128xf32, #tpu.memory_space<vmem>>, %arg12: memref<64x128xf32, #tpu.memory_space<vmem>>, %arg13: memref<10112x128xf32, #tpu.memory_space<vmem_shared>>, %arg14: memref<!tpu.dma_semaphore, #tpu.memory_space<semaphore_mem>>, %arg15: memref<!tpu.dma_semaphore, #tpu.memory_space<semaphore_mem>>, %arg16: memref<!tpu.dma_semaphore, #tpu.memory_space<semaphore_mem>>, %arg17: memref<!tpu.dma_semaphore, #tpu.memory_space<semaphore_mem>>, %arg18: memref<!tpu.dma_semaphore, #tpu.memory_space<semaphore_mem>>, %arg19: memref<!tpu.dma_semaphore, #tpu.memory_space<semaphore_mem>>, %arg20: memref<!tpu.dma_semaphore, #tpu.memory_space<semaphore_mem>>, %arg21: memref<!tpu.dma_semaphore, #tpu.memory_space<semaphore_mem>>, %arg22: memref<10112xf32, #tpu.memory_space<vmem>>) attributes {dimension_semantics = [#tpu.dimension_semantics<core_parallel>, #tpu.dimension_semantics<subcore_parallel>], iteration_bounds = array<i64: 2, 16>, scalar_prefetch = 0 : i64, scratch_operands = 16 : i64, tpu.core_type = #tpu.core_type<sc_vector_subcore>, window_params = [{transform_indices = #map}, {transform_indices = #map1}, {transform_indices = #map1}, {transform_indices = #map1}, {transform_indices = #map}]} {
    %eq3A = arith.constant 0 : i32
    %eq3A_0 = arith.cmpi eq, %arg0, %eq3A : i32
    %jit3A = arith.constant 0 : i32
    %jit3A_1 = arith.constant 240 : i32
    %select_n3A = arith.select %eq3A_0, %jit3A, %jit3A_1 : i32
    %eq3A_2 = arith.constant 0 : i32
    %eq3A_3 = arith.cmpi eq, %arg0, %eq3A_2 : i32
    %jit3A_4 = arith.constant 15 : i32
    %jit3A_5 = arith.constant 5 : i32
    %select_n3A_6 = arith.select %eq3A_3, %jit3A_4, %jit3A_5 : i32
    %broadcast_in_dim3A = arith.constant 0.000000e+00 : f32
    %broadcast_in_dim3A_7 = vector.broadcast %broadcast_in_dim3A : f32 to vector<16xf32>
    %scan3A = arith.constant 0 : i32
    %scan3A_8 = arith.constant 64 : i32
    %scan3A_9 = arith.addi %scan3A, %scan3A_8 : i32
    %scan3A_10 = arith.constant 1 : i32
    scf.for %scan3A_48 = %scan3A to %scan3A_9 step %scan3A_10  : i32 {
      %mul3A_49 = arith.constant 1 : i32
      %mul3A_50 = arith.muli %scan3A_48, %mul3A_49 : i32
      %add3A_51 = arith.constant 0 : i32
      %add3A_52 = arith.addi %add3A_51, %mul3A_50 : i32
      %scan3A_53 = arith.constant 0 : i32
      %scan3A_54 = arith.constant 8 : i32
      %scan3A_55 = arith.addi %scan3A_53, %scan3A_54 : i32
      %scan3A_56 = arith.constant 1 : i32
      scf.for %scan3A_58 = %scan3A_53 to %scan3A_55 step %scan3A_56  : i32 {
        %mul3A_59 = arith.constant 16 : i32
        %mul3A_60 = arith.muli %scan3A_58, %mul3A_59 : i32
        %add3A_61 = arith.constant 0 : i32
        %add3A_62 = arith.addi %add3A_61, %mul3A_60 : i32
        %swap3A = arith.index_cast %add3A_52 : i32 to index
        %swap3A_63 = arith.index_cast %add3A_62 : i32 to index
        %swap3A_64 = tpu.vector_load %arg9[%swap3A, %swap3A_63] {strides = array<i32>} : memref<64x128xf32, #tpu.memory_space<vmem>>, vector<16xf32>,
        tpu.vector_store %arg9[%swap3A, %swap3A_63], %broadcast_in_dim3A_7 {strides = array<i32>} : memref<64x128xf32, #tpu.memory_space<vmem>>, vector<16xf32>,
      }
      %scan3A_57 = arith.constant 8 : i32
    }
    %scan3A_11 = arith.constant 64 : i32
    %mul3A = arith.constant 632 : i32
    %mul3A_12 = arith.muli %arg1, %mul3A : i32
    %scan3A_13 = arith.constant 0 : i32
    %scan3A_14 = arith.constant 9 : i32
    %scan3A_15 = arith.addi %scan3A_13, %scan3A_14 : i32
    %scan3A_16 = arith.constant 1 : i32
    scf.for %scan3A_48 = %scan3A_13 to %scan3A_15 step %scan3A_16  : i32 {
      %mul3A_49 = arith.constant 1 : i32
      %mul3A_50 = arith.muli %scan3A_48, %mul3A_49 : i32
      %add3A_51 = arith.constant 0 : i32
      %add3A_52 = arith.addi %add3A_51, %mul3A_50 : i32
      %mul3A_53 = arith.constant 64 : i32
      %mul3A_54 = arith.muli %add3A_52, %mul3A_53 : i32
      %add3A_55 = arith.addi %mul3A_12, %mul3A_54 : i32
      "tpu.region"() ({
        %run_scoped3A = tpu.sem_alloc : memref<!tpu.dma_semaphore, #tpu.memory_space<semaphore_mem>>
        %dma_start3A = arith.constant 0 : i32
        %dma_start3A_56 = tpu.memref_slice %arg13[%add3A_55, %dma_start3A] : memref<10112x128xf32, #tpu.memory_space<vmem_shared>> -> memref<64x128xf32, #tpu.memory_space<vmem_shared>>
        %dma_start3A_57 = arith.constant 0 : i32
        %dma_start3A_58 = tpu.memref_slice %arg13[%add3A_55, %dma_start3A_57] : memref<10112x128xf32, #tpu.memory_space<vmem_shared>> -> memref<64x128xf32, #tpu.memory_space<vmem_shared>>
        tpu.enqueue_dma source(%arg9 : memref<64x128xf32, #tpu.memory_space<vmem>>) target(%dma_start3A_58 : memref<64x128xf32, #tpu.memory_space<vmem_shared>>) target_semaphore(%run_scoped3A : memref<!tpu.dma_semaphore, #tpu.memory_space<semaphore_mem>>)
        %dma_wait3A = arith.constant 0 : i32
        %dma_wait3A_59 = tpu.memref_slice %arg13[%add3A_55, %dma_wait3A] : memref<10112x128xf32, #tpu.memory_space<vmem_shared>> -> memref<64x128xf32, #tpu.memory_space<vmem_shared>>
        %dma_wait3A_60 = arith.constant 0 : i32
        %dma_wait3A_61 = tpu.memref_slice %arg13[%add3A_55, %dma_wait3A_60] : memref<10112x128xf32, #tpu.memory_space<vmem_shared>> -> memref<64x128xf32, #tpu.memory_space<vmem_shared>>
        tpu.wait_dma2 semaphore(%run_scoped3A : memref<!tpu.dma_semaphore, #tpu.memory_space<semaphore_mem>>) src(%arg9 : memref<64x128xf32, #tpu.memory_space<vmem>>) dst(%dma_wait3A_61 : memref<64x128xf32, #tpu.memory_space<vmem_shared>>)
        tpu.yield
      }) : () -> ()
    }
    %scan3A_17 = arith.constant 9 : i32
    %add3A = arith.constant 576 : i32
    %add3A_18 = arith.addi %mul3A_12, %add3A : i32
    "tpu.region"() ({
      %run_scoped3A = tpu.sem_alloc : memref<!tpu.dma_semaphore, #tpu.memory_space<semaphore_mem>>
      %dma_start3A = arith.constant 0 : i32
      %dma_start3A_48 = arith.constant 0 : i32
      %dma_start3A_49 = tpu.memref_slice %arg9[%dma_start3A, %dma_start3A_48] : memref<64x128xf32, #tpu.memory_space<vmem>> -> memref<56x128xf32, #tpu.memory_space<vmem>>
      %dma_start3A_50 = arith.constant 0 : i32
      %dma_start3A_51 = tpu.memref_slice %arg13[%add3A_18, %dma_start3A_50] : memref<10112x128xf32, #tpu.memory_space<vmem_shared>> -> memref<56x128xf32, #tpu.memory_space<vmem_shared>>
      %dma_start3A_52 = arith.constant 0 : i32
      %dma_start3A_53 = tpu.memref_slice %arg13[%add3A_18, %dma_start3A_52] : memref<10112x128xf32, #tpu.memory_space<vmem_shared>> -> memref<56x128xf32, #tpu.memory_space<vmem_shared>>
      %dma_start3A_54 = arith.constant 0 : i32
      %dma_start3A_55 = arith.constant 0 : i32
      %dma_start3A_56 = tpu.memref_slice %arg9[%dma_start3A_54, %dma_start3A_55] : memref<64x128xf32, #tpu.memory_space<vmem>> -> memref<56x128xf32, #tpu.memory_space<vmem>>
      tpu.enqueue_dma source(%dma_start3A_56 : memref<56x128xf32, #tpu.memory_space<vmem>>) target(%dma_start3A_53 : memref<56x128xf32, #tpu.memory_space<vmem_shared>>) target_semaphore(%run_scoped3A : memref<!tpu.dma_semaphore, #tpu.memory_space<semaphore_mem>>)
      %dma_wait3A = arith.constant 0 : i32
      %dma_wait3A_57 = arith.constant 0 : i32
      %dma_wait3A_58 = tpu.memref_slice %arg9[%dma_wait3A, %dma_wait3A_57] : memref<64x128xf32, #tpu.memory_space<vmem>> -> memref<56x128xf32, #tpu.memory_space<vmem>>
      %dma_wait3A_59 = arith.constant 0 : i32
      %dma_wait3A_60 = tpu.memref_slice %arg13[%add3A_18, %dma_wait3A_59] : memref<10112x128xf32, #tpu.memory_space<vmem_shared>> -> memref<56x128xf32, #tpu.memory_space<vmem_shared>>
      %dma_wait3A_61 = arith.constant 0 : i32
      %dma_wait3A_62 = tpu.memref_slice %arg13[%add3A_18, %dma_wait3A_61] : memref<10112x128xf32, #tpu.memory_space<vmem_shared>> -> memref<56x128xf32, #tpu.memory_space<vmem_shared>>
      %dma_wait3A_63 = arith.constant 0 : i32
      %dma_wait3A_64 = arith.constant 0 : i32
      %dma_wait3A_65 = tpu.memref_slice %arg9[%dma_wait3A_63, %dma_wait3A_64] : memref<64x128xf32, #tpu.memory_space<vmem>> -> memref<56x128xf32, #tpu.memory_space<vmem>>
      tpu.wait_dma2 semaphore(%run_scoped3A : memref<!tpu.dma_semaphore, #tpu.memory_space<semaphore_mem>>) src(%dma_wait3A_65 : memref<56x128xf32, #tpu.memory_space<vmem>>) dst(%dma_wait3A_62 : memref<56x128xf32, #tpu.memory_space<vmem_shared>>)
      tpu.yield
    }) : () -> ()
    %broadcast_in_dim3A_19 = arith.constant 0.000000e+00 : f32
    %broadcast_in_dim3A_20 = vector.broadcast %broadcast_in_dim3A_19 : f32 to vector<16xf32>
    %scan3A_21 = arith.constant 0 : i32
    %scan3A_22 = arith.constant 632 : i32
    %scan3A_23 = arith.addi %scan3A_21, %scan3A_22 : i32
    %scan3A_24 = arith.constant 1 : i32
    scf.for %scan3A_48 = %scan3A_21 to %scan3A_23 step %scan3A_24  : i32 {
      %mul3A_49 = arith.constant 16 : i32
      %mul3A_50 = arith.muli %scan3A_48, %mul3A_49 : i32
      %add3A_51 = arith.constant 0 : i32
      %add3A_52 = arith.addi %add3A_51, %mul3A_50 : i32
      %swap3A = arith.index_cast %add3A_52 : i32 to index
      %swap3A_53 = tpu.vector_load %arg22[%swap3A] {strides = array<i32>} : memref<10112xf32, #tpu.memory_space<vmem>>, vector<16xf32>,
      tpu.vector_store %arg22[%swap3A], %broadcast_in_dim3A_20 {strides = array<i32>} : memref<10112xf32, #tpu.memory_space<vmem>>, vector<16xf32>,
    }
    %scan3A_25 = arith.constant 632 : i32
    %broadcast_in_dim3A_26 = arith.constant 1.000000e+00 : f32
    %broadcast_in_dim3A_27 = vector.broadcast %broadcast_in_dim3A_26 : f32 to vector<16xf32>
    %barrier3A = arith.constant 0 : index
    tpu.barrier barrier_id(%barrier3A)
    %sub3A = arith.constant 0 : i32
    %sub3A_28 = arith.subi %select_n3A_6, %sub3A : i32
    %sub3A_29 = arith.constant 1 : i32
    %sub3A_30 = arith.constant 1 : i32
    %sub3A_31 = arith.subi %sub3A_29, %sub3A_30 : i32
    %add3A_32 = arith.addi %sub3A_28, %sub3A_31 : i32
    %div3A = arith.constant 1 : i32
    %div3A_33 = arith.divsi %add3A_32, %div3A : i32
    %while3A = arith.constant 1 : i32
    %while3A_34 = arith.constant 0 : i32
    %while3A_35 = arith.constant 0 : i32
    %while3A_36 = arith.subi %div3A_33, %while3A_35 : i32
    %while3A_37 = arith.addi %while3A_35, %while3A_36 : i32
    %while3A_38 = arith.constant 1 : i32
    %while3A_39 = arith.divsi %while3A_36, %while3A_38 : i32
    %while3A_40 = arith.muli %while3A_39, %while3A_38 : i32
    %while3A_41 = arith.addi %while3A_35, %while3A_40 : i32
    %while3A_42 = arith.constant 1 : i32
    scf.for %while3A_48 = %while3A_35 to %while3A_41 step %while3A_42  : i32 {
      %mul3A_49 = arith.muli %while3A_48, %while3A : i32
      %add3A_50 = arith.addi %while3A_34, %mul3A_49 : i32
      %mul3A_51 = arith.constant 16 : i32
      %mul3A_52 = arith.muli %add3A_50, %mul3A_51 : i32
      %add3A_53 = arith.addi %select_n3A, %mul3A_52 : i32
      "tpu.region"() ({
        %run_scoped3A = tpu.sem_alloc : memref<!tpu.dma_semaphore, #tpu.memory_space<semaphore_mem>>
        %dma_start3A_85 = arith.constant 0 : i32
        %dma_start3A_86 = tpu.memref_slice %arg3[%arg1, %add3A_53, %dma_start3A_85] : memref<16x320x64xi32, #tpu.memory_space<hbm>> -> memref<1x16x64xi32, #tpu.memory_space<hbm>>
        %dma_start3A_87 = tpu.memref_squeeze %dma_start3A_86 : memref<1x16x64xi32, #tpu.memory_space<hbm>> -> memref<16x64xi32, #tpu.memory_space<hbm>>
        %dma_start3A_88 = arith.constant 0 : i32
        %dma_start3A_89 = tpu.memref_slice %arg3[%arg1, %add3A_53, %dma_start3A_88] : memref<16x320x64xi32, #tpu.memory_space<hbm>> -> memref<1x16x64xi32, #tpu.memory_space<hbm>>
        %dma_start3A_90 = tpu.memref_squeeze %dma_start3A_89 : memref<1x16x64xi32, #tpu.memory_space<hbm>> -> memref<16x64xi32, #tpu.memory_space<hbm>>
        tpu.enqueue_dma source(%dma_start3A_90 : memref<16x64xi32, #tpu.memory_space<hbm>>) target(%arg7 : memref<16x64xi32, #tpu.memory_space<vmem>>) target_semaphore(%run_scoped3A : memref<!tpu.dma_semaphore, #tpu.memory_space<semaphore_mem>>)
        %dma_wait3A_91 = arith.constant 0 : i32
        %dma_wait3A_92 = tpu.memref_slice %arg3[%arg1, %add3A_53, %dma_wait3A_91] : memref<16x320x64xi32, #tpu.memory_space<hbm>> -> memref<1x16x64xi32, #tpu.memory_space<hbm>>
        %dma_wait3A_93 = tpu.memref_squeeze %dma_wait3A_92 : memref<1x16x64xi32, #tpu.memory_space<hbm>> -> memref<16x64xi32, #tpu.memory_space<hbm>>
        %dma_wait3A_94 = arith.constant 0 : i32
        %dma_wait3A_95 = tpu.memref_slice %arg3[%arg1, %add3A_53, %dma_wait3A_94] : memref<16x320x64xi32, #tpu.memory_space<hbm>> -> memref<1x16x64xi32, #tpu.memory_space<hbm>>
        %dma_wait3A_96 = tpu.memref_squeeze %dma_wait3A_95 : memref<1x16x64xi32, #tpu.memory_space<hbm>> -> memref<16x64xi32, #tpu.memory_space<hbm>>
        tpu.wait_dma2 semaphore(%run_scoped3A : memref<!tpu.dma_semaphore, #tpu.memory_space<semaphore_mem>>) src(%dma_wait3A_96 : memref<16x64xi32, #tpu.memory_space<hbm>>) dst(%arg7 : memref<16x64xi32, #tpu.memory_space<vmem>>)
        tpu.yield
      }) : () -> ()
      "tpu.region"() ({
        %run_scoped3A = tpu.sem_alloc : memref<!tpu.dma_semaphore, #tpu.memory_space<semaphore_mem>>
        %dma_start3A_85 = arith.constant 0 : i32
        %dma_start3A_86 = tpu.memref_slice %arg4[%arg1, %add3A_53, %dma_start3A_85] : memref<16x320x64xi32, #tpu.memory_space<hbm>> -> memref<1x16x64xi32, #tpu.memory_space<hbm>>
        %dma_start3A_87 = tpu.memref_squeeze %dma_start3A_86 : memref<1x16x64xi32, #tpu.memory_space<hbm>> -> memref<16x64xi32, #tpu.memory_space<hbm>>
        %dma_start3A_88 = arith.constant 0 : i32
        %dma_start3A_89 = tpu.memref_slice %arg4[%arg1, %add3A_53, %dma_start3A_88] : memref<16x320x64xi32, #tpu.memory_space<hbm>> -> memref<1x16x64xi32, #tpu.memory_space<hbm>>
        %dma_start3A_90 = tpu.memref_squeeze %dma_start3A_89 : memref<1x16x64xi32, #tpu.memory_space<hbm>> -> memref<16x64xi32, #tpu.memory_space<hbm>>
        tpu.enqueue_dma source(%dma_start3A_90 : memref<16x64xi32, #tpu.memory_space<hbm>>) target(%arg8 : memref<16x64xi32, #tpu.memory_space<vmem>>) target_semaphore(%run_scoped3A : memref<!tpu.dma_semaphore, #tpu.memory_space<semaphore_mem>>)
        %dma_wait3A_91 = arith.constant 0 : i32
        %dma_wait3A_92 = tpu.memref_slice %arg4[%arg1, %add3A_53, %dma_wait3A_91] : memref<16x320x64xi32, #tpu.memory_space<hbm>> -> memref<1x16x64xi32, #tpu.memory_space<hbm>>
        %dma_wait3A_93 = tpu.memref_squeeze %dma_wait3A_92 : memref<1x16x64xi32, #tpu.memory_space<hbm>> -> memref<16x64xi32, #tpu.memory_space<hbm>>
        %dma_wait3A_94 = arith.constant 0 : i32
        %dma_wait3A_95 = tpu.memref_slice %arg4[%arg1, %add3A_53, %dma_wait3A_94] : memref<16x320x64xi32, #tpu.memory_space<hbm>> -> memref<1x16x64xi32, #tpu.memory_space<hbm>>
        %dma_wait3A_96 = tpu.memref_squeeze %dma_wait3A_95 : memref<1x16x64xi32, #tpu.memory_space<hbm>> -> memref<16x64xi32, #tpu.memory_space<hbm>>
        tpu.wait_dma2 semaphore(%run_scoped3A : memref<!tpu.dma_semaphore, #tpu.memory_space<semaphore_mem>>) src(%dma_wait3A_96 : memref<16x64xi32, #tpu.memory_space<hbm>>) dst(%arg8 : memref<16x64xi32, #tpu.memory_space<vmem>>)
        tpu.yield
      }) : () -> ()
      %dma_start3A = arith.constant 0 : i32
      %dma_start3A_54 = arith.constant 0 : i32
      %dma_start3A_55 = tpu.memref_slice %arg7[%dma_start3A, %dma_start3A_54] : memref<16x64xi32, #tpu.memory_space<vmem>> -> memref<1x64xi32, #tpu.memory_space<vmem>>
      %dma_start3A_56 = tpu.memref_squeeze %dma_start3A_55 : memref<1x64xi32, #tpu.memory_space<vmem>> -> memref<64xi32, #tpu.memory_space<vmem>>
      %dma_start3A_57 = arith.constant 0 : i32
      %dma_start3A_58 = arith.constant 0 : i32
      %dma_start3A_59 = tpu.memref_slice %arg2[%dma_start3A_57, %dma_start3A_58] : memref<10000x128xf32, #tpu.memory_space<hbm>> -> memref<10000x128xf32, #tpu.memory_space<hbm>>
      tpu.enqueue_indirect_dma source(%dma_start3A_59 : memref<10000x128xf32, #tpu.memory_space<hbm>>) target(%arg9 : memref<64x128xf32, #tpu.memory_space<vmem>>) offsets(%dma_start3A_56 : memref<64xi32, #tpu.memory_space<vmem>>) semaphore(%arg14 : memref<!tpu.dma_semaphore, #tpu.memory_space<semaphore_mem>>)
      %dma_start3A_60 = arith.constant 1 : i32
      %dma_start3A_61 = arith.constant 0 : i32
      %dma_start3A_62 = tpu.memref_slice %arg7[%dma_start3A_60, %dma_start3A_61] : memref<16x64xi32, #tpu.memory_space<vmem>> -> memref<1x64xi32, #tpu.memory_space<vmem>>
      %dma_start3A_63 = tpu.memref_squeeze %dma_start3A_62 : memref<1x64xi32, #tpu.memory_space<vmem>> -> memref<64xi32, #tpu.memory_space<vmem>>
      %dma_start3A_64 = arith.constant 0 : i32
      %dma_start3A_65 = arith.constant 0 : i32
      %dma_start3A_66 = tpu.memref_slice %arg2[%dma_start3A_64, %dma_start3A_65] : memref<10000x128xf32, #tpu.memory_space<hbm>> -> memref<10000x128xf32, #tpu.memory_space<hbm>>
      tpu.enqueue_indirect_dma source(%dma_start3A_66 : memref<10000x128xf32, #tpu.memory_space<hbm>>) target(%arg10 : memref<64x128xf32, #tpu.memory_space<vmem>>) offsets(%dma_start3A_63 : memref<64xi32, #tpu.memory_space<vmem>>) semaphore(%arg15 : memref<!tpu.dma_semaphore, #tpu.memory_space<semaphore_mem>>)
      %scan3A_67 = arith.constant 0 : i32
      %scan3A_68 = arith.constant 4 : i32
      %scan3A_69 = arith.addi %scan3A_67, %scan3A_68 : i32
      %scan3A_70 = arith.constant 1 : i32
      scf.for %scan3A_85 = %scan3A_67 to %scan3A_69 step %scan3A_70  : i32 {
        %mul3A_86 = arith.constant 1 : i32
        %mul3A_87 = arith.muli %scan3A_85, %mul3A_86 : i32
        %add3A_88 = arith.constant 0 : i32
        %add3A_89 = arith.addi %add3A_88, %mul3A_87 : i32
        %mul3A_90 = arith.constant 4 : i32
        %mul3A_91 = arith.muli %add3A_89, %mul3A_90 : i32
        %add3A_92 = arith.constant 0 : i32
        %add3A_93 = arith.addi %mul3A_91, %add3A_92 : i32
        %dma_wait3A_94 = arith.constant 0 : i32
        %dma_wait3A_95 = arith.constant 0 : i32
        %dma_wait3A_96 = tpu.memref_slice %arg7[%dma_wait3A_94, %dma_wait3A_95] : memref<16x64xi32, #tpu.memory_space<vmem>> -> memref<1x64xi32, #tpu.memory_space<vmem>>
        %dma_wait3A_97 = tpu.memref_squeeze %dma_wait3A_96 : memref<1x64xi32, #tpu.memory_space<vmem>> -> memref<64xi32, #tpu.memory_space<vmem>>
        %dma_wait3A_98 = arith.constant 0 : i32
        %dma_wait3A_99 = arith.constant 0 : i32
        %dma_wait3A_100 = tpu.memref_slice %arg2[%dma_wait3A_98, %dma_wait3A_99] : memref<10000x128xf32, #tpu.memory_space<hbm>> -> memref<10000x128xf32, #tpu.memory_space<hbm>>
        tpu.wait_indirect_dma semaphore(%arg14 : memref<!tpu.dma_semaphore, #tpu.memory_space<semaphore_mem>>) src(%dma_wait3A_100 : memref<10000x128xf32, #tpu.memory_space<hbm>>) dst(%arg9 : memref<64x128xf32, #tpu.memory_space<vmem>>)
        %dma_start3A_101 = arith.constant 0 : i32
        %dma_start3A_102 = tpu.memref_slice %arg8[%add3A_93, %dma_start3A_101] : memref<16x64xi32, #tpu.memory_space<vmem>> -> memref<1x64xi32, #tpu.memory_space<vmem>>
        %dma_start3A_103 = tpu.memref_squeeze %dma_start3A_102 : memref<1x64xi32, #tpu.memory_space<vmem>> -> memref<64xi32, #tpu.memory_space<vmem>>
        %dma_start3A_104 = arith.constant 0 : i32
        %dma_start3A_105 = arith.constant 0 : i32
        %dma_start3A_106 = tpu.memref_slice %arg13[%dma_start3A_104, %dma_start3A_105] : memref<10112x128xf32, #tpu.memory_space<vmem_shared>> -> memref<10112x128xf32, #tpu.memory_space<vmem_shared>>
        tpu.enqueue_indirect_dma source(%arg9 : memref<64x128xf32, #tpu.memory_space<vmem>>) target(%dma_start3A_106 : memref<10112x128xf32, #tpu.memory_space<vmem_shared>>) offsets(%dma_start3A_103 : memref<64xi32, #tpu.memory_space<vmem>>) semaphore(%arg18 : memref<!tpu.dma_semaphore, #tpu.memory_space<semaphore_mem>>) {add = true}
        %scan3A_107 = arith.constant 0 : i32
        %scan3A_108 = arith.constant 4 : i32
        %scan3A_109 = arith.addi %scan3A_107, %scan3A_108 : i32
        %scan3A_110 = arith.constant 1 : i32
        scf.for %scan3A_222 = %scan3A_107 to %scan3A_109 step %scan3A_110  : i32 {
          %mul3A_223 = arith.constant 16 : i32
          %mul3A_224 = arith.muli %scan3A_222, %mul3A_223 : i32
          %add3A_225 = arith.constant 0 : i32
          %add3A_226 = arith.addi %add3A_225, %mul3A_224 : i32
          %get3A = arith.index_cast %add3A_93 : i32 to index
          %get3A_227 = arith.index_cast %add3A_226 : i32 to index
          %get3A_228 = tpu.vector_load %arg8[%get3A, %get3A_227] {strides = array<i32>} : memref<16x64xi32, #tpu.memory_space<vmem>>, vector<16xi32>,
          tpu.vector_store_idx %arg22[%get3A_228], %broadcast_in_dim3A_27 {add = true} : memref<10112xf32, #tpu.memory_space<vmem>>[vector<16xi32>], vector<16xf32>,
        }
        %scan3A_111 = arith.constant 4 : i32
        %ge3A = arith.constant 2 : i32
        %ge3A_112 = arith.cmpi sge, %add3A_93, %ge3A : i32
        %convert_element_type3A = arith.extui %ge3A_112 : i1 to i32
        %cond3A = arith.constant 0 : i32
        %cond3A_113 = arith.cmpi ne, %convert_element_type3A, %cond3A : i32
        scf.if %cond3A_113 {
          %dma_wait3A_222 = arith.constant 0 : i32
          %dma_wait3A_223 = arith.constant 0 : i32
          %dma_wait3A_224 = tpu.memref_slice %arg8[%dma_wait3A_222, %dma_wait3A_223] : memref<16x64xi32, #tpu.memory_space<vmem>> -> memref<1x64xi32, #tpu.memory_space<vmem>>
          %dma_wait3A_225 = tpu.memref_squeeze %dma_wait3A_224 : memref<1x64xi32, #tpu.memory_space<vmem>> -> memref<64xi32, #tpu.memory_space<vmem>>
          %dma_wait3A_226 = arith.constant 0 : i32
          %dma_wait3A_227 = arith.constant 0 : i32
          %dma_wait3A_228 = tpu.memref_slice %arg13[%dma_wait3A_226, %dma_wait3A_227] : memref<10112x128xf32, #tpu.memory_space<vmem_shared>> -> memref<10112x128xf32, #tpu.memory_space<vmem_shared>>
          tpu.wait_indirect_dma semaphore(%arg20 : memref<!tpu.dma_semaphore, #tpu.memory_space<semaphore_mem>>) src(%arg11 : memref<64x128xf32, #tpu.memory_space<vmem>>) dst(%dma_wait3A_228 : memref<10112x128xf32, #tpu.memory_space<vmem_shared>>)
        } else {
        }
        %add3A_114 = arith.constant 2 : i32
        %add3A_115 = arith.addi %add3A_93, %add3A_114 : i32
        %lt3A = arith.constant 16 : i32
        %lt3A_116 = arith.cmpi slt, %add3A_115, %lt3A : i32
        %convert_element_type3A_117 = arith.extui %lt3A_116 : i1 to i32
        %cond3A_118 = arith.constant 0 : i32
        %cond3A_119 = arith.cmpi ne, %convert_element_type3A_117, %cond3A_118 : i32
        scf.if %cond3A_119 {
          %add3A_222 = arith.constant 2 : i32
          %add3A_223 = arith.addi %add3A_93, %add3A_222 : i32
          %dma_start3A_224 = arith.constant 0 : i32
          %dma_start3A_225 = tpu.memref_slice %arg7[%add3A_223, %dma_start3A_224] : memref<16x64xi32, #tpu.memory_space<vmem>> -> memref<1x64xi32, #tpu.memory_space<vmem>>
          %dma_start3A_226 = tpu.memref_squeeze %dma_start3A_225 : memref<1x64xi32, #tpu.memory_space<vmem>> -> memref<64xi32, #tpu.memory_space<vmem>>
          %dma_start3A_227 = arith.constant 0 : i32
          %dma_start3A_228 = arith.constant 0 : i32
          %dma_start3A_229 = tpu.memref_slice %arg2[%dma_start3A_227, %dma_start3A_228] : memref<10000x128xf32, #tpu.memory_space<hbm>> -> memref<10000x128xf32, #tpu.memory_space<hbm>>
          tpu.enqueue_indirect_dma source(%dma_start3A_229 : memref<10000x128xf32, #tpu.memory_space<hbm>>) target(%arg11 : memref<64x128xf32, #tpu.memory_space<vmem>>) offsets(%dma_start3A_226 : memref<64xi32, #tpu.memory_space<vmem>>) semaphore(%arg16 : memref<!tpu.dma_semaphore, #tpu.memory_space<semaphore_mem>>)
        } else {
        }
        %mul3A_120 = arith.constant 4 : i32
        %mul3A_121 = arith.muli %add3A_89, %mul3A_120 : i32
        %add3A_122 = arith.constant 1 : i32
        %add3A_123 = arith.addi %mul3A_121, %add3A_122 : i32
        %dma_wait3A_124 = arith.constant 0 : i32
        %dma_wait3A_125 = arith.constant 0 : i32
        %dma_wait3A_126 = tpu.memref_slice %arg7[%dma_wait3A_124, %dma_wait3A_125] : memref<16x64xi32, #tpu.memory_space<vmem>> -> memref<1x64xi32, #tpu.memory_space<vmem>>
        %dma_wait3A_127 = tpu.memref_squeeze %dma_wait3A_126 : memref<1x64xi32, #tpu.memory_space<vmem>> -> memref<64xi32, #tpu.memory_space<vmem>>
        %dma_wait3A_128 = arith.constant 0 : i32
        %dma_wait3A_129 = arith.constant 0 : i32
        %dma_wait3A_130 = tpu.memref_slice %arg2[%dma_wait3A_128, %dma_wait3A_129] : memref<10000x128xf32, #tpu.memory_space<hbm>> -> memref<10000x128xf32, #tpu.memory_space<hbm>>
        tpu.wait_indirect_dma semaphore(%arg15 : memref<!tpu.dma_semaphore, #tpu.memory_space<semaphore_mem>>) src(%dma_wait3A_130 : memref<10000x128xf32, #tpu.memory_space<hbm>>) dst(%arg10 : memref<64x128xf32, #tpu.memory_space<vmem>>)
        %dma_start3A_131 = arith.constant 0 : i32
        %dma_start3A_132 = tpu.memref_slice %arg8[%add3A_123, %dma_start3A_131] : memref<16x64xi32, #tpu.memory_space<vmem>> -> memref<1x64xi32, #tpu.memory_space<vmem>>
        %dma_start3A_133 = tpu.memref_squeeze %dma_start3A_132 : memref<1x64xi32, #tpu.memory_space<vmem>> -> memref<64xi32, #tpu.memory_space<vmem>>
        %dma_start3A_134 = arith.constant 0 : i32
        %dma_start3A_135 = arith.constant 0 : i32
        %dma_start3A_136 = tpu.memref_slice %arg13[%dma_start3A_134, %dma_start3A_135] : memref<10112x128xf32, #tpu.memory_space<vmem_shared>> -> memref<10112x128xf32, #tpu.memory_space<vmem_shared>>
        tpu.enqueue_indirect_dma source(%arg10 : memref<64x128xf32, #tpu.memory_space<vmem>>) target(%dma_start3A_136 : memref<10112x128xf32, #tpu.memory_space<vmem_shared>>) offsets(%dma_start3A_133 : memref<64xi32, #tpu.memory_space<vmem>>) semaphore(%arg19 : memref<!tpu.dma_semaphore, #tpu.memory_space<semaphore_mem>>) {add = true}
        %scan3A_137 = arith.constant 0 : i32
        %scan3A_138 = arith.constant 4 : i32
        %scan3A_139 = arith.addi %scan3A_137, %scan3A_138 : i32
        %scan3A_140 = arith.constant 1 : i32
        scf.for %scan3A_222 = %scan3A_137 to %scan3A_139 step %scan3A_140  : i32 {
          %mul3A_223 = arith.constant 16 : i32
          %mul3A_224 = arith.muli %scan3A_222, %mul3A_223 : i32
          %add3A_225 = arith.constant 0 : i32
          %add3A_226 = arith.addi %add3A_225, %mul3A_224 : i32
          %get3A = arith.index_cast %add3A_123 : i32 to index
          %get3A_227 = arith.index_cast %add3A_226 : i32 to index
          %get3A_228 = tpu.vector_load %arg8[%get3A, %get3A_227] {strides = array<i32>} : memref<16x64xi32, #tpu.memory_space<vmem>>, vector<16xi32>,
          tpu.vector_store_idx %arg22[%get3A_228], %broadcast_in_dim3A_27 {add = true} : memref<10112xf32, #tpu.memory_space<vmem>>[vector<16xi32>], vector<16xf32>,
        }
        %scan3A_141 = arith.constant 4 : i32
        %ge3A_142 = arith.constant 2 : i32
        %ge3A_143 = arith.cmpi sge, %add3A_123, %ge3A_142 : i32
        %convert_element_type3A_144 = arith.extui %ge3A_143 : i1 to i32
        %cond3A_145 = arith.constant 0 : i32
        %cond3A_146 = arith.cmpi ne, %convert_element_type3A_144, %cond3A_145 : i32
        scf.if %cond3A_146 {
          %dma_wait3A_222 = arith.constant 0 : i32
          %dma_wait3A_223 = arith.constant 0 : i32
          %dma_wait3A_224 = tpu.memref_slice %arg8[%dma_wait3A_222, %dma_wait3A_223] : memref<16x64xi32, #tpu.memory_space<vmem>> -> memref<1x64xi32, #tpu.memory_space<vmem>>
          %dma_wait3A_225 = tpu.memref_squeeze %dma_wait3A_224 : memref<1x64xi32, #tpu.memory_space<vmem>> -> memref<64xi32, #tpu.memory_space<vmem>>
          %dma_wait3A_226 = arith.constant 0 : i32
          %dma_wait3A_227 = arith.constant 0 : i32
          %dma_wait3A_228 = tpu.memref_slice %arg13[%dma_wait3A_226, %dma_wait3A_227] : memref<10112x128xf32, #tpu.memory_space<vmem_shared>> -> memref<10112x128xf32, #tpu.memory_space<vmem_shared>>
          tpu.wait_indirect_dma semaphore(%arg21 : memref<!tpu.dma_semaphore, #tpu.memory_space<semaphore_mem>>) src(%arg12 : memref<64x128xf32, #tpu.memory_space<vmem>>) dst(%dma_wait3A_228 : memref<10112x128xf32, #tpu.memory_space<vmem_shared>>)
        } else {
        }
        %add3A_147 = arith.constant 2 : i32
        %add3A_148 = arith.addi %add3A_123, %add3A_147 : i32
        %lt3A_149 = arith.constant 16 : i32
        %lt3A_150 = arith.cmpi slt, %add3A_148, %lt3A_149 : i32
        %convert_element_type3A_151 = arith.extui %lt3A_150 : i1 to i32
        %cond3A_152 = arith.constant 0 : i32
        %cond3A_153 = arith.cmpi ne, %convert_element_type3A_151, %cond3A_152 : i32
        scf.if %cond3A_153 {
          %add3A_222 = arith.constant 2 : i32
          %add3A_223 = arith.addi %add3A_123, %add3A_222 : i32
          %dma_start3A_224 = arith.constant 0 : i32
          %dma_start3A_225 = tpu.memref_slice %arg7[%add3A_223, %dma_start3A_224] : memref<16x64xi32, #tpu.memory_space<vmem>> -> memref<1x64xi32, #tpu.memory_space<vmem>>
          %dma_start3A_226 = tpu.memref_squeeze %dma_start3A_225 : memref<1x64xi32, #tpu.memory_space<vmem>> -> memref<64xi32, #tpu.memory_space<vmem>>
          %dma_start3A_227 = arith.constant 0 : i32
          %dma_start3A_228 = arith.constant 0 : i32
          %dma_start3A_229 = tpu.memref_slice %arg2[%dma_start3A_227, %dma_start3A_228] : memref<10000x128xf32, #tpu.memory_space<hbm>> -> memref<10000x128xf32, #tpu.memory_space<hbm>>
          tpu.enqueue_indirect_dma source(%dma_start3A_229 : memref<10000x128xf32, #tpu.memory_space<hbm>>) target(%arg12 : memref<64x128xf32, #tpu.memory_space<vmem>>) offsets(%dma_start3A_226 : memref<64xi32, #tpu.memory_space<vmem>>) semaphore(%arg17 : memref<!tpu.dma_semaphore, #tpu.memory_space<semaphore_mem>>)
        } else {
        }
        %mul3A_154 = arith.constant 4 : i32
        %mul3A_155 = arith.muli %add3A_89, %mul3A_154 : i32
        %add3A_156 = arith.constant 2 : i32
        %add3A_157 = arith.addi %mul3A_155, %add3A_156 : i32
        %dma_wait3A_158 = arith.constant 0 : i32
        %dma_wait3A_159 = arith.constant 0 : i32
        %dma_wait3A_160 = tpu.memref_slice %arg7[%dma_wait3A_158, %dma_wait3A_159] : memref<16x64xi32, #tpu.memory_space<vmem>> -> memref<1x64xi32, #tpu.memory_space<vmem>>
        %dma_wait3A_161 = tpu.memref_squeeze %dma_wait3A_160 : memref<1x64xi32, #tpu.memory_space<vmem>> -> memref<64xi32, #tpu.memory_space<vmem>>
        %dma_wait3A_162 = arith.constant 0 : i32
        %dma_wait3A_163 = arith.constant 0 : i32
        %dma_wait3A_164 = tpu.memref_slice %arg2[%dma_wait3A_162, %dma_wait3A_163] : memref<10000x128xf32, #tpu.memory_space<hbm>> -> memref<10000x128xf32, #tpu.memory_space<hbm>>
        tpu.wait_indirect_dma semaphore(%arg16 : memref<!tpu.dma_semaphore, #tpu.memory_space<semaphore_mem>>) src(%dma_wait3A_164 : memref<10000x128xf32, #tpu.memory_space<hbm>>) dst(%arg11 : memref<64x128xf32, #tpu.memory_space<vmem>>)
        %dma_start3A_165 = arith.constant 0 : i32
        %dma_start3A_166 = tpu.memref_slice %arg8[%add3A_157, %dma_start3A_165] : memref<16x64xi32, #tpu.memory_space<vmem>> -> memref<1x64xi32, #tpu.memory_space<vmem>>
        %dma_start3A_167 = tpu.memref_squeeze %dma_start3A_166 : memref<1x64xi32, #tpu.memory_space<vmem>> -> memref<64xi32, #tpu.memory_space<vmem>>
        %dma_start3A_168 = arith.constant 0 : i32
        %dma_start3A_169 = arith.constant 0 : i32
        %dma_start3A_170 = tpu.memref_slice %arg13[%dma_start3A_168, %dma_start3A_169] : memref<10112x128xf32, #tpu.memory_space<vmem_shared>> -> memref<10112x128xf32, #tpu.memory_space<vmem_shared>>
        tpu.enqueue_indirect_dma source(%arg11 : memref<64x128xf32, #tpu.memory_space<vmem>>) target(%dma_start3A_170 : memref<10112x128xf32, #tpu.memory_space<vmem_shared>>) offsets(%dma_start3A_167 : memref<64xi32, #tpu.memory_space<vmem>>) semaphore(%arg20 : memref<!tpu.dma_semaphore, #tpu.memory_space<semaphore_mem>>) {add = true}
        %scan3A_171 = arith.constant 0 : i32
        %scan3A_172 = arith.constant 4 : i32
        %scan3A_173 = arith.addi %scan3A_171, %scan3A_172 : i32
        %scan3A_174 = arith.constant 1 : i32
        scf.for %scan3A_222 = %scan3A_171 to %scan3A_173 step %scan3A_174  : i32 {
          %mul3A_223 = arith.constant 16 : i32
          %mul3A_224 = arith.muli %scan3A_222, %mul3A_223 : i32
          %add3A_225 = arith.constant 0 : i32
          %add3A_226 = arith.addi %add3A_225, %mul3A_224 : i32
          %get3A = arith.index_cast %add3A_157 : i32 to index
          %get3A_227 = arith.index_cast %add3A_226 : i32 to index
          %get3A_228 = tpu.vector_load %arg8[%get3A, %get3A_227] {strides = array<i32>} : memref<16x64xi32, #tpu.memory_space<vmem>>, vector<16xi32>,
          tpu.vector_store_idx %arg22[%get3A_228], %broadcast_in_dim3A_27 {add = true} : memref<10112xf32, #tpu.memory_space<vmem>>[vector<16xi32>], vector<16xf32>,
        }
        %scan3A_175 = arith.constant 4 : i32
        %ge3A_176 = arith.constant 2 : i32
        %ge3A_177 = arith.cmpi sge, %add3A_157, %ge3A_176 : i32
        %convert_element_type3A_178 = arith.extui %ge3A_177 : i1 to i32
        %cond3A_179 = arith.constant 0 : i32
        %cond3A_180 = arith.cmpi ne, %convert_element_type3A_178, %cond3A_179 : i32
        scf.if %cond3A_180 {
          %dma_wait3A_222 = arith.constant 0 : i32
          %dma_wait3A_223 = arith.constant 0 : i32
          %dma_wait3A_224 = tpu.memref_slice %arg8[%dma_wait3A_222, %dma_wait3A_223] : memref<16x64xi32, #tpu.memory_space<vmem>> -> memref<1x64xi32, #tpu.memory_space<vmem>>
          %dma_wait3A_225 = tpu.memref_squeeze %dma_wait3A_224 : memref<1x64xi32, #tpu.memory_space<vmem>> -> memref<64xi32, #tpu.memory_space<vmem>>
          %dma_wait3A_226 = arith.constant 0 : i32
          %dma_wait3A_227 = arith.constant 0 : i32
          %dma_wait3A_228 = tpu.memref_slice %arg13[%dma_wait3A_226, %dma_wait3A_227] : memref<10112x128xf32, #tpu.memory_space<vmem_shared>> -> memref<10112x128xf32, #tpu.memory_space<vmem_shared>>
          tpu.wait_indirect_dma semaphore(%arg18 : memref<!tpu.dma_semaphore, #tpu.memory_space<semaphore_mem>>) src(%arg9 : memref<64x128xf32, #tpu.memory_space<vmem>>) dst(%dma_wait3A_228 : memref<10112x128xf32, #tpu.memory_space<vmem_shared>>)
        } else {
        }
        %add3A_181 = arith.constant 2 : i32
        %add3A_182 = arith.addi %add3A_157, %add3A_181 : i32
        %lt3A_183 = arith.constant 16 : i32
        %lt3A_184 = arith.cmpi slt, %add3A_182, %lt3A_183 : i32
        %convert_element_type3A_185 = arith.extui %lt3A_184 : i1 to i32
        %cond3A_186 = arith.constant 0 : i32
        %cond3A_187 = arith.cmpi ne, %convert_element_type3A_185, %cond3A_186 : i32
        scf.if %cond3A_187 {
          %add3A_222 = arith.constant 2 : i32
          %add3A_223 = arith.addi %add3A_157, %add3A_222 : i32
          %dma_start3A_224 = arith.constant 0 : i32
          %dma_start3A_225 = tpu.memref_slice %arg7[%add3A_223, %dma_start3A_224] : memref<16x64xi32, #tpu.memory_space<vmem>> -> memref<1x64xi32, #tpu.memory_space<vmem>>
          %dma_start3A_226 = tpu.memref_squeeze %dma_start3A_225 : memref<1x64xi32, #tpu.memory_space<vmem>> -> memref<64xi32, #tpu.memory_space<vmem>>
          %dma_start3A_227 = arith.constant 0 : i32
          %dma_start3A_228 = arith.constant 0 : i32
          %dma_start3A_229 = tpu.memref_slice %arg2[%dma_start3A_227, %dma_start3A_228] : memref<10000x128xf32, #tpu.memory_space<hbm>> -> memref<10000x128xf32, #tpu.memory_space<hbm>>
          tpu.enqueue_indirect_dma source(%dma_start3A_229 : memref<10000x128xf32, #tpu.memory_space<hbm>>) target(%arg9 : memref<64x128xf32, #tpu.memory_space<vmem>>) offsets(%dma_start3A_226 : memref<64xi32, #tpu.memory_space<vmem>>) semaphore(%arg14 : memref<!tpu.dma_semaphore, #tpu.memory_space<semaphore_mem>>)
        } else {
        }
        %mul3A_188 = arith.constant 4 : i32
        %mul3A_189 = arith.muli %add3A_89, %mul3A_188 : i32
        %add3A_190 = arith.constant 3 : i32
        %add3A_191 = arith.addi %mul3A_189, %add3A_190 : i32
        %dma_wait3A_192 = arith.constant 0 : i32
        %dma_wait3A_193 = arith.constant 0 : i32
        %dma_wait3A_194 = tpu.memref_slice %arg7[%dma_wait3A_192, %dma_wait3A_193] : memref<16x64xi32, #tpu.memory_space<vmem>> -> memref<1x64xi32, #tpu.memory_space<vmem>>
        %dma_wait3A_195 = tpu.memref_squeeze %dma_wait3A_194 : memref<1x64xi32, #tpu.memory_space<vmem>> -> memref<64xi32, #tpu.memory_space<vmem>>
        %dma_wait3A_196 = arith.constant 0 : i32
        %dma_wait3A_197 = arith.constant 0 : i32
        %dma_wait3A_198 = tpu.memref_slice %arg2[%dma_wait3A_196, %dma_wait3A_197] : memref<10000x128xf32, #tpu.memory_space<hbm>> -> memref<10000x128xf32, #tpu.memory_space<hbm>>
        tpu.wait_indirect_dma semaphore(%arg17 : memref<!tpu.dma_semaphore, #tpu.memory_space<semaphore_mem>>) src(%dma_wait3A_198 : memref<10000x128xf32, #tpu.memory_space<hbm>>) dst(%arg12 : memref<64x128xf32, #tpu.memory_space<vmem>>)
        %dma_start3A_199 = arith.constant 0 : i32
        %dma_start3A_200 = tpu.memref_slice %arg8[%add3A_191, %dma_start3A_199] : memref<16x64xi32, #tpu.memory_space<vmem>> -> memref<1x64xi32, #tpu.memory_space<vmem>>
        %dma_start3A_201 = tpu.memref_squeeze %dma_start3A_200 : memref<1x64xi32, #tpu.memory_space<vmem>> -> memref<64xi32, #tpu.memory_space<vmem>>
        %dma_start3A_202 = arith.constant 0 : i32
        %dma_start3A_203 = arith.constant 0 : i32
        %dma_start3A_204 = tpu.memref_slice %arg13[%dma_start3A_202, %dma_start3A_203] : memref<10112x128xf32, #tpu.memory_space<vmem_shared>> -> memref<10112x128xf32, #tpu.memory_space<vmem_shared>>
        tpu.enqueue_indirect_dma source(%arg12 : memref<64x128xf32, #tpu.memory_space<vmem>>) target(%dma_start3A_204 : memref<10112x128xf32, #tpu.memory_space<vmem_shared>>) offsets(%dma_start3A_201 : memref<64xi32, #tpu.memory_space<vmem>>) semaphore(%arg21 : memref<!tpu.dma_semaphore, #tpu.memory_space<semaphore_mem>>) {add = true}
        %scan3A_205 = arith.constant 0 : i32
        %scan3A_206 = arith.constant 4 : i32
        %scan3A_207 = arith.addi %scan3A_205, %scan3A_206 : i32
        %scan3A_208 = arith.constant 1 : i32
        scf.for %scan3A_222 = %scan3A_205 to %scan3A_207 step %scan3A_208  : i32 {
          %mul3A_223 = arith.constant 16 : i32
          %mul3A_224 = arith.muli %scan3A_222, %mul3A_223 : i32
          %add3A_225 = arith.constant 0 : i32
          %add3A_226 = arith.addi %add3A_225, %mul3A_224 : i32
          %get3A = arith.index_cast %add3A_191 : i32 to index
          %get3A_227 = arith.index_cast %add3A_226 : i32 to index
          %get3A_228 = tpu.vector_load %arg8[%get3A, %get3A_227] {strides = array<i32>} : memref<16x64xi32, #tpu.memory_space<vmem>>, vector<16xi32>,
          tpu.vector_store_idx %arg22[%get3A_228], %broadcast_in_dim3A_27 {add = true} : memref<10112xf32, #tpu.memory_space<vmem>>[vector<16xi32>], vector<16xf32>,
        }
        %scan3A_209 = arith.constant 4 : i32
        %ge3A_210 = arith.constant 2 : i32
        %ge3A_211 = arith.cmpi sge, %add3A_191, %ge3A_210 : i32
        %convert_element_type3A_212 = arith.extui %ge3A_211 : i1 to i32
        %cond3A_213 = arith.constant 0 : i32
        %cond3A_214 = arith.cmpi ne, %convert_element_type3A_212, %cond3A_213 : i32
        scf.if %cond3A_214 {
          %dma_wait3A_222 = arith.constant 0 : i32
          %dma_wait3A_223 = arith.constant 0 : i32
          %dma_wait3A_224 = tpu.memref_slice %arg8[%dma_wait3A_222, %dma_wait3A_223] : memref<16x64xi32, #tpu.memory_space<vmem>> -> memref<1x64xi32, #tpu.memory_space<vmem>>
          %dma_wait3A_225 = tpu.memref_squeeze %dma_wait3A_224 : memref<1x64xi32, #tpu.memory_space<vmem>> -> memref<64xi32, #tpu.memory_space<vmem>>
          %dma_wait3A_226 = arith.constant 0 : i32
          %dma_wait3A_227 = arith.constant 0 : i32
          %dma_wait3A_228 = tpu.memref_slice %arg13[%dma_wait3A_226, %dma_wait3A_227] : memref<10112x128xf32, #tpu.memory_space<vmem_shared>> -> memref<10112x128xf32, #tpu.memory_space<vmem_shared>>
          tpu.wait_indirect_dma semaphore(%arg19 : memref<!tpu.dma_semaphore, #tpu.memory_space<semaphore_mem>>) src(%arg10 : memref<64x128xf32, #tpu.memory_space<vmem>>) dst(%dma_wait3A_228 : memref<10112x128xf32, #tpu.memory_space<vmem_shared>>)
        } else {
        }
        %add3A_215 = arith.constant 2 : i32
        %add3A_216 = arith.addi %add3A_191, %add3A_215 : i32
        %lt3A_217 = arith.constant 16 : i32
        %lt3A_218 = arith.cmpi slt, %add3A_216, %lt3A_217 : i32
        %convert_element_type3A_219 = arith.extui %lt3A_218 : i1 to i32
        %cond3A_220 = arith.constant 0 : i32
        %cond3A_221 = arith.cmpi ne, %convert_element_type3A_219, %cond3A_220 : i32
        scf.if %cond3A_221 {
          %add3A_222 = arith.constant 2 : i32
          %add3A_223 = arith.addi %add3A_191, %add3A_222 : i32
          %dma_start3A_224 = arith.constant 0 : i32
          %dma_start3A_225 = tpu.memref_slice %arg7[%add3A_223, %dma_start3A_224] : memref<16x64xi32, #tpu.memory_space<vmem>> -> memref<1x64xi32, #tpu.memory_space<vmem>>
          %dma_start3A_226 = tpu.memref_squeeze %dma_start3A_225 : memref<1x64xi32, #tpu.memory_space<vmem>> -> memref<64xi32, #tpu.memory_space<vmem>>
          %dma_start3A_227 = arith.constant 0 : i32
          %dma_start3A_228 = arith.constant 0 : i32
          %dma_start3A_229 = tpu.memref_slice %arg2[%dma_start3A_227, %dma_start3A_228] : memref<10000x128xf32, #tpu.memory_space<hbm>> -> memref<10000x128xf32, #tpu.memory_space<hbm>>
          tpu.enqueue_indirect_dma source(%dma_start3A_229 : memref<10000x128xf32, #tpu.memory_space<hbm>>) target(%arg10 : memref<64x128xf32, #tpu.memory_space<vmem>>) offsets(%dma_start3A_226 : memref<64xi32, #tpu.memory_space<vmem>>) semaphore(%arg15 : memref<!tpu.dma_semaphore, #tpu.memory_space<semaphore_mem>>)
        } else {
        }
      }
      %scan3A_71 = arith.constant 4 : i32
      %dma_wait3A = arith.constant 0 : i32
      %dma_wait3A_72 = arith.constant 0 : i32
      %dma_wait3A_73 = tpu.memref_slice %arg8[%dma_wait3A, %dma_wait3A_72] : memref<16x64xi32, #tpu.memory_space<vmem>> -> memref<1x64xi32, #tpu.memory_space<vmem>>
      %dma_wait3A_74 = tpu.memref_squeeze %dma_wait3A_73 : memref<1x64xi32, #tpu.memory_space<vmem>> -> memref<64xi32, #tpu.memory_space<vmem>>
      %dma_wait3A_75 = arith.constant 0 : i32
      %dma_wait3A_76 = arith.constant 0 : i32
      %dma_wait3A_77 = tpu.memref_slice %arg13[%dma_wait3A_75, %dma_wait3A_76] : memref<10112x128xf32, #tpu.memory_space<vmem_shared>> -> memref<10112x128xf32, #tpu.memory_space<vmem_shared>>
      tpu.wait_indirect_dma semaphore(%arg20 : memref<!tpu.dma_semaphore, #tpu.memory_space<semaphore_mem>>) src(%arg11 : memref<64x128xf32, #tpu.memory_space<vmem>>) dst(%dma_wait3A_77 : memref<10112x128xf32, #tpu.memory_space<vmem_shared>>)
      %dma_wait3A_78 = arith.constant 0 : i32
      %dma_wait3A_79 = arith.constant 0 : i32
      %dma_wait3A_80 = tpu.memref_slice %arg8[%dma_wait3A_78, %dma_wait3A_79] : memref<16x64xi32, #tpu.memory_space<vmem>> -> memref<1x64xi32, #tpu.memory_space<vmem>>
      %dma_wait3A_81 = tpu.memref_squeeze %dma_wait3A_80 : memref<1x64xi32, #tpu.memory_space<vmem>> -> memref<64xi32, #tpu.memory_space<vmem>>
      %dma_wait3A_82 = arith.constant 0 : i32
      %dma_wait3A_83 = arith.constant 0 : i32
      %dma_wait3A_84 = tpu.memref_slice %arg13[%dma_wait3A_82, %dma_wait3A_83] : memref<10112x128xf32, #tpu.memory_space<vmem_shared>> -> memref<10112x128xf32, #tpu.memory_space<vmem_shared>>
      tpu.wait_indirect_dma semaphore(%arg21 : memref<!tpu.dma_semaphore, #tpu.memory_space<semaphore_mem>>) src(%arg12 : memref<64x128xf32, #tpu.memory_space<vmem>>) dst(%dma_wait3A_84 : memref<10112x128xf32, #tpu.memory_space<vmem_shared>>)
    }
    %while3A_43 = arith.constant 1 : i32
    scf.for %while3A_48 = %while3A_41 to %while3A_37 step %while3A_43  : i32 {
      %mul3A_49 = arith.muli %while3A_48, %while3A : i32
      %add3A_50 = arith.addi %while3A_34, %mul3A_49 : i32
      %mul3A_51 = arith.constant 16 : i32
      %mul3A_52 = arith.muli %add3A_50, %mul3A_51 : i32
      %add3A_53 = arith.addi %select_n3A, %mul3A_52 : i32
      "tpu.region"() ({
        %run_scoped3A = tpu.sem_alloc : memref<!tpu.dma_semaphore, #tpu.memory_space<semaphore_mem>>
        %dma_start3A_85 = arith.constant 0 : i32
        %dma_start3A_86 = tpu.memref_slice %arg3[%arg1, %add3A_53, %dma_start3A_85] : memref<16x320x64xi32, #tpu.memory_space<hbm>> -> memref<1x16x64xi32, #tpu.memory_space<hbm>>
        %dma_start3A_87 = tpu.memref_squeeze %dma_start3A_86 : memref<1x16x64xi32, #tpu.memory_space<hbm>> -> memref<16x64xi32, #tpu.memory_space<hbm>>
        %dma_start3A_88 = arith.constant 0 : i32
        %dma_start3A_89 = tpu.memref_slice %arg3[%arg1, %add3A_53, %dma_start3A_88] : memref<16x320x64xi32, #tpu.memory_space<hbm>> -> memref<1x16x64xi32, #tpu.memory_space<hbm>>
        %dma_start3A_90 = tpu.memref_squeeze %dma_start3A_89 : memref<1x16x64xi32, #tpu.memory_space<hbm>> -> memref<16x64xi32, #tpu.memory_space<hbm>>
        tpu.enqueue_dma source(%dma_start3A_90 : memref<16x64xi32, #tpu.memory_space<hbm>>) target(%arg7 : memref<16x64xi32, #tpu.memory_space<vmem>>) target_semaphore(%run_scoped3A : memref<!tpu.dma_semaphore, #tpu.memory_space<semaphore_mem>>)
        %dma_wait3A_91 = arith.constant 0 : i32
        %dma_wait3A_92 = tpu.memref_slice %arg3[%arg1, %add3A_53, %dma_wait3A_91] : memref<16x320x64xi32, #tpu.memory_space<hbm>> -> memref<1x16x64xi32, #tpu.memory_space<hbm>>
        %dma_wait3A_93 = tpu.memref_squeeze %dma_wait3A_92 : memref<1x16x64xi32, #tpu.memory_space<hbm>> -> memref<16x64xi32, #tpu.memory_space<hbm>>
        %dma_wait3A_94 = arith.constant 0 : i32
        %dma_wait3A_95 = tpu.memref_slice %arg3[%arg1, %add3A_53, %dma_wait3A_94] : memref<16x320x64xi32, #tpu.memory_space<hbm>> -> memref<1x16x64xi32, #tpu.memory_space<hbm>>
        %dma_wait3A_96 = tpu.memref_squeeze %dma_wait3A_95 : memref<1x16x64xi32, #tpu.memory_space<hbm>> -> memref<16x64xi32, #tpu.memory_space<hbm>>
        tpu.wait_dma2 semaphore(%run_scoped3A : memref<!tpu.dma_semaphore, #tpu.memory_space<semaphore_mem>>) src(%dma_wait3A_96 : memref<16x64xi32, #tpu.memory_space<hbm>>) dst(%arg7 : memref<16x64xi32, #tpu.memory_space<vmem>>)
        tpu.yield
      }) : () -> ()
      "tpu.region"() ({
        %run_scoped3A = tpu.sem_alloc : memref<!tpu.dma_semaphore, #tpu.memory_space<semaphore_mem>>
        %dma_start3A_85 = arith.constant 0 : i32
        %dma_start3A_86 = tpu.memref_slice %arg4[%arg1, %add3A_53, %dma_start3A_85] : memref<16x320x64xi32, #tpu.memory_space<hbm>> -> memref<1x16x64xi32, #tpu.memory_space<hbm>>
        %dma_start3A_87 = tpu.memref_squeeze %dma_start3A_86 : memref<1x16x64xi32, #tpu.memory_space<hbm>> -> memref<16x64xi32, #tpu.memory_space<hbm>>
        %dma_start3A_88 = arith.constant 0 : i32
        %dma_start3A_89 = tpu.memref_slice %arg4[%arg1, %add3A_53, %dma_start3A_88] : memref<16x320x64xi32, #tpu.memory_space<hbm>> -> memref<1x16x64xi32, #tpu.memory_space<hbm>>
        %dma_start3A_90 = tpu.memref_squeeze %dma_start3A_89 : memref<1x16x64xi32, #tpu.memory_space<hbm>> -> memref<16x64xi32, #tpu.memory_space<hbm>>
        tpu.enqueue_dma source(%dma_start3A_90 : memref<16x64xi32, #tpu.memory_space<hbm>>) target(%arg8 : memref<16x64xi32, #tpu.memory_space<vmem>>) target_semaphore(%run_scoped3A : memref<!tpu.dma_semaphore, #tpu.memory_space<semaphore_mem>>)
        %dma_wait3A_91 = arith.constant 0 : i32
        %dma_wait3A_92 = tpu.memref_slice %arg4[%arg1, %add3A_53, %dma_wait3A_91] : memref<16x320x64xi32, #tpu.memory_space<hbm>> -> memref<1x16x64xi32, #tpu.memory_space<hbm>>
        %dma_wait3A_93 = tpu.memref_squeeze %dma_wait3A_92 : memref<1x16x64xi32, #tpu.memory_space<hbm>> -> memref<16x64xi32, #tpu.memory_space<hbm>>
        %dma_wait3A_94 = arith.constant 0 : i32
        %dma_wait3A_95 = tpu.memref_slice %arg4[%arg1, %add3A_53, %dma_wait3A_94] : memref<16x320x64xi32, #tpu.memory_space<hbm>> -> memref<1x16x64xi32, #tpu.memory_space<hbm>>
        %dma_wait3A_96 = tpu.memref_squeeze %dma_wait3A_95 : memref<1x16x64xi32, #tpu.memory_space<hbm>> -> memref<16x64xi32, #tpu.memory_space<hbm>>
        tpu.wait_dma2 semaphore(%run_scoped3A : memref<!tpu.dma_semaphore, #tpu.memory_space<semaphore_mem>>) src(%dma_wait3A_96 : memref<16x64xi32, #tpu.memory_space<hbm>>) dst(%arg8 : memref<16x64xi32, #tpu.memory_space<vmem>>)
        tpu.yield
      }) : () -> ()
      %dma_start3A = arith.constant 0 : i32
      %dma_start3A_54 = arith.constant 0 : i32
      %dma_start3A_55 = tpu.memref_slice %arg7[%dma_start3A, %dma_start3A_54] : memref<16x64xi32, #tpu.memory_space<vmem>> -> memref<1x64xi32, #tpu.memory_space<vmem>>
      %dma_start3A_56 = tpu.memref_squeeze %dma_start3A_55 : memref<1x64xi32, #tpu.memory_space<vmem>> -> memref<64xi32, #tpu.memory_space<vmem>>
      %dma_start3A_57 = arith.constant 0 : i32
      %dma_start3A_58 = arith.constant 0 : i32
      %dma_start3A_59 = tpu.memref_slice %arg2[%dma_start3A_57, %dma_start3A_58] : memref<10000x128xf32, #tpu.memory_space<hbm>> -> memref<10000x128xf32, #tpu.memory_space<hbm>>
      tpu.enqueue_indirect_dma source(%dma_start3A_59 : memref<10000x128xf32, #tpu.memory_space<hbm>>) target(%arg9 : memref<64x128xf32, #tpu.memory_space<vmem>>) offsets(%dma_start3A_56 : memref<64xi32, #tpu.memory_space<vmem>>) semaphore(%arg14 : memref<!tpu.dma_semaphore, #tpu.memory_space<semaphore_mem>>)
      %dma_start3A_60 = arith.constant 1 : i32
      %dma_start3A_61 = arith.constant 0 : i32
      %dma_start3A_62 = tpu.memref_slice %arg7[%dma_start3A_60, %dma_start3A_61] : memref<16x64xi32, #tpu.memory_space<vmem>> -> memref<1x64xi32, #tpu.memory_space<vmem>>
      %dma_start3A_63 = tpu.memref_squeeze %dma_start3A_62 : memref<1x64xi32, #tpu.memory_space<vmem>> -> memref<64xi32, #tpu.memory_space<vmem>>
      %dma_start3A_64 = arith.constant 0 : i32
      %dma_start3A_65 = arith.constant 0 : i32
      %dma_start3A_66 = tpu.memref_slice %arg2[%dma_start3A_64, %dma_start3A_65] : memref<10000x128xf32, #tpu.memory_space<hbm>> -> memref<10000x128xf32, #tpu.memory_space<hbm>>
      tpu.enqueue_indirect_dma source(%dma_start3A_66 : memref<10000x128xf32, #tpu.memory_space<hbm>>) target(%arg10 : memref<64x128xf32, #tpu.memory_space<vmem>>) offsets(%dma_start3A_63 : memref<64xi32, #tpu.memory_space<vmem>>) semaphore(%arg15 : memref<!tpu.dma_semaphore, #tpu.memory_space<semaphore_mem>>)
      %scan3A_67 = arith.constant 0 : i32
      %scan3A_68 = arith.constant 4 : i32
      %scan3A_69 = arith.addi %scan3A_67, %scan3A_68 : i32
      %scan3A_70 = arith.constant 1 : i32
      scf.for %scan3A_85 = %scan3A_67 to %scan3A_69 step %scan3A_70  : i32 {
        %mul3A_86 = arith.constant 1 : i32
        %mul3A_87 = arith.muli %scan3A_85, %mul3A_86 : i32
        %add3A_88 = arith.constant 0 : i32
        %add3A_89 = arith.addi %add3A_88, %mul3A_87 : i32
        %mul3A_90 = arith.constant 4 : i32
        %mul3A_91 = arith.muli %add3A_89, %mul3A_90 : i32
        %add3A_92 = arith.constant 0 : i32
        %add3A_93 = arith.addi %mul3A_91, %add3A_92 : i32
        %dma_wait3A_94 = arith.constant 0 : i32
        %dma_wait3A_95 = arith.constant 0 : i32
        %dma_wait3A_96 = tpu.memref_slice %arg7[%dma_wait3A_94, %dma_wait3A_95] : memref<16x64xi32, #tpu.memory_space<vmem>> -> memref<1x64xi32, #tpu.memory_space<vmem>>
        %dma_wait3A_97 = tpu.memref_squeeze %dma_wait3A_96 : memref<1x64xi32, #tpu.memory_space<vmem>> -> memref<64xi32, #tpu.memory_space<vmem>>
        %dma_wait3A_98 = arith.constant 0 : i32
        %dma_wait3A_99 = arith.constant 0 : i32
        %dma_wait3A_100 = tpu.memref_slice %arg2[%dma_wait3A_98, %dma_wait3A_99] : memref<10000x128xf32, #tpu.memory_space<hbm>> -> memref<10000x128xf32, #tpu.memory_space<hbm>>
        tpu.wait_indirect_dma semaphore(%arg14 : memref<!tpu.dma_semaphore, #tpu.memory_space<semaphore_mem>>) src(%dma_wait3A_100 : memref<10000x128xf32, #tpu.memory_space<hbm>>) dst(%arg9 : memref<64x128xf32, #tpu.memory_space<vmem>>)
        %dma_start3A_101 = arith.constant 0 : i32
        %dma_start3A_102 = tpu.memref_slice %arg8[%add3A_93, %dma_start3A_101] : memref<16x64xi32, #tpu.memory_space<vmem>> -> memref<1x64xi32, #tpu.memory_space<vmem>>
        %dma_start3A_103 = tpu.memref_squeeze %dma_start3A_102 : memref<1x64xi32, #tpu.memory_space<vmem>> -> memref<64xi32, #tpu.memory_space<vmem>>
        %dma_start3A_104 = arith.constant 0 : i32
        %dma_start3A_105 = arith.constant 0 : i32
        %dma_start3A_106 = tpu.memref_slice %arg13[%dma_start3A_104, %dma_start3A_105] : memref<10112x128xf32, #tpu.memory_space<vmem_shared>> -> memref<10112x128xf32, #tpu.memory_space<vmem_shared>>
        tpu.enqueue_indirect_dma source(%arg9 : memref<64x128xf32, #tpu.memory_space<vmem>>) target(%dma_start3A_106 : memref<10112x128xf32, #tpu.memory_space<vmem_shared>>) offsets(%dma_start3A_103 : memref<64xi32, #tpu.memory_space<vmem>>) semaphore(%arg18 : memref<!tpu.dma_semaphore, #tpu.memory_space<semaphore_mem>>) {add = true}
        %scan3A_107 = arith.constant 0 : i32
        %scan3A_108 = arith.constant 4 : i32
        %scan3A_109 = arith.addi %scan3A_107, %scan3A_108 : i32
        %scan3A_110 = arith.constant 1 : i32
        scf.for %scan3A_222 = %scan3A_107 to %scan3A_109 step %scan3A_110  : i32 {
          %mul3A_223 = arith.constant 16 : i32
          %mul3A_224 = arith.muli %scan3A_222, %mul3A_223 : i32
          %add3A_225 = arith.constant 0 : i32
          %add3A_226 = arith.addi %add3A_225, %mul3A_224 : i32
          %get3A = arith.index_cast %add3A_93 : i32 to index
          %get3A_227 = arith.index_cast %add3A_226 : i32 to index
          %get3A_228 = tpu.vector_load %arg8[%get3A, %get3A_227] {strides = array<i32>} : memref<16x64xi32, #tpu.memory_space<vmem>>, vector<16xi32>,
          tpu.vector_store_idx %arg22[%get3A_228], %broadcast_in_dim3A_27 {add = true} : memref<10112xf32, #tpu.memory_space<vmem>>[vector<16xi32>], vector<16xf32>,
        }
        %scan3A_111 = arith.constant 4 : i32
        %ge3A = arith.constant 2 : i32
        %ge3A_112 = arith.cmpi sge, %add3A_93, %ge3A : i32
        %convert_element_type3A = arith.extui %ge3A_112 : i1 to i32
        %cond3A = arith.constant 0 : i32
        %cond3A_113 = arith.cmpi ne, %convert_element_type3A, %cond3A : i32
        scf.if %cond3A_113 {
          %dma_wait3A_222 = arith.constant 0 : i32
          %dma_wait3A_223 = arith.constant 0 : i32
          %dma_wait3A_224 = tpu.memref_slice %arg8[%dma_wait3A_222, %dma_wait3A_223] : memref<16x64xi32, #tpu.memory_space<vmem>> -> memref<1x64xi32, #tpu.memory_space<vmem>>
          %dma_wait3A_225 = tpu.memref_squeeze %dma_wait3A_224 : memref<1x64xi32, #tpu.memory_space<vmem>> -> memref<64xi32, #tpu.memory_space<vmem>>
          %dma_wait3A_226 = arith.constant 0 : i32
          %dma_wait3A_227 = arith.constant 0 : i32
          %dma_wait3A_228 = tpu.memref_slice %arg13[%dma_wait3A_226, %dma_wait3A_227] : memref<10112x128xf32, #tpu.memory_space<vmem_shared>> -> memref<10112x128xf32, #tpu.memory_space<vmem_shared>>
          tpu.wait_indirect_dma semaphore(%arg20 : memref<!tpu.dma_semaphore, #tpu.memory_space<semaphore_mem>>) src(%arg11 : memref<64x128xf32, #tpu.memory_space<vmem>>) dst(%dma_wait3A_228 : memref<10112x128xf32, #tpu.memory_space<vmem_shared>>)
        } else {
        }
        %add3A_114 = arith.constant 2 : i32
        %add3A_115 = arith.addi %add3A_93, %add3A_114 : i32
        %lt3A = arith.constant 16 : i32
        %lt3A_116 = arith.cmpi slt, %add3A_115, %lt3A : i32
        %convert_element_type3A_117 = arith.extui %lt3A_116 : i1 to i32
        %cond3A_118 = arith.constant 0 : i32
        %cond3A_119 = arith.cmpi ne, %convert_element_type3A_117, %cond3A_118 : i32
        scf.if %cond3A_119 {
          %add3A_222 = arith.constant 2 : i32
          %add3A_223 = arith.addi %add3A_93, %add3A_222 : i32
          %dma_start3A_224 = arith.constant 0 : i32
          %dma_start3A_225 = tpu.memref_slice %arg7[%add3A_223, %dma_start3A_224] : memref<16x64xi32, #tpu.memory_space<vmem>> -> memref<1x64xi32, #tpu.memory_space<vmem>>
          %dma_start3A_226 = tpu.memref_squeeze %dma_start3A_225 : memref<1x64xi32, #tpu.memory_space<vmem>> -> memref<64xi32, #tpu.memory_space<vmem>>
          %dma_start3A_227 = arith.constant 0 : i32
          %dma_start3A_228 = arith.constant 0 : i32
          %dma_start3A_229 = tpu.memref_slice %arg2[%dma_start3A_227, %dma_start3A_228] : memref<10000x128xf32, #tpu.memory_space<hbm>> -> memref<10000x128xf32, #tpu.memory_space<hbm>>
          tpu.enqueue_indirect_dma source(%dma_start3A_229 : memref<10000x128xf32, #tpu.memory_space<hbm>>) target(%arg11 : memref<64x128xf32, #tpu.memory_space<vmem>>) offsets(%dma_start3A_226 : memref<64xi32, #tpu.memory_space<vmem>>) semaphore(%arg16 : memref<!tpu.dma_semaphore, #tpu.memory_space<semaphore_mem>>)
        } else {
        }
        %mul3A_120 = arith.constant 4 : i32
        %mul3A_121 = arith.muli %add3A_89, %mul3A_120 : i32
        %add3A_122 = arith.constant 1 : i32
        %add3A_123 = arith.addi %mul3A_121, %add3A_122 : i32
        %dma_wait3A_124 = arith.constant 0 : i32
        %dma_wait3A_125 = arith.constant 0 : i32
        %dma_wait3A_126 = tpu.memref_slice %arg7[%dma_wait3A_124, %dma_wait3A_125] : memref<16x64xi32, #tpu.memory_space<vmem>> -> memref<1x64xi32, #tpu.memory_space<vmem>>
        %dma_wait3A_127 = tpu.memref_squeeze %dma_wait3A_126 : memref<1x64xi32, #tpu.memory_space<vmem>> -> memref<64xi32, #tpu.memory_space<vmem>>
        %dma_wait3A_128 = arith.constant 0 : i32
        %dma_wait3A_129 = arith.constant 0 : i32
        %dma_wait3A_130 = tpu.memref_slice %arg2[%dma_wait3A_128, %dma_wait3A_129] : memref<10000x128xf32, #tpu.memory_space<hbm>> -> memref<10000x128xf32, #tpu.memory_space<hbm>>
        tpu.wait_indirect_dma semaphore(%arg15 : memref<!tpu.dma_semaphore, #tpu.memory_space<semaphore_mem>>) src(%dma_wait3A_130 : memref<10000x128xf32, #tpu.memory_space<hbm>>) dst(%arg10 : memref<64x128xf32, #tpu.memory_space<vmem>>)
        %dma_start3A_131 = arith.constant 0 : i32
        %dma_start3A_132 = tpu.memref_slice %arg8[%add3A_123, %dma_start3A_131] : memref<16x64xi32, #tpu.memory_space<vmem>> -> memref<1x64xi32, #tpu.memory_space<vmem>>
        %dma_start3A_133 = tpu.memref_squeeze %dma_start3A_132 : memref<1x64xi32, #tpu.memory_space<vmem>> -> memref<64xi32, #tpu.memory_space<vmem>>
        %dma_start3A_134 = arith.constant 0 : i32
        %dma_start3A_135 = arith.constant 0 : i32
        %dma_start3A_136 = tpu.memref_slice %arg13[%dma_start3A_134, %dma_start3A_135] : memref<10112x128xf32, #tpu.memory_space<vmem_shared>> -> memref<10112x128xf32, #tpu.memory_space<vmem_shared>>
        tpu.enqueue_indirect_dma source(%arg10 : memref<64x128xf32, #tpu.memory_space<vmem>>) target(%dma_start3A_136 : memref<10112x128xf32, #tpu.memory_space<vmem_shared>>) offsets(%dma_start3A_133 : memref<64xi32, #tpu.memory_space<vmem>>) semaphore(%arg19 : memref<!tpu.dma_semaphore, #tpu.memory_space<semaphore_mem>>) {add = true}
        %scan3A_137 = arith.constant 0 : i32
        %scan3A_138 = arith.constant 4 : i32
        %scan3A_139 = arith.addi %scan3A_137, %scan3A_138 : i32
        %scan3A_140 = arith.constant 1 : i32
        scf.for %scan3A_222 = %scan3A_137 to %scan3A_139 step %scan3A_140  : i32 {
          %mul3A_223 = arith.constant 16 : i32
          %mul3A_224 = arith.muli %scan3A_222, %mul3A_223 : i32
          %add3A_225 = arith.constant 0 : i32
          %add3A_226 = arith.addi %add3A_225, %mul3A_224 : i32
          %get3A = arith.index_cast %add3A_123 : i32 to index
          %get3A_227 = arith.index_cast %add3A_226 : i32 to index
          %get3A_228 = tpu.vector_load %arg8[%get3A, %get3A_227] {strides = array<i32>} : memref<16x64xi32, #tpu.memory_space<vmem>>, vector<16xi32>,
          tpu.vector_store_idx %arg22[%get3A_228], %broadcast_in_dim3A_27 {add = true} : memref<10112xf32, #tpu.memory_space<vmem>>[vector<16xi32>], vector<16xf32>,
        }
        %scan3A_141 = arith.constant 4 : i32
        %ge3A_142 = arith.constant 2 : i32
        %ge3A_143 = arith.cmpi sge, %add3A_123, %ge3A_142 : i32
        %convert_element_type3A_144 = arith.extui %ge3A_143 : i1 to i32
        %cond3A_145 = arith.constant 0 : i32
        %cond3A_146 = arith.cmpi ne, %convert_element_type3A_144, %cond3A_145 : i32
        scf.if %cond3A_146 {
          %dma_wait3A_222 = arith.constant 0 : i32
          %dma_wait3A_223 = arith.constant 0 : i32
          %dma_wait3A_224 = tpu.memref_slice %arg8[%dma_wait3A_222, %dma_wait3A_223] : memref<16x64xi32, #tpu.memory_space<vmem>> -> memref<1x64xi32, #tpu.memory_space<vmem>>
          %dma_wait3A_225 = tpu.memref_squeeze %dma_wait3A_224 : memref<1x64xi32, #tpu.memory_space<vmem>> -> memref<64xi32, #tpu.memory_space<vmem>>
          %dma_wait3A_226 = arith.constant 0 : i32
          %dma_wait3A_227 = arith.constant 0 : i32
          %dma_wait3A_228 = tpu.memref_slice %arg13[%dma_wait3A_226, %dma_wait3A_227] : memref<10112x128xf32, #tpu.memory_space<vmem_shared>> -> memref<10112x128xf32, #tpu.memory_space<vmem_shared>>
          tpu.wait_indirect_dma semaphore(%arg21 : memref<!tpu.dma_semaphore, #tpu.memory_space<semaphore_mem>>) src(%arg12 : memref<64x128xf32, #tpu.memory_space<vmem>>) dst(%dma_wait3A_228 : memref<10112x128xf32, #tpu.memory_space<vmem_shared>>)
        } else {
        }
        %add3A_147 = arith.constant 2 : i32
        %add3A_148 = arith.addi %add3A_123, %add3A_147 : i32
        %lt3A_149 = arith.constant 16 : i32
        %lt3A_150 = arith.cmpi slt, %add3A_148, %lt3A_149 : i32
        %convert_element_type3A_151 = arith.extui %lt3A_150 : i1 to i32
        %cond3A_152 = arith.constant 0 : i32
        %cond3A_153 = arith.cmpi ne, %convert_element_type3A_151, %cond3A_152 : i32
        scf.if %cond3A_153 {
          %add3A_222 = arith.constant 2 : i32
          %add3A_223 = arith.addi %add3A_123, %add3A_222 : i32
          %dma_start3A_224 = arith.constant 0 : i32
          %dma_start3A_225 = tpu.memref_slice %arg7[%add3A_223, %dma_start3A_224] : memref<16x64xi32, #tpu.memory_space<vmem>> -> memref<1x64xi32, #tpu.memory_space<vmem>>
          %dma_start3A_226 = tpu.memref_squeeze %dma_start3A_225 : memref<1x64xi32, #tpu.memory_space<vmem>> -> memref<64xi32, #tpu.memory_space<vmem>>
          %dma_start3A_227 = arith.constant 0 : i32
          %dma_start3A_228 = arith.constant 0 : i32
          %dma_start3A_229 = tpu.memref_slice %arg2[%dma_start3A_227, %dma_start3A_228] : memref<10000x128xf32, #tpu.memory_space<hbm>> -> memref<10000x128xf32, #tpu.memory_space<hbm>>
          tpu.enqueue_indirect_dma source(%dma_start3A_229 : memref<10000x128xf32, #tpu.memory_space<hbm>>) target(%arg12 : memref<64x128xf32, #tpu.memory_space<vmem>>) offsets(%dma_start3A_226 : memref<64xi32, #tpu.memory_space<vmem>>) semaphore(%arg17 : memref<!tpu.dma_semaphore, #tpu.memory_space<semaphore_mem>>)
        } else {
        }
        %mul3A_154 = arith.constant 4 : i32
        %mul3A_155 = arith.muli %add3A_89, %mul3A_154 : i32
        %add3A_156 = arith.constant 2 : i32
        %add3A_157 = arith.addi %mul3A_155, %add3A_156 : i32
        %dma_wait3A_158 = arith.constant 0 : i32
        %dma_wait3A_159 = arith.constant 0 : i32
        %dma_wait3A_160 = tpu.memref_slice %arg7[%dma_wait3A_158, %dma_wait3A_159] : memref<16x64xi32, #tpu.memory_space<vmem>> -> memref<1x64xi32, #tpu.memory_space<vmem>>
        %dma_wait3A_161 = tpu.memref_squeeze %dma_wait3A_160 : memref<1x64xi32, #tpu.memory_space<vmem>> -> memref<64xi32, #tpu.memory_space<vmem>>
        %dma_wait3A_162 = arith.constant 0 : i32
        %dma_wait3A_163 = arith.constant 0 : i32
        %dma_wait3A_164 = tpu.memref_slice %arg2[%dma_wait3A_162, %dma_wait3A_163] : memref<10000x128xf32, #tpu.memory_space<hbm>> -> memref<10000x128xf32, #tpu.memory_space<hbm>>
        tpu.wait_indirect_dma semaphore(%arg16 : memref<!tpu.dma_semaphore, #tpu.memory_space<semaphore_mem>>) src(%dma_wait3A_164 : memref<10000x128xf32, #tpu.memory_space<hbm>>) dst(%arg11 : memref<64x128xf32, #tpu.memory_space<vmem>>)
        %dma_start3A_165 = arith.constant 0 : i32
        %dma_start3A_166 = tpu.memref_slice %arg8[%add3A_157, %dma_start3A_165] : memref<16x64xi32, #tpu.memory_space<vmem>> -> memref<1x64xi32, #tpu.memory_space<vmem>>
        %dma_start3A_167 = tpu.memref_squeeze %dma_start3A_166 : memref<1x64xi32, #tpu.memory_space<vmem>> -> memref<64xi32, #tpu.memory_space<vmem>>
        %dma_start3A_168 = arith.constant 0 : i32
        %dma_start3A_169 = arith.constant 0 : i32
        %dma_start3A_170 = tpu.memref_slice %arg13[%dma_start3A_168, %dma_start3A_169] : memref<10112x128xf32, #tpu.memory_space<vmem_shared>> -> memref<10112x128xf32, #tpu.memory_space<vmem_shared>>
        tpu.enqueue_indirect_dma source(%arg11 : memref<64x128xf32, #tpu.memory_space<vmem>>) target(%dma_start3A_170 : memref<10112x128xf32, #tpu.memory_space<vmem_shared>>) offsets(%dma_start3A_167 : memref<64xi32, #tpu.memory_space<vmem>>) semaphore(%arg20 : memref<!tpu.dma_semaphore, #tpu.memory_space<semaphore_mem>>) {add = true}
        %scan3A_171 = arith.constant 0 : i32
        %scan3A_172 = arith.constant 4 : i32
        %scan3A_173 = arith.addi %scan3A_171, %scan3A_172 : i32
        %scan3A_174 = arith.constant 1 : i32
        scf.for %scan3A_222 = %scan3A_171 to %scan3A_173 step %scan3A_174  : i32 {
          %mul3A_223 = arith.constant 16 : i32
          %mul3A_224 = arith.muli %scan3A_222, %mul3A_223 : i32
          %add3A_225 = arith.constant 0 : i32
          %add3A_226 = arith.addi %add3A_225, %mul3A_224 : i32
          %get3A = arith.index_cast %add3A_157 : i32 to index
          %get3A_227 = arith.index_cast %add3A_226 : i32 to index
          %get3A_228 = tpu.vector_load %arg8[%get3A, %get3A_227] {strides = array<i32>} : memref<16x64xi32, #tpu.memory_space<vmem>>, vector<16xi32>,
          tpu.vector_store_idx %arg22[%get3A_228], %broadcast_in_dim3A_27 {add = true} : memref<10112xf32, #tpu.memory_space<vmem>>[vector<16xi32>], vector<16xf32>,
        }
        %scan3A_175 = arith.constant 4 : i32
        %ge3A_176 = arith.constant 2 : i32
        %ge3A_177 = arith.cmpi sge, %add3A_157, %ge3A_176 : i32
        %convert_element_type3A_178 = arith.extui %ge3A_177 : i1 to i32
        %cond3A_179 = arith.constant 0 : i32
        %cond3A_180 = arith.cmpi ne, %convert_element_type3A_178, %cond3A_179 : i32
        scf.if %cond3A_180 {
          %dma_wait3A_222 = arith.constant 0 : i32
          %dma_wait3A_223 = arith.constant 0 : i32
          %dma_wait3A_224 = tpu.memref_slice %arg8[%dma_wait3A_222, %dma_wait3A_223] : memref<16x64xi32, #tpu.memory_space<vmem>> -> memref<1x64xi32, #tpu.memory_space<vmem>>
          %dma_wait3A_225 = tpu.memref_squeeze %dma_wait3A_224 : memref<1x64xi32, #tpu.memory_space<vmem>> -> memref<64xi32, #tpu.memory_space<vmem>>
          %dma_wait3A_226 = arith.constant 0 : i32
          %dma_wait3A_227 = arith.constant 0 : i32
          %dma_wait3A_228 = tpu.memref_slice %arg13[%dma_wait3A_226, %dma_wait3A_227] : memref<10112x128xf32, #tpu.memory_space<vmem_shared>> -> memref<10112x128xf32, #tpu.memory_space<vmem_shared>>
          tpu.wait_indirect_dma semaphore(%arg18 : memref<!tpu.dma_semaphore, #tpu.memory_space<semaphore_mem>>) src(%arg9 : memref<64x128xf32, #tpu.memory_space<vmem>>) dst(%dma_wait3A_228 : memref<10112x128xf32, #tpu.memory_space<vmem_shared>>)
        } else {
        }
        %add3A_181 = arith.constant 2 : i32
        %add3A_182 = arith.addi %add3A_157, %add3A_181 : i32
        %lt3A_183 = arith.constant 16 : i32
        %lt3A_184 = arith.cmpi slt, %add3A_182, %lt3A_183 : i32
        %convert_element_type3A_185 = arith.extui %lt3A_184 : i1 to i32
        %cond3A_186 = arith.constant 0 : i32
        %cond3A_187 = arith.cmpi ne, %convert_element_type3A_185, %cond3A_186 : i32
        scf.if %cond3A_187 {
          %add3A_222 = arith.constant 2 : i32
          %add3A_223 = arith.addi %add3A_157, %add3A_222 : i32
          %dma_start3A_224 = arith.constant 0 : i32
          %dma_start3A_225 = tpu.memref_slice %arg7[%add3A_223, %dma_start3A_224] : memref<16x64xi32, #tpu.memory_space<vmem>> -> memref<1x64xi32, #tpu.memory_space<vmem>>
          %dma_start3A_226 = tpu.memref_squeeze %dma_start3A_225 : memref<1x64xi32, #tpu.memory_space<vmem>> -> memref<64xi32, #tpu.memory_space<vmem>>
          %dma_start3A_227 = arith.constant 0 : i32
          %dma_start3A_228 = arith.constant 0 : i32
          %dma_start3A_229 = tpu.memref_slice %arg2[%dma_start3A_227, %dma_start3A_228] : memref<10000x128xf32, #tpu.memory_space<hbm>> -> memref<10000x128xf32, #tpu.memory_space<hbm>>
          tpu.enqueue_indirect_dma source(%dma_start3A_229 : memref<10000x128xf32, #tpu.memory_space<hbm>>) target(%arg9 : memref<64x128xf32, #tpu.memory_space<vmem>>) offsets(%dma_start3A_226 : memref<64xi32, #tpu.memory_space<vmem>>) semaphore(%arg14 : memref<!tpu.dma_semaphore, #tpu.memory_space<semaphore_mem>>)
        } else {
        }
        %mul3A_188 = arith.constant 4 : i32
        %mul3A_189 = arith.muli %add3A_89, %mul3A_188 : i32
        %add3A_190 = arith.constant 3 : i32
        %add3A_191 = arith.addi %mul3A_189, %add3A_190 : i32
        %dma_wait3A_192 = arith.constant 0 : i32
        %dma_wait3A_193 = arith.constant 0 : i32
        %dma_wait3A_194 = tpu.memref_slice %arg7[%dma_wait3A_192, %dma_wait3A_193] : memref<16x64xi32, #tpu.memory_space<vmem>> -> memref<1x64xi32, #tpu.memory_space<vmem>>
        %dma_wait3A_195 = tpu.memref_squeeze %dma_wait3A_194 : memref<1x64xi32, #tpu.memory_space<vmem>> -> memref<64xi32, #tpu.memory_space<vmem>>
        %dma_wait3A_196 = arith.constant 0 : i32
        %dma_wait3A_197 = arith.constant 0 : i32
        %dma_wait3A_198 = tpu.memref_slice %arg2[%dma_wait3A_196, %dma_wait3A_197] : memref<10000x128xf32, #tpu.memory_space<hbm>> -> memref<10000x128xf32, #tpu.memory_space<hbm>>
        tpu.wait_indirect_dma semaphore(%arg17 : memref<!tpu.dma_semaphore, #tpu.memory_space<semaphore_mem>>) src(%dma_wait3A_198 : memref<10000x128xf32, #tpu.memory_space<hbm>>) dst(%arg12 : memref<64x128xf32, #tpu.memory_space<vmem>>)
        %dma_start3A_199 = arith.constant 0 : i32
        %dma_start3A_200 = tpu.memref_slice %arg8[%add3A_191, %dma_start3A_199] : memref<16x64xi32, #tpu.memory_space<vmem>> -> memref<1x64xi32, #tpu.memory_space<vmem>>
        %dma_start3A_201 = tpu.memref_squeeze %dma_start3A_200 : memref<1x64xi32, #tpu.memory_space<vmem>> -> memref<64xi32, #tpu.memory_space<vmem>>
        %dma_start3A_202 = arith.constant 0 : i32
        %dma_start3A_203 = arith.constant 0 : i32
        %dma_start3A_204 = tpu.memref_slice %arg13[%dma_start3A_202, %dma_start3A_203] : memref<10112x128xf32, #tpu.memory_space<vmem_shared>> -> memref<10112x128xf32, #tpu.memory_space<vmem_shared>>
        tpu.enqueue_indirect_dma source(%arg12 : memref<64x128xf32, #tpu.memory_space<vmem>>) target(%dma_start3A_204 : memref<10112x128xf32, #tpu.memory_space<vmem_shared>>) offsets(%dma_start3A_201 : memref<64xi32, #tpu.memory_space<vmem>>) semaphore(%arg21 : memref<!tpu.dma_semaphore, #tpu.memory_space<semaphore_mem>>) {add = true}
        %scan3A_205 = arith.constant 0 : i32
        %scan3A_206 = arith.constant 4 : i32
        %scan3A_207 = arith.addi %scan3A_205, %scan3A_206 : i32
        %scan3A_208 = arith.constant 1 : i32
        scf.for %scan3A_222 = %scan3A_205 to %scan3A_207 step %scan3A_208  : i32 {
          %mul3A_223 = arith.constant 16 : i32
          %mul3A_224 = arith.muli %scan3A_222, %mul3A_223 : i32
          %add3A_225 = arith.constant 0 : i32
          %add3A_226 = arith.addi %add3A_225, %mul3A_224 : i32
          %get3A = arith.index_cast %add3A_191 : i32 to index
          %get3A_227 = arith.index_cast %add3A_226 : i32 to index
          %get3A_228 = tpu.vector_load %arg8[%get3A, %get3A_227] {strides = array<i32>} : memref<16x64xi32, #tpu.memory_space<vmem>>, vector<16xi32>,
          tpu.vector_store_idx %arg22[%get3A_228], %broadcast_in_dim3A_27 {add = true} : memref<10112xf32, #tpu.memory_space<vmem>>[vector<16xi32>], vector<16xf32>,
        }
        %scan3A_209 = arith.constant 4 : i32
        %ge3A_210 = arith.constant 2 : i32
        %ge3A_211 = arith.cmpi sge, %add3A_191, %ge3A_210 : i32
        %convert_element_type3A_212 = arith.extui %ge3A_211 : i1 to i32
        %cond3A_213 = arith.constant 0 : i32
        %cond3A_214 = arith.cmpi ne, %convert_element_type3A_212, %cond3A_213 : i32
        scf.if %cond3A_214 {
          %dma_wait3A_222 = arith.constant 0 : i32
          %dma_wait3A_223 = arith.constant 0 : i32
          %dma_wait3A_224 = tpu.memref_slice %arg8[%dma_wait3A_222, %dma_wait3A_223] : memref<16x64xi32, #tpu.memory_space<vmem>> -> memref<1x64xi32, #tpu.memory_space<vmem>>
          %dma_wait3A_225 = tpu.memref_squeeze %dma_wait3A_224 : memref<1x64xi32, #tpu.memory_space<vmem>> -> memref<64xi32, #tpu.memory_space<vmem>>
          %dma_wait3A_226 = arith.constant 0 : i32
          %dma_wait3A_227 = arith.constant 0 : i32
          %dma_wait3A_228 = tpu.memref_slice %arg13[%dma_wait3A_226, %dma_wait3A_227] : memref<10112x128xf32, #tpu.memory_space<vmem_shared>> -> memref<10112x128xf32, #tpu.memory_space<vmem_shared>>
          tpu.wait_indirect_dma semaphore(%arg19 : memref<!tpu.dma_semaphore, #tpu.memory_space<semaphore_mem>>) src(%arg10 : memref<64x128xf32, #tpu.memory_space<vmem>>) dst(%dma_wait3A_228 : memref<10112x128xf32, #tpu.memory_space<vmem_shared>>)
        } else {
        }
        %add3A_215 = arith.constant 2 : i32
        %add3A_216 = arith.addi %add3A_191, %add3A_215 : i32
        %lt3A_217 = arith.constant 16 : i32
        %lt3A_218 = arith.cmpi slt, %add3A_216, %lt3A_217 : i32
        %convert_element_type3A_219 = arith.extui %lt3A_218 : i1 to i32
        %cond3A_220 = arith.constant 0 : i32
        %cond3A_221 = arith.cmpi ne, %convert_element_type3A_219, %cond3A_220 : i32
        scf.if %cond3A_221 {
          %add3A_222 = arith.constant 2 : i32
          %add3A_223 = arith.addi %add3A_191, %add3A_222 : i32
          %dma_start3A_224 = arith.constant 0 : i32
          %dma_start3A_225 = tpu.memref_slice %arg7[%add3A_223, %dma_start3A_224] : memref<16x64xi32, #tpu.memory_space<vmem>> -> memref<1x64xi32, #tpu.memory_space<vmem>>
          %dma_start3A_226 = tpu.memref_squeeze %dma_start3A_225 : memref<1x64xi32, #tpu.memory_space<vmem>> -> memref<64xi32, #tpu.memory_space<vmem>>
          %dma_start3A_227 = arith.constant 0 : i32
          %dma_start3A_228 = arith.constant 0 : i32
          %dma_start3A_229 = tpu.memref_slice %arg2[%dma_start3A_227, %dma_start3A_228] : memref<10000x128xf32, #tpu.memory_space<hbm>> -> memref<10000x128xf32, #tpu.memory_space<hbm>>
          tpu.enqueue_indirect_dma source(%dma_start3A_229 : memref<10000x128xf32, #tpu.memory_space<hbm>>) target(%arg10 : memref<64x128xf32, #tpu.memory_space<vmem>>) offsets(%dma_start3A_226 : memref<64xi32, #tpu.memory_space<vmem>>) semaphore(%arg15 : memref<!tpu.dma_semaphore, #tpu.memory_space<semaphore_mem>>)
        } else {
        }
      }
      %scan3A_71 = arith.constant 4 : i32
      %dma_wait3A = arith.constant 0 : i32
      %dma_wait3A_72 = arith.constant 0 : i32
      %dma_wait3A_73 = tpu.memref_slice %arg8[%dma_wait3A, %dma_wait3A_72] : memref<16x64xi32, #tpu.memory_space<vmem>> -> memref<1x64xi32, #tpu.memory_space<vmem>>
      %dma_wait3A_74 = tpu.memref_squeeze %dma_wait3A_73 : memref<1x64xi32, #tpu.memory_space<vmem>> -> memref<64xi32, #tpu.memory_space<vmem>>
      %dma_wait3A_75 = arith.constant 0 : i32
      %dma_wait3A_76 = arith.constant 0 : i32
      %dma_wait3A_77 = tpu.memref_slice %arg13[%dma_wait3A_75, %dma_wait3A_76] : memref<10112x128xf32, #tpu.memory_space<vmem_shared>> -> memref<10112x128xf32, #tpu.memory_space<vmem_shared>>
      tpu.wait_indirect_dma semaphore(%arg20 : memref<!tpu.dma_semaphore, #tpu.memory_space<semaphore_mem>>) src(%arg11 : memref<64x128xf32, #tpu.memory_space<vmem>>) dst(%dma_wait3A_77 : memref<10112x128xf32, #tpu.memory_space<vmem_shared>>)
      %dma_wait3A_78 = arith.constant 0 : i32
      %dma_wait3A_79 = arith.constant 0 : i32
      %dma_wait3A_80 = tpu.memref_slice %arg8[%dma_wait3A_78, %dma_wait3A_79] : memref<16x64xi32, #tpu.memory_space<vmem>> -> memref<1x64xi32, #tpu.memory_space<vmem>>
      %dma_wait3A_81 = tpu.memref_squeeze %dma_wait3A_80 : memref<1x64xi32, #tpu.memory_space<vmem>> -> memref<64xi32, #tpu.memory_space<vmem>>
      %dma_wait3A_82 = arith.constant 0 : i32
      %dma_wait3A_83 = arith.constant 0 : i32
      %dma_wait3A_84 = tpu.memref_slice %arg13[%dma_wait3A_82, %dma_wait3A_83] : memref<10112x128xf32, #tpu.memory_space<vmem_shared>> -> memref<10112x128xf32, #tpu.memory_space<vmem_shared>>
      tpu.wait_indirect_dma semaphore(%arg21 : memref<!tpu.dma_semaphore, #tpu.memory_space<semaphore_mem>>) src(%arg12 : memref<64x128xf32, #tpu.memory_space<vmem>>) dst(%dma_wait3A_84 : memref<10112x128xf32, #tpu.memory_space<vmem_shared>>)
    }
    %mul3A_44 = arith.constant 2 : i32
    %mul3A_45 = arith.muli %arg1, %mul3A_44 : i32
    %add3A_46 = arith.addi %mul3A_45, %arg0 : i32
    "tpu.region"() ({
      %run_scoped3A = tpu.sem_alloc : memref<!tpu.dma_semaphore, #tpu.memory_space<semaphore_mem>>
      %dma_start3A = arith.constant 0 : i32
      %dma_start3A_48 = tpu.memref_slice %arg6[%add3A_46, %dma_start3A] : memref<32x10112xf32, #tpu.memory_space<hbm>> -> memref<1x10112xf32, #tpu.memory_space<hbm>>
      %dma_start3A_49 = tpu.memref_squeeze %dma_start3A_48 : memref<1x10112xf32, #tpu.memory_space<hbm>> -> memref<10112xf32, #tpu.memory_space<hbm>>
      %dma_start3A_50 = arith.constant 0 : i32
      %dma_start3A_51 = tpu.memref_slice %arg6[%add3A_46, %dma_start3A_50] : memref<32x10112xf32, #tpu.memory_space<hbm>> -> memref<1x10112xf32, #tpu.memory_space<hbm>>
      %dma_start3A_52 = tpu.memref_squeeze %dma_start3A_51 : memref<1x10112xf32, #tpu.memory_space<hbm>> -> memref<10112xf32, #tpu.memory_space<hbm>>
      tpu.enqueue_dma source(%arg22 : memref<10112xf32, #tpu.memory_space<vmem>>) target(%dma_start3A_52 : memref<10112xf32, #tpu.memory_space<hbm>>) target_semaphore(%run_scoped3A : memref<!tpu.dma_semaphore, #tpu.memory_space<semaphore_mem>>)
      %dma_wait3A = arith.constant 0 : i32
      %dma_wait3A_53 = tpu.memref_slice %arg6[%add3A_46, %dma_wait3A] : memref<32x10112xf32, #tpu.memory_space<hbm>> -> memref<1x10112xf32, #tpu.memory_space<hbm>>
      %dma_wait3A_54 = tpu.memref_squeeze %dma_wait3A_53 : memref<1x10112xf32, #tpu.memory_space<hbm>> -> memref<10112xf32, #tpu.memory_space<hbm>>
      %dma_wait3A_55 = arith.constant 0 : i32
      %dma_wait3A_56 = tpu.memref_slice %arg6[%add3A_46, %dma_wait3A_55] : memref<32x10112xf32, #tpu.memory_space<hbm>> -> memref<1x10112xf32, #tpu.memory_space<hbm>>
      %dma_wait3A_57 = tpu.memref_squeeze %dma_wait3A_56 : memref<1x10112xf32, #tpu.memory_space<hbm>> -> memref<10112xf32, #tpu.memory_space<hbm>>
      tpu.wait_dma2 semaphore(%run_scoped3A : memref<!tpu.dma_semaphore, #tpu.memory_space<semaphore_mem>>) src(%arg22 : memref<10112xf32, #tpu.memory_space<vmem>>) dst(%dma_wait3A_57 : memref<10112xf32, #tpu.memory_space<hbm>>)
      tpu.yield
    }) : () -> ()
    %barrier3A_47 = arith.constant 0 : index
    tpu.barrier barrier_id(%barrier3A_47)
    "tpu.region"() ({
      %run_scoped3A = tpu.sem_alloc : memref<!tpu.dma_semaphore, #tpu.memory_space<semaphore_mem>>
      %dma_start3A = arith.constant 0 : i32
      %dma_start3A_48 = tpu.memref_slice %arg5[%arg0, %mul3A_12, %dma_start3A] : memref<2x10112x128xf32, #tpu.memory_space<hbm>> -> memref<1x632x128xf32, #tpu.memory_space<hbm>>
      %dma_start3A_49 = tpu.memref_squeeze %dma_start3A_48 : memref<1x632x128xf32, #tpu.memory_space<hbm>> -> memref<632x128xf32, #tpu.memory_space<hbm>>
      %dma_start3A_50 = arith.constant 0 : i32
      %dma_start3A_51 = tpu.memref_slice %arg13[%mul3A_12, %dma_start3A_50] : memref<10112x128xf32, #tpu.memory_space<vmem_shared>> -> memref<632x128xf32, #tpu.memory_space<vmem_shared>>
      tpu.enqueue_dma source(%dma_start3A_51 : memref<632x128xf32, #tpu.memory_space<vmem_shared>>) target(%dma_start3A_49 : memref<632x128xf32, #tpu.memory_space<hbm>>) target_semaphore(%run_scoped3A : memref<!tpu.dma_semaphore, #tpu.memory_space<semaphore_mem>>)
      %dma_wait3A = arith.constant 0 : i32
      %dma_wait3A_52 = tpu.memref_slice %arg5[%arg0, %mul3A_12, %dma_wait3A] : memref<2x10112x128xf32, #tpu.memory_space<hbm>> -> memref<1x632x128xf32, #tpu.memory_space<hbm>>
      %dma_wait3A_53 = tpu.memref_squeeze %dma_wait3A_52 : memref<1x632x128xf32, #tpu.memory_space<hbm>> -> memref<632x128xf32, #tpu.memory_space<hbm>>
      %dma_wait3A_54 = arith.constant 0 : i32
      %dma_wait3A_55 = tpu.memref_slice %arg13[%mul3A_12, %dma_wait3A_54] : memref<10112x128xf32, #tpu.memory_space<vmem_shared>> -> memref<632x128xf32, #tpu.memory_space<vmem_shared>>
      tpu.wait_dma2 semaphore(%run_scoped3A : memref<!tpu.dma_semaphore, #tpu.memory_space<semaphore_mem>>) src(%dma_wait3A_55 : memref<632x128xf32, #tpu.memory_space<vmem_shared>>) dst(%dma_wait3A_53 : memref<632x128xf32, #tpu.memory_space<hbm>>)
      tpu.yield
    }) : () -> ()
    return
  }
}

module attributes {stable_mosaic.version = 14 : i64} {
  func.func @_mm2_kernel(%arg0: i32, %arg1: memref<2000x128xf32, #tpu.memory_space<vmem>>, %arg2: memref<128x128xf32, #tpu.memory_space<vmem>>, %arg3: memref<128x128xf32, #tpu.memory_space<vmem>>, %arg4: memref<2000x128xf32, #tpu.memory_space<vmem>>, %arg5: memref<2000x128xf32, #tpu.memory_space<vmem>>) attributes {dimension_semantics = [#tpu.dimension_semantics<arbitrary>], iteration_bounds = array<i64: 5>, scalar_prefetch = 0 : i64, scratch_operands = 0 : i64, tpu.core_type = #tpu.core_type<tc>, window_params = [{transform_indices = @transform_0, window_bounds = array<i64: 2000, 128>}, {pipeline_mode = #tpu.pipeline_mode<synchronous>, transform_indices = @transform_1, window_bounds = array<i64: 128, 128>}, {pipeline_mode = #tpu.pipeline_mode<synchronous>, transform_indices = @transform_2, window_bounds = array<i64: 128, 128>}, {transform_indices = @transform_3, window_bounds = array<i64: 2000, 128>}, {transform_indices = @transform_4, window_bounds = array<i64: 2000, 128>}]} {
    %get3A = arith.constant 0 : index
    %get3A_0 = arith.constant 0 : index
    %get3A_1 = vector.load %arg1[%get3A, %get3A_0] : memref<2000x128xf32, #tpu.memory_space<vmem>>, vector<2000x128xf32>
    %get3A_2 = arith.constant 0 : index
    %get3A_3 = arith.constant 0 : index
    %get3A_4 = vector.load %arg2[%get3A_2, %get3A_3] : memref<128x128xf32, #tpu.memory_space<vmem>>, vector<128x128xf32>
    %dot_general3A = arith.constant dense<0.000000e+00> : vector<2000x128xf32>
    %dot_general3A_5 = tpu.matmul %get3A_1, %get3A_4, %dot_general3A {dimension_numbers = #tpu.dot_dimension_numbers<[1], [0], [0], [1], [0, 0, 1, 1], [], []>, transpose_lhs_hint = false} : vector<2000x128xf32>, vector<128x128xf32>, vector<2000x128xf32> -> vector<2000x128xf32>
    %swap3A = arith.constant 0 : index
    %swap3A_6 = arith.constant 0 : index
    %swap3A_7 = vector.load %arg4[%swap3A, %swap3A_6] : memref<2000x128xf32, #tpu.memory_space<vmem>>, vector<2000x128xf32>
    tpu.vector_store %arg4[%swap3A, %swap3A_6], %dot_general3A_5 {strides = array<i32>} : memref<2000x128xf32, #tpu.memory_space<vmem>>, vector<2000x128xf32>,
    %get3A_8 = arith.constant 0 : index
    %get3A_9 = arith.constant 0 : index
    %get3A_10 = vector.load %arg3[%get3A_8, %get3A_9] : memref<128x128xf32, #tpu.memory_space<vmem>>, vector<128x128xf32>
    %dot_general3A_11 = arith.constant dense<0.000000e+00> : vector<2000x128xf32>
    %dot_general3A_12 = tpu.matmul %get3A_1, %get3A_10, %dot_general3A_11 {dimension_numbers = #tpu.dot_dimension_numbers<[1], [0], [0], [1], [0, 0, 1, 1], [], []>, transpose_lhs_hint = false} : vector<2000x128xf32>, vector<128x128xf32>, vector<2000x128xf32> -> vector<2000x128xf32>
    %swap3A_13 = arith.constant 0 : index
    %swap3A_14 = arith.constant 0 : index
    %swap3A_15 = vector.load %arg5[%swap3A_13, %swap3A_14] : memref<2000x128xf32, #tpu.memory_space<vmem>>, vector<2000x128xf32>
    tpu.vector_store %arg5[%swap3A_13, %swap3A_14], %dot_general3A_12 {strides = array<i32>} : memref<2000x128xf32, #tpu.memory_space<vmem>>, vector<2000x128xf32>,
    return
  }
  func.func @transform_0(%arg0: i32) -> (i32, i32) {
    %c0_i32 = arith.constant 0 : i32
    %c0_i32_0 = arith.constant 0 : i32
    return %arg0, %c0_i32 : i32, i32
  }
  func.func @transform_1(%arg0: i32) -> (i32, i32) {
    %c0_i32 = arith.constant 0 : i32
    %c0_i32_0 = arith.constant 0 : i32
    %c0_i32_1 = arith.constant 0 : i32
    return %c0_i32, %c0_i32_0 : i32, i32
  }
  func.func @transform_2(%arg0: i32) -> (i32, i32) {
    %c0_i32 = arith.constant 0 : i32
    %c0_i32_0 = arith.constant 0 : i32
    %c0_i32_1 = arith.constant 0 : i32
    return %c0_i32, %c0_i32_0 : i32, i32
  }
  func.func @transform_3(%arg0: i32) -> (i32, i32) {
    %c0_i32 = arith.constant 0 : i32
    %c0_i32_0 = arith.constant 0 : i32
    return %arg0, %c0_i32 : i32, i32
  }
  func.func @transform_4(%arg0: i32) -> (i32, i32) {
    %c0_i32 = arith.constant 0 : i32
    %c0_i32_0 = arith.constant 0 : i32
    return %arg0, %c0_i32 : i32, i32
  }
}

module attributes {stable_mosaic.version = 14 : i64} {
  func.func @_combine_mm2_kernel(%arg0: i32, %arg1: memref<2x2000x128xf32, #tpu.memory_space<vmem>>, %arg2: memref<2000x32xf32, #tpu.memory_space<vmem>>, %arg3: memref<2000x128xf32, #tpu.memory_space<vmem>>, %arg4: memref<128xf32, #tpu.memory_space<vmem>>, %arg5: memref<128x128xf32, #tpu.memory_space<vmem>>, %arg6: memref<128x128xf32, #tpu.memory_space<vmem>>, %arg7: memref<2000x128xf32, #tpu.memory_space<vmem>>, %arg8: memref<2000x128xf32, #tpu.memory_space<vmem>>) attributes {dimension_semantics = [#tpu.dimension_semantics<arbitrary>], iteration_bounds = array<i64: 5>, scalar_prefetch = 0 : i64, scratch_operands = 0 : i64, tpu.core_type = #tpu.core_type<tc>, window_params = [{transform_indices = @transform_0, window_bounds = array<i64: 2, 2000, 128>}, {transform_indices = @transform_1, window_bounds = array<i64: 2000, 32>}, {transform_indices = @transform_2, window_bounds = array<i64: 2000, 128>}, {pipeline_mode = #tpu.pipeline_mode<synchronous>, transform_indices = @transform_3, window_bounds = array<i64: 128>}, {pipeline_mode = #tpu.pipeline_mode<synchronous>, transform_indices = @transform_4, window_bounds = array<i64: 128, 128>}, {pipeline_mode = #tpu.pipeline_mode<synchronous>, transform_indices = @transform_5, window_bounds = array<i64: 128, 128>}, {transform_indices = @transform_6, window_bounds = array<i64: 2000, 128>}, {transform_indices = @transform_7, window_bounds = array<i64: 2000, 128>}]} {
    %get3A = arith.constant 0 : index
    %get3A_0 = arith.constant 0 : index
    %get3A_1 = arith.constant 0 : index
    %get3A_2 = vector.load %arg1[%get3A, %get3A_0, %get3A_1] : memref<2x2000x128xf32, #tpu.memory_space<vmem>>, vector<1x2000x128xf32>
    %get3A_3 = vector.shape_cast %get3A_2 : vector<1x2000x128xf32> to vector<2000x128xf32>
    %get3A_4 = arith.constant 1 : index
    %get3A_5 = arith.constant 0 : index
    %get3A_6 = arith.constant 0 : index
    %get3A_7 = vector.load %arg1[%get3A_4, %get3A_5, %get3A_6] : memref<2x2000x128xf32, #tpu.memory_space<vmem>>, vector<1x2000x128xf32>
    %get3A_8 = vector.shape_cast %get3A_7 : vector<1x2000x128xf32> to vector<2000x128xf32>
    %add3A = arith.addf %get3A_3, %get3A_8 : vector<2000x128xf32>
    %get3A_9 = arith.constant 0 : index
    %get3A_10 = arith.constant 0 : index
    %get3A_11 = vector.load %arg2[%get3A_9, %get3A_10] : memref<2000x32xf32, #tpu.memory_space<vmem>>, vector<2000x32xf32>
    %reduce_sum3A = arith.constant dense<0.000000e+00> : vector<2000xf32>
    %reduce_sum3A_12 = vector.multi_reduction <add>, %get3A_11, %reduce_sum3A [1] : vector<2000x32xf32> to vector<2000xf32>
    %broadcast_in_dim3A = vector.shape_cast %reduce_sum3A_12 : vector<2000xf32> to vector<2000x1xf32>
    %max3A = arith.constant 1.000000e+00 : f32
    %max3A_13 = vector.broadcast %max3A : f32 to vector<2000x1xf32>
    %max3A_14 = arith.maximumf %broadcast_in_dim3A, %max3A_13 : vector<2000x1xf32>
    %div3A = vector.broadcast %max3A_14 : vector<2000x1xf32> to vector<2000x128xf32>
    %div3A_15 = arith.divf %add3A, %div3A : vector<2000x128xf32>
    %get3A_16 = arith.constant 0 : index
    %get3A_17 = vector.load %arg4[%get3A_16] : memref<128xf32, #tpu.memory_space<vmem>>, vector<128xf32>
    %broadcast_in_dim3A_18 = vector.shape_cast %get3A_17 : vector<128xf32> to vector<1x128xf32>
    %add3A_19 = vector.broadcast %broadcast_in_dim3A_18 : vector<1x128xf32> to vector<2000x128xf32>
    %add3A_20 = arith.addf %div3A_15, %add3A_19 : vector<2000x128xf32>
    %get3A_21 = arith.constant 0 : index
    %get3A_22 = arith.constant 0 : index
    %get3A_23 = vector.load %arg3[%get3A_21, %get3A_22] : memref<2000x128xf32, #tpu.memory_space<vmem>>, vector<2000x128xf32>
    %add3A_24 = arith.addf %add3A_20, %get3A_23 : vector<2000x128xf32>
    %max3A_25 = arith.constant 0.000000e+00 : f32
    %max3A_26 = vector.broadcast %max3A_25 : f32 to vector<2000x128xf32>
    %max3A_27 = arith.maximumf %add3A_24, %max3A_26 : vector<2000x128xf32>
    %get3A_28 = arith.constant 0 : index
    %get3A_29 = arith.constant 0 : index
    %get3A_30 = vector.load %arg5[%get3A_28, %get3A_29] : memref<128x128xf32, #tpu.memory_space<vmem>>, vector<128x128xf32>
    %dot_general3A = arith.constant dense<0.000000e+00> : vector<2000x128xf32>
    %dot_general3A_31 = tpu.matmul %max3A_27, %get3A_30, %dot_general3A {dimension_numbers = #tpu.dot_dimension_numbers<[1], [0], [0], [1], [0, 0, 1, 1], [], []>, transpose_lhs_hint = false} : vector<2000x128xf32>, vector<128x128xf32>, vector<2000x128xf32> -> vector<2000x128xf32>
    %swap3A = arith.constant 0 : index
    %swap3A_32 = arith.constant 0 : index
    %swap3A_33 = vector.load %arg7[%swap3A, %swap3A_32] : memref<2000x128xf32, #tpu.memory_space<vmem>>, vector<2000x128xf32>
    tpu.vector_store %arg7[%swap3A, %swap3A_32], %dot_general3A_31 {strides = array<i32>} : memref<2000x128xf32, #tpu.memory_space<vmem>>, vector<2000x128xf32>,
    %get3A_34 = arith.constant 0 : index
    %get3A_35 = arith.constant 0 : index
    %get3A_36 = vector.load %arg6[%get3A_34, %get3A_35] : memref<128x128xf32, #tpu.memory_space<vmem>>, vector<128x128xf32>
    %dot_general3A_37 = arith.constant dense<0.000000e+00> : vector<2000x128xf32>
    %dot_general3A_38 = tpu.matmul %max3A_27, %get3A_36, %dot_general3A_37 {dimension_numbers = #tpu.dot_dimension_numbers<[1], [0], [0], [1], [0, 0, 1, 1], [], []>, transpose_lhs_hint = false} : vector<2000x128xf32>, vector<128x128xf32>, vector<2000x128xf32> -> vector<2000x128xf32>
    %swap3A_39 = arith.constant 0 : index
    %swap3A_40 = arith.constant 0 : index
    %swap3A_41 = vector.load %arg8[%swap3A_39, %swap3A_40] : memref<2000x128xf32, #tpu.memory_space<vmem>>, vector<2000x128xf32>
    tpu.vector_store %arg8[%swap3A_39, %swap3A_40], %dot_general3A_38 {strides = array<i32>} : memref<2000x128xf32, #tpu.memory_space<vmem>>, vector<2000x128xf32>,
    return
  }
  func.func @transform_0(%arg0: i32) -> (i32, i32, i32) {
    %c0_i32 = arith.constant 0 : i32
    %c0_i32_0 = arith.constant 0 : i32
    %c0_i32_1 = arith.constant 0 : i32
    return %c0_i32, %arg0, %c0_i32_0 : i32, i32, i32
  }
  func.func @transform_1(%arg0: i32) -> (i32, i32) {
    %c0_i32 = arith.constant 0 : i32
    %c0_i32_0 = arith.constant 0 : i32
    return %arg0, %c0_i32 : i32, i32
  }
  func.func @transform_2(%arg0: i32) -> (i32, i32) {
    %c0_i32 = arith.constant 0 : i32
    %c0_i32_0 = arith.constant 0 : i32
    return %arg0, %c0_i32 : i32, i32
  }
  func.func @transform_3(%arg0: i32) -> i32 {
    %c0_i32 = arith.constant 0 : i32
    %c0_i32_0 = arith.constant 0 : i32
    return %c0_i32 : i32
  }
  func.func @transform_4(%arg0: i32) -> (i32, i32) {
    %c0_i32 = arith.constant 0 : i32
    %c0_i32_0 = arith.constant 0 : i32
    %c0_i32_1 = arith.constant 0 : i32
    return %c0_i32, %c0_i32_0 : i32, i32
  }
  func.func @transform_5(%arg0: i32) -> (i32, i32) {
    %c0_i32 = arith.constant 0 : i32
    %c0_i32_0 = arith.constant 0 : i32
    %c0_i32_1 = arith.constant 0 : i32
    return %c0_i32, %c0_i32_0 : i32, i32
  }
  func.func @transform_6(%arg0: i32) -> (i32, i32) {
    %c0_i32 = arith.constant 0 : i32
    %c0_i32_0 = arith.constant 0 : i32
    return %arg0, %c0_i32 : i32, i32
  }
  func.func @transform_7(%arg0: i32) -> (i32, i32) {
    %c0_i32 = arith.constant 0 : i32
    %c0_i32_0 = arith.constant 0 : i32
    return %arg0, %c0_i32 : i32, i32
  }
}

module attributes {stable_mosaic.version = 14 : i64} {
  func.func @_combine_out_kernel(%arg0: i32, %arg1: memref<2x2000x128xf32, #tpu.memory_space<vmem>>, %arg2: memref<2000x32xf32, #tpu.memory_space<vmem>>, %arg3: memref<2000x128xf32, #tpu.memory_space<vmem>>, %arg4: memref<128xf32, #tpu.memory_space<vmem>>, %arg5: memref<128x128xf32, #tpu.memory_space<vmem>>, %arg6: memref<128xf32, #tpu.memory_space<vmem>>, %arg7: memref<2000x128xf32, #tpu.memory_space<vmem>>) attributes {dimension_semantics = [#tpu.dimension_semantics<arbitrary>], iteration_bounds = array<i64: 5>, scalar_prefetch = 0 : i64, scratch_operands = 0 : i64, tpu.core_type = #tpu.core_type<tc>, window_params = [{transform_indices = @transform_0, window_bounds = array<i64: 2, 2000, 128>}, {transform_indices = @transform_1, window_bounds = array<i64: 2000, 32>}, {transform_indices = @transform_2, window_bounds = array<i64: 2000, 128>}, {pipeline_mode = #tpu.pipeline_mode<synchronous>, transform_indices = @transform_3, window_bounds = array<i64: 128>}, {pipeline_mode = #tpu.pipeline_mode<synchronous>, transform_indices = @transform_4, window_bounds = array<i64: 128, 128>}, {pipeline_mode = #tpu.pipeline_mode<synchronous>, transform_indices = @transform_5, window_bounds = array<i64: 128>}, {transform_indices = @transform_6, window_bounds = array<i64: 2000, 128>}]} {
    %get3A = arith.constant 0 : index
    %get3A_0 = arith.constant 0 : index
    %get3A_1 = arith.constant 0 : index
    %get3A_2 = vector.load %arg1[%get3A, %get3A_0, %get3A_1] : memref<2x2000x128xf32, #tpu.memory_space<vmem>>, vector<1x2000x128xf32>
    %get3A_3 = vector.shape_cast %get3A_2 : vector<1x2000x128xf32> to vector<2000x128xf32>
    %get3A_4 = arith.constant 1 : index
    %get3A_5 = arith.constant 0 : index
    %get3A_6 = arith.constant 0 : index
    %get3A_7 = vector.load %arg1[%get3A_4, %get3A_5, %get3A_6] : memref<2x2000x128xf32, #tpu.memory_space<vmem>>, vector<1x2000x128xf32>
    %get3A_8 = vector.shape_cast %get3A_7 : vector<1x2000x128xf32> to vector<2000x128xf32>
    %add3A = arith.addf %get3A_3, %get3A_8 : vector<2000x128xf32>
    %get3A_9 = arith.constant 0 : index
    %get3A_10 = arith.constant 0 : index
    %get3A_11 = vector.load %arg2[%get3A_9, %get3A_10] : memref<2000x32xf32, #tpu.memory_space<vmem>>, vector<2000x32xf32>
    %reduce_sum3A = arith.constant dense<0.000000e+00> : vector<2000xf32>
    %reduce_sum3A_12 = vector.multi_reduction <add>, %get3A_11, %reduce_sum3A [1] : vector<2000x32xf32> to vector<2000xf32>
    %broadcast_in_dim3A = vector.shape_cast %reduce_sum3A_12 : vector<2000xf32> to vector<2000x1xf32>
    %max3A = arith.constant 1.000000e+00 : f32
    %max3A_13 = vector.broadcast %max3A : f32 to vector<2000x1xf32>
    %max3A_14 = arith.maximumf %broadcast_in_dim3A, %max3A_13 : vector<2000x1xf32>
    %div3A = vector.broadcast %max3A_14 : vector<2000x1xf32> to vector<2000x128xf32>
    %div3A_15 = arith.divf %add3A, %div3A : vector<2000x128xf32>
    %get3A_16 = arith.constant 0 : index
    %get3A_17 = vector.load %arg4[%get3A_16] : memref<128xf32, #tpu.memory_space<vmem>>, vector<128xf32>
    %broadcast_in_dim3A_18 = vector.shape_cast %get3A_17 : vector<128xf32> to vector<1x128xf32>
    %add3A_19 = vector.broadcast %broadcast_in_dim3A_18 : vector<1x128xf32> to vector<2000x128xf32>
    %add3A_20 = arith.addf %div3A_15, %add3A_19 : vector<2000x128xf32>
    %get3A_21 = arith.constant 0 : index
    %get3A_22 = arith.constant 0 : index
    %get3A_23 = vector.load %arg3[%get3A_21, %get3A_22] : memref<2000x128xf32, #tpu.memory_space<vmem>>, vector<2000x128xf32>
    %add3A_24 = arith.addf %add3A_20, %get3A_23 : vector<2000x128xf32>
    %max3A_25 = arith.constant 0.000000e+00 : f32
    %max3A_26 = vector.broadcast %max3A_25 : f32 to vector<2000x128xf32>
    %max3A_27 = arith.maximumf %add3A_24, %max3A_26 : vector<2000x128xf32>
    %get3A_28 = arith.constant 0 : index
    %get3A_29 = arith.constant 0 : index
    %get3A_30 = vector.load %arg5[%get3A_28, %get3A_29] : memref<128x128xf32, #tpu.memory_space<vmem>>, vector<128x128xf32>
    %dot_general3A = arith.constant dense<0.000000e+00> : vector<2000x128xf32>
    %dot_general3A_31 = tpu.matmul %max3A_27, %get3A_30, %dot_general3A {dimension_numbers = #tpu.dot_dimension_numbers<[1], [0], [0], [1], [0, 0, 1, 1], [], []>, transpose_lhs_hint = false} : vector<2000x128xf32>, vector<128x128xf32>, vector<2000x128xf32> -> vector<2000x128xf32>
    %get3A_32 = arith.constant 0 : index
    %get3A_33 = vector.load %arg6[%get3A_32] : memref<128xf32, #tpu.memory_space<vmem>>, vector<128xf32>
    %broadcast_in_dim3A_34 = vector.shape_cast %get3A_33 : vector<128xf32> to vector<1x128xf32>
    %add3A_35 = vector.broadcast %broadcast_in_dim3A_34 : vector<1x128xf32> to vector<2000x128xf32>
    %add3A_36 = arith.addf %dot_general3A_31, %add3A_35 : vector<2000x128xf32>
    %swap3A = arith.constant 0 : index
    %swap3A_37 = arith.constant 0 : index
    %swap3A_38 = vector.load %arg7[%swap3A, %swap3A_37] : memref<2000x128xf32, #tpu.memory_space<vmem>>, vector<2000x128xf32>
    tpu.vector_store %arg7[%swap3A, %swap3A_37], %add3A_36 {strides = array<i32>} : memref<2000x128xf32, #tpu.memory_space<vmem>>, vector<2000x128xf32>,
    return
  }
  func.func @transform_0(%arg0: i32) -> (i32, i32, i32) {
    %c0_i32 = arith.constant 0 : i32
    %c0_i32_0 = arith.constant 0 : i32
    %c0_i32_1 = arith.constant 0 : i32
    return %c0_i32, %arg0, %c0_i32_0 : i32, i32, i32
  }
  func.func @transform_1(%arg0: i32) -> (i32, i32) {
    %c0_i32 = arith.constant 0 : i32
    %c0_i32_0 = arith.constant 0 : i32
    return %arg0, %c0_i32 : i32, i32
  }
  func.func @transform_2(%arg0: i32) -> (i32, i32) {
    %c0_i32 = arith.constant 0 : i32
    %c0_i32_0 = arith.constant 0 : i32
    return %arg0, %c0_i32 : i32, i32
  }
  func.func @transform_3(%arg0: i32) -> i32 {
    %c0_i32 = arith.constant 0 : i32
    %c0_i32_0 = arith.constant 0 : i32
    return %c0_i32 : i32
  }
  func.func @transform_4(%arg0: i32) -> (i32, i32) {
    %c0_i32 = arith.constant 0 : i32
    %c0_i32_0 = arith.constant 0 : i32
    %c0_i32_1 = arith.constant 0 : i32
    return %c0_i32, %c0_i32_0 : i32, i32
  }
  func.func @transform_5(%arg0: i32) -> i32 {
    %c0_i32 = arith.constant 0 : i32
    %c0_i32_0 = arith.constant 0 : i32
    return %c0_i32 : i32
  }
  func.func @transform_6(%arg0: i32) -> (i32, i32) {
    %c0_i32 = arith.constant 0 : i32
    %c0_i32_0 = arith.constant 0 : i32
    return %arg0, %c0_i32 : i32, i32
  }
}

</mosaic_0001>

<sc_bundles>
// kernel: kernel.10.cloned.1.call-start
scs
__scs_entry_jumppad:
0x0: {  	(pc) =	sbr.rel $0x88, $3  }
0x1: {  	(tag) =	ssettag $0x0;
	lr =	simm.s32 $0x1  }
0x2: {  	[smem:$0x3F97] =	sst lr;
	_ =	strace $0xD0000000  }
0x3: {  	_ = 	snop  }
0x4: {  	_ = 	snop  }
0x5: {  	_ = 	snop  }
0x6: {  	_ = 	snop  }
0x7: {  	_ = 	snop  }
__scs_overlays_trampoline_lowered:
0x8: {  	[smem:$0x3FA6] =	sst s0  }
0x9: {  	[smem:$0x3FA7] =	sst s1  }
0xa: {  	[smem:$0x3FA8] =	sst s2  }
0xb: {  	[smem:$0x3FA9] =	sst s3  }
0xc: {  	[smem:$0x3FAA] =	sst s4  }
0xd: {  	[smem:$0x3FAB] =	sst s5  }
0xe: {  	[smem:$0x3FAC] =	sst s6  }
0xf: {  	[smem:$0x3FAD] =	sst s7  }
0x10: {  	[smem:$0x3FAE] =	sst s8  }
0x11: {  	[smem:$0x3FAF] =	sst s9;
	s0 =	simm.s32 @!p0 $0x0  }
0x12: {  	s1 =	sld [smem:$0x3F95];
	s0 =	simm.s32 @p0 $0x1  }
0x13: {  	[smem:$0x3FB0] =	sst s0;
	s0 =	simm.s32 @!p1 $0x0  }
0x14: {  	s2 =	sld [smem:$0x3F94];
	s0 =	simm.s32 @p1 $0x1  }
0x15: {  	[smem:$0x3FB1] =	sst s0;
	s0 =	simm.s32 @!p2 $0x0  }
0x16: {  	s3 =	sld [smem:$0x3FDB];
	s0 =	simm.s32 @p2 $0x1  }
0x17: {  	s4 =	simm.s32 $0x1BF5;
	[smem:$0x3FB3] =	sst s0  }
0x18: {  	s0 =	sld [smem:$0x3F96];
	_ =	swait.ge [sflag:s4], $0x0  }
0x19: {  	s7 =	sld [smem:$0x3F97]  }
0x1a: {  	s8 =	sadd.s32 $0xFFFFE003, lr  }
0x1b: {  	s9 =	sadd.s32 $0xFFFFFEF7, lr;
	s5 =	simm.s32 $0xFFFFFFFF;
	p2 =	slt.u32 s8, $0xFFFFF086  }
0x1c: {  	p1 =	slt.u32 s9, $0xF7A;
	s5 =	simm.s32 @!p2 $0x0  }
0x1d: {  	s5 =	simm.s32 @p1 $0x1;
	p0 =	seq.s32 s7, s2  }
0x1e: {  	s7 =	smul.u32 @!p0 $0xF7A, s2;
	p2 =	seq.s32 @!p0 s5, $0x0  }
0x1f: {  	s9 =	smul.u32 $0xF7A, s1;
	s8 =	simm.s32 @!p0 $0x1BF5;
	p2 =	por !p2, p0  }
0x20: {  	[sflag:s8] =	ssyncset.s32 @!p0 $0xFFFFF086;
	s6 =	sadd.s32 @!p0 s3, s7;
	s7 =	simm.s32 @!p0 $0x108  }
0x21: {  	s3 =	sadd.s32 s3, s9;
	s6 =	sadd.s32 @!p0 $0x88, s6;
	s7 =	simm.s32 @p2 $0x1082  }
0x22: {  	[simem:s7], [sflag:s8] =	dma.local @!p0 [hbm:s6], $0xF7A  }
0x23: {  	s9 =	sor.u32 $0xD0000000, s2;
	s6 =	simm.s32 $0x108;
	_ =	swait.ge @!p0 [sflag:s8], $0x0  }
0x24: {  	s3 =	sadd.s32 $0x88, s3;
	s6 =	simm.s32 @!p1 $0x1082;
	[sflag:s4] =	ssyncset.s32 $0xFFFFF086  }
0x25: {  	[simem:s6], [sflag:s4] =	dma.local [hbm:s3], $0xF7A  }
0x26: {  	[smem:$0x3F97] =	sst s1;
	(tag) =	ssettag s2;
	_ =	strace s9  }
0x27: {  	s1 =	sld [smem:$0x3FA7]  }
0x28: {  	s2 =	sld [smem:$0x3FA8]  }
0x29: {  	s4 =	sld [smem:$0x3FAA]  }
0x2a: {  	p0 =	seq.s32 s5, $0x0;
	s5 =	sld [smem:$0x3FAB]  }
0x2b: {  	s6 =	sld [smem:$0x3FAC]  }
0x2c: {  	s7 =	sld [smem:$0x3FAD]  }
0x2d: {  	s3 =	simm.s32 $0x108;
	s8 =	sld [smem:$0x3FAE]  }
0x2e: {  	s3 =	simm.s32 @!p0 $0x1082;
	s9 =	sld [smem:$0x3FAF]  }
0x2f: {  	lr =	sadd.s32 s0, s3;
	s0 =	sld [smem:$0x3FA6]  }
0x30: {  	s3 =	sld [smem:$0x3FA9]  }
0x31: {  	[smem:$0x3FB2] =	sst s10  }
0x32: {  	s10 =	sld [smem:$0x3FB0];
	_ =	sdelay $0x3  }
0x33: {  	p0 =	seq.s32 s10, $0x1;
	s10 =	sld [smem:$0x3FB2];
	_ =	sdelay $0x3  }
0x34: {  	[smem:$0x3FB2] =	sst s10  }
0x35: {  	s10 =	sld [smem:$0x3FB1];
	_ =	sdelay $0x3  }
0x36: {  	p1 =	seq.s32 s10, $0x1;
	s10 =	sld [smem:$0x3FB2];
	_ =	sdelay $0x3  }
0x37: {  	[smem:$0x3FB2] =	sst s10  }
0x38: {  	s10 =	sld [smem:$0x3FB3]  }
0x39: {  	_ = 	snop;
	(pc) =	sbr.ind lr, $3  }
0x3a: {  	_ = 	snop  }
0x3b: {  	_ = 	snop  }
0x3c: {  	p2 =	seq.s32 s10, $0x1;
	s10 =	sld [smem:$0x3FB2]  }
0x3d: {  	_ =	shalt  }
0x3e: {  	_ =	shalt  }
0x3f: {  	_ =	shalt  }
0x40: {  	_ =	shalt  }
0x41: {  	_ =	shalt  }
0x42: {  	_ =	shalt  }
0x43: {  	_ =	shalt  }
0x44: {  	_ =	shalt  }
0x45: {  	_ =	shalt  }
0x46: {  	_ =	shalt  }
0x47: {  	_ =	shalt  }
0x48: {  	_ =	shalt  }
0x49: {  	_ =	shalt  }
0x4a: {  	_ =	shalt  }
0x4b: {  	_ =	shalt  }
0x4c: {  	_ =	shalt  }
0x4d: {  	_ =	shalt  }
0x4e: {  	_ =	shalt  }
0x4f: {  	_ =	shalt  }
0x50: {  	_ =	shalt  }
0x51: {  	_ =	shalt  }
0x52: {  	_ =	shalt  }
0x53: {  	_ =	shalt  }
0x54: {  	_ =	shalt  }
0x55: {  	_ =	shalt  }
0x56: {  	_ =	shalt  }
0x57: {  	_ =	shalt  }
0x58: {  	_ =	shalt  }
0x59: {  	_ =	shalt  }
0x5a: {  	_ =	shalt  }
0x5b: {  	_ =	shalt  }
0x5c: {  	_ =	shalt  }
0x5d: {  	_ =	shalt  }
0x5e: {  	_ =	shalt  }
0x5f: {  	_ =	shalt  }
0x60: {  	_ =	shalt  }
0x61: {  	_ =	shalt  }
0x62: {  	_ =	shalt  }
0x63: {  	_ =	shalt  }
0x64: {  	_ =	shalt  }
0x65: {  	_ =	shalt  }
0x66: {  	_ =	shalt  }
0x67: {  	_ =	shalt  }
0x68: {  	_ =	shalt  }
0x69: {  	_ =	shalt  }
0x6a: {  	_ =	shalt  }
0x6b: {  	_ =	shalt  }
0x6c: {  	_ =	shalt  }
0x6d: {  	_ =	shalt  }
0x6e: {  	_ =	shalt  }
0x6f: {  	_ =	shalt  }
0x70: {  	_ =	shalt  }
0x71: {  	_ =	shalt  }
0x72: {  	_ =	shalt  }
0x73: {  	_ =	shalt  }
0x74: {  	_ =	shalt  }
0x75: {  	_ =	shalt  }
0x76: {  	_ =	shalt  }
0x77: {  	_ =	shalt  }
0x78: {  	_ =	shalt  }
0x79: {  	_ =	shalt  }
0x7a: {  	_ =	shalt  }
0x7b: {  	_ =	shalt  }
0x7c: {  	_ =	shalt  }
0x7d: {  	_ =	shalt  }
0x7e: {  	_ =	shalt  }
0x7f: {  	_ =	shalt  }
0x80: {  	_ =	shalt  }
0x81: {  	_ =	shalt  }
0x82: {  	_ =	shalt  }
0x83: {  	_ =	shalt  }
0x84: {  	_ =	shalt  }
0x85: {  	_ =	shalt  }
0x86: {  	_ =	shalt  }
0x87: {  	_ =	shalt  }
.Lfunc_end0:
.L_simem_size_0:
called_computation.1_lowered:
.L_overlay_start_0:
0x88: {  	s2 =	sld [smem:$0x3FD9]  }
0x89: {  	s3 =	sld [smem:$0x3FFE];
	_ =	sdelay $0x1  }
0x8a: {  	s1 =	srdreg.scid  }
0x8b: {  	s0 =	sand.u32 $0x1, s1  }
0x8c: {  	s17 =	sshll.u32 s0, $0xA;
	s2 =	sadd.s32 s3, s2  }
0x8d: {  	s2 =	sadd.s32 s2, s17  }
0x8e: {  	[smem:$0x3FBE] =	sst s2  }
0x8f: {  	_ = 	snop  }
0x90: {  	s2 =	sld [smem:$0x3FD0];
	(tm) =	ssettm $0x1  }
0x91: {  	s18 =	sld [smem:$0x3FFB];
	_ =	sdelay $0x3  }
0x92: {  	_ =	strace s18  }
0x93: {  	s3 =	sld [smem:$0x3FFC];
	_ =	sdelay $0x3  }
0x94: {  	_ =	strace s3  }
0x95: {  	s3 =	sld [smem:$0x3FFD];
	_ =	sdelay $0x3  }
0x96: {  	_ =	strace s3  }
0x97: {  	_ =	strace $0x8FFFFFFF  }
0x98: {  	s19 =	sld [smem:$0x3FDB];
	_ =	sdelay $0x1  }
0x99: {  	s4 =	simm.s32 $_scs_section_size  }
0x9a: {  	s5 =	simm.s32 $_size__tile_overlayer_lowered;
	s6 =	simm.s32 $_tile_overlayer_lowered  }
0x9b: {  	s22 =	simm.s32 $0x1BFF;
	s21 =	sshll.u32 s6, $0x1;
	s3 =	sadd.s32 s4, s19  }
0x9c: {  	s7 =	simm.s32 $0x0;
	s20 =	sshll.u32 s5, $0x1;
	s5 =	sadd.s32 s21, s3  }
0x9d: {  	[timem:s7], [sflag:s22] =	dma.local [hbm:s5], s20  }
0x9e: {  	_ =	swait.ge [sflag:s22], s20  }
0x9f: {  	s4 =	ssub.s32 $0x0, s20;
	[sflag:s22] =	ssyncset.done $0x0  }
0xa0: {  	[sflag:s22] =	ssyncadd.s32 s4;
	_ =	sdelay $0x1  }
0xa1: {  	s23 =	simm.s32 $0x1B8B  }
0xa2: {  	_ =	swait.ge [sflag:s23], $0x1  }
0xa3: {  	[sflag:s23] =	ssyncset.done $0x0  }
0xa4: {  	s25 =	simm.s32 $0x1B8E;
	s24 =	sld [smem:$0x3FFE];
	[sflag:s23] =	ssyncadd.s32 $0xFFFFFFFF  }
0xa5: {  	s26 =	simm.s32 $execute0_lowered;
	[smem:$0x3FD2] =	sst s25  }
0xa6: {  	s5 =	sshll.u32 s26, $0x1;
	_ =	strace $0x80000049;
	[dreg:$0x1] =	wrdreg $0xFFFFFFFF  }
0xa7: {  	s28 =	simm.s32 $_size_execute0_lowered;
	s3 =	sadd.s32 s3, s5;
	[dreg:$0x0] =	wrdreg $0x0  }
0xa8: {  	s5 =	sshll.u32 s28, $0x1;
	[dreg:$0x2] =	wrdreg s3  }
0xa9: {  	[dreg:$0x3] =	wrdreg s5  }
0xaa: {  	[dreg:$0x4] =	wrdreg $0xC0  }
0xab: {  	_ =	task [dreg:s7], $0x5FFFF  }
0xac: {  	[dreg:$0x1] =	wrdreg $0xFFFFFFFF  }
0xad: {  	[dreg:$0x0] =	wrdreg $0x60  }
0xae: {  	[dreg:$0x2] =	wrdreg s2  }
0xaf: {  	[dreg:$0x3] =	wrdreg s24  }
0xb0: {  	[dreg:$0x4] =	wrdreg $0xA8000  }
0xb1: {  	[dreg:$0x5] =	wrdreg $0x9  }
0xb2: {  	_ =	task.clear_ibuf [dreg:s7], $0x6FFFF;
	_ =	strace $0x90000049  }
0xb3: {  	s29 =	simm.s32 $0x9;
	_ =	strace $0x8000004B  }
0xb4: {  	_ =	swait.ge [sflag:s29], $0x1  }
0xb5: {  	[sflag:s29] =	ssyncadd.s32 $0xFFFFFFFF  }
0xb6: {  	_ =	strace $0x9000004B  }
0xb7: {  	_ =	sfence  }
0xb8: {  	s30 =	sld [smem:$0x0];
	_ =	sdelay $0x2  }
0xb9: {  	s31 =	sshll.u32 s1, $0xD;
	s1 =	sshrl.u32 s1, $0x2  }
0xba: {  	s3 =	sand.u32 $0x4000, s31;
	s1 =	sadd.s32 s1, s30  }
0xbb: {  	s0 =	sor.u32 s3, s0;
	s1 =	sshll.u32 s1, $0x11  }
0xbc: {  	s0 =	sor.u32 s1, s0  }
0xbd: {  	s0 =	sadd.s32 $0x8F2B, s0  }
0xbe: {  	[sflag:s0] =	ssyncadd.remote.s32 $0x1  }
0xbf: {  	_ =	sfence.sel $0xFFFF  }
0xc0: {  	[dreg:$0x0] =	wrdreg $0xFFFFFFFF;
	(pc) =	sbr.abs _section_cstart, $3  }
0xc1: {  	[dreg:$0x1] =	wrdreg $0xFFFFFFFF  }
0xc2: {  	_ =	task.clear_ibuf [dreg:s7], $0x2FFFF;
	_ =	strace $0x9FFFFFFF  }
0xc3: {  	(tm) =	ssettm $0x7FFFFFFF  }
tec
execute0_lowered:
.L_overlay_start_1:
0x0: {  	(tag) =	ssettag $0x1  }
0x1: {  	s1 =	rddreg [dreg:$0x0]  }
0x2: {  	s0 =	rddreg [dreg:$0x1]  }
0x3: {  	s2 =	rddreg [dreg:$0x2];
	s3 =	srdreg.scid  }
0x4: {  	s13 =	simm.s32 $0x0;
	s11 =	stileid.u32;
	s10 =	simm.s32 $0x6  }
0x5: {  	s29 =	simm.s32 $0x4800;
	s30 =	simm.s32 $0x1;
	s7 =	smul.u32 $0x13C00, s11  }
0x6: {  	s14 =	simm.s32 $0x8800;
	s15 =	simm.s32 $0x3;
	s8 =	smul.u32 $0x4F000, s11  }
0x7: {  	s3 =	sand.u32 $0x1, s3;
	[smem:$0x7FF] =	sst s13;
	s12 =	smul.u32 $0xA000, s11  }
0x8: {  	s5 =	sadd.s32 $0x2A00, s0;
	s6 =	sadd.s32 $0x16A00, s0;
	s4 =	smul.u32 $0x13C000, s3  }
0x9: {  	_ =	strace $0x8000004A;
	s17 =	ssub.s32 $0x2, s3;
	s18 =	ssub.s32 $0x0, s3  }
0xa: {  	p0 =	seq.s32 s3, $0x0;
	s9 =	sshrl.u32 s17, $0x1;
	s19 =	sshrl.u32 s8, $0x2  }
0xb: {  	s8 =	simm.s32 $0x6;
	s4 =	sadd.s32 s7, s4;
	s16 =	sadd.s32 s19, s2  }
0xc: {  	s9 =	ssub.s32 s17, s9;
	s3 =	sadd.s32 $0x12000, s16;
	[dreg:$0x5] =	wrdreg s16  }
0xd: {  	s7 =	sand.u32 $0xF0, s18;
	s20 =	smax.u32 s9, $0x1;
	[dreg:$0x6] =	wrdreg s3  }
0xe: {  	s8 =	simm.s32 @!p0 $0x2;
	s21 =	sadd.s32 $0x2000, s16;
	[dreg:$0x8] =	wrdreg s20  }
0xf: {  	s17 =	simm.s32 $0x5;
	s22 =	sadd.s32 $0x4000, s16;
	[dreg:$0x9] =	wrdreg s21  }
0x10: {  	s18 =	simm.s32 $0x200;
	s23 =	sadd.s32 $0x6000, s16;
	[dreg:$0xa] =	wrdreg s22  }
0x11: {  	s19 =	simm.s32 $0x4;
	s24 =	sadd.s32 $0x8000, s16;
	[dreg:$0xb] =	wrdreg s23  }
0x12: {  	s4 =	sshrl.u32 s4, $0x3;
	s25 =	sadd.s32 $0xA000, s16;
	[dreg:$0xc] =	wrdreg s24  }
0x13: {  	s26 =	sadd.s32 $0xC000, s16;
	s28 =	sadd.s32 $0xE000, s16;
	[dreg:$0xd] =	wrdreg s25  }
0x14: {  	s31 =	sadd.s32 $0x10000, s16;
	s9 =	simm.s32 $0x8;
	[dreg:$0xe] =	wrdreg s26  }
.Ltmp0:
0x15: {  	s0 =	sadd.s32 s4, s0;
	[dreg:$0xf] =	wrdreg s28;
	(pc) =	sbr.rel .LBB2_1-.Ltmp0, $4  }
0x16: {  	[dreg:$0x10] =	wrdreg s31;
	s23 =	simm.s32 $0x2800;
	s24 =	simm.s32 $0x9  }
0x17: {  	s25 =	simm.s32 $0x1400;
	s26 =	simm.s32 $0x40;
	s3 =	simm.s32 $0x2  }
0x18: {  	s20 =	simm.s32 $0x1580;
	s21 =	simm.s32 $0x280;
	s0 =	sadd.s32 $0x51C00, s0  }
0x19: {  	v0 =	vimm.f32 $0.0e+00;
	s22 =	simm.s32 $0x7;
	[dreg:$0x7] =	wrdreg s0;
	s0 =	simm.s32 $0x6800  }
.LBB2_8:
0x1a: {  	s4 =	stileid.u32;
	[bflag:$0x0] =	sbarrier.arrive $0xFFFF  }
0x1b: {  	s4 =	sshll.u32 s4, $0x6;
	s16 =	rddreg [dreg:$0x5]  }
0x1c: {  	s13 =	rddreg [dreg:$0x7];
	s4 =	sor.u32 $0x1C09, s4;
	s11 =	sshrl.u32 s16, $0x3  }
0x1d: {  	[hbm:s13], [sflag:s4] =	dma.local [spmem:s11], $0x2780  }
0x1e: {  	_ =	swait.ge [sflag:s24], $0x2780  }
0x1f: {  	s28 =	rddreg [dreg:$0x4]  }
0x20: {  	s31 =	rddreg [dreg:$0x8];
	s13 =	sadd.s32 $0x1, s28  }
0x21: {  	p0 =	sne.s32 s13, s31  }
.Ltmp1:
0x22: {  	_ = 	snop;
	(pc) =	sbr.rel @!p0 .LBB2_9-.Ltmp1, $3  }
0x23: {  	_ =	sdelay $0x1  }
0x24: {  	[sflag:s24] =	ssyncset.done $0x0  }
0x25: {  	[sflag:s24] =	ssyncadd.s32 $0xFFFFD880  }
.LBB2_1:
0x26: {  	[dreg:$0x4] =	wrdreg s13;
	s4 =	simm.s32 $0x0;
	s11 =	simm.s32 $0x200  }
.LBB2_2:
0x27: {  	p0 =	sne.s32 s11, $0x7E00;
	[tilespmem:s4+$0x2870] =	vst v0  }
0x28: {  	[tilespmem:s4+$0x2800] =	vst v0  }
0x29: {  	[tilespmem:s4+$0x2810] =	vst v0  }
.Ltmp2:
0x2a: {  	[tilespmem:s4+$0x2820] =	vst v0;
	(pc) =	sbr.rel @p0 .LBB2_2-.Ltmp2, $4  }
0x2b: {  	[tilespmem:s4+$0x2830] =	vst v0  }
0x2c: {  	[tilespmem:s4+$0x2840] =	vst v0  }
0x2d: {  	[tilespmem:s4+$0x2850] =	vst v0  }
0x2e: {  	[tilespmem:s4+$0x2860] =	vst v0;
	s4 =	sshra.s32 s11, $0x2;
	s11 =	sadd.s32 $0x200, s11  }
0x2f: {  	[tilespmem:s4+$0x2870] =	vst v0  }
0x30: {  	[tilespmem:s4+$0x2800] =	vst v0  }
0x31: {  	[tilespmem:s4+$0x2810] =	vst v0  }
0x32: {  	[tilespmem:s4+$0x2820] =	vst v0  }
0x33: {  	[tilespmem:s4+$0x2830] =	vst v0  }
0x34: {  	[tilespmem:s4+$0x2840] =	vst v0  }
0x35: {  	[tilespmem:s4+$0x2850] =	vst v0  }
0x36: {  	[tilespmem:s4+$0x2860] =	vst v0  }
0x37: {  	[spmem:s16] =	stream.linear.scatter [tilespmem:s23], [sflag:$0x9], $0x2000, $0x38;
	[tilespmem:$0x1E400] =	vst v63  }
0x38: {  	_ =	swait.ge [sflag:s24], $0x2000  }
0x39: {  	[sflag:s24] =	ssyncset.done $0x0  }
0x3a: {  	s31 =	rddreg [dreg:$0x9];
	[sflag:s24] =	ssyncadd.s32 $0xFFFFE000  }
0x3b: {  	[spmem:s31] =	stream.linear.scatter [tilespmem:s23], [sflag:$0x9], $0x2000, $0x38;
	[tilespmem:$0x1E400] =	vst v63  }
0x3c: {  	_ =	swait.ge [sflag:s24], $0x2000  }
0x3d: {  	[sflag:s24] =	ssyncset.done $0x0  }
0x3e: {  	s11 =	rddreg [dreg:$0xa];
	[sflag:s24] =	ssyncadd.s32 $0xFFFFE000  }
0x3f: {  	[spmem:s11] =	stream.linear.scatter [tilespmem:s23], [sflag:$0x9], $0x2000, $0x38;
	[tilespmem:$0x1E400] =	vst v63  }
0x40: {  	_ =	swait.ge [sflag:s24], $0x2000  }
0x41: {  	[sflag:s24] =	ssyncset.done $0x0  }
0x42: {  	s13 =	rddreg [dreg:$0xb];
	[sflag:s24] =	ssyncadd.s32 $0xFFFFE000  }
0x43: {  	[spmem:s13] =	stream.linear.scatter [tilespmem:s23], [sflag:$0x9], $0x2000, $0x38;
	[tilespmem:$0x1E400] =	vst v63  }
0x44: {  	_ =	swait.ge [sflag:s24], $0x2000  }
0x45: {  	[sflag:s24] =	ssyncset.done $0x0  }
0x46: {  	s16 =	rddreg [dreg:$0xc];
	[sflag:s24] =	ssyncadd.s32 $0xFFFFE000  }
0x47: {  	[spmem:s16] =	stream.linear.scatter [tilespmem:s23], [sflag:$0x9], $0x2000, $0x38;
	[tilespmem:$0x1E400] =	vst v63  }
0x48: {  	_ =	swait.ge [sflag:s24], $0x2000  }
0x49: {  	[sflag:s24] =	ssyncset.done $0x0  }
0x4a: {  	s31 =	rddreg [dreg:$0xd];
	[sflag:s24] =	ssyncadd.s32 $0xFFFFE000  }
0x4b: {  	[spmem:s31] =	stream.linear.scatter [tilespmem:s23], [sflag:$0x9], $0x2000, $0x38;
	[tilespmem:$0x1E400] =	vst v63  }
0x4c: {  	_ =	swait.ge [sflag:s24], $0x2000  }
0x4d: {  	[sflag:s24] =	ssyncset.done $0x0  }
0x4e: {  	s11 =	rddreg [dreg:$0xe];
	[sflag:s24] =	ssyncadd.s32 $0xFFFFE000  }
0x4f: {  	[spmem:s11] =	stream.linear.scatter [tilespmem:s23], [sflag:$0x9], $0x2000, $0x38;
	[tilespmem:$0x1E400] =	vst v63  }
0x50: {  	_ =	swait.ge [sflag:s24], $0x2000  }
0x51: {  	[sflag:s24] =	ssyncset.done $0x0  }
0x52: {  	s13 =	rddreg [dreg:$0xf];
	[sflag:s24] =	ssyncadd.s32 $0xFFFFE000  }
0x53: {  	[spmem:s13] =	stream.linear.scatter [tilespmem:s23], [sflag:$0x9], $0x2000, $0x38;
	[tilespmem:$0x1E400] =	vst v63  }
0x54: {  	_ =	swait.ge [sflag:s24], $0x2000  }
0x55: {  	[sflag:s24] =	ssyncset.done $0x0  }
0x56: {  	s16 =	rddreg [dreg:$0x10];
	[sflag:s24] =	ssyncadd.s32 $0xFFFFE000  }
0x57: {  	[spmem:s16] =	stream.linear.scatter [tilespmem:s23], [sflag:$0x9], $0x2000, $0x38;
	[tilespmem:$0x1E400] =	vst v63  }
0x58: {  	_ =	swait.ge [sflag:s24], $0x2000  }
0x59: {  	[sflag:s24] =	ssyncset.done $0x0  }
0x5a: {  	s31 =	rddreg [dreg:$0x6];
	[sflag:s24] =	ssyncadd.s32 $0xFFFFE000  }
0x5b: {  	[spmem:s31] =	stream.linear.scatter [tilespmem:s23], [sflag:$0x9], $0x1C00, $0x38;
	[tilespmem:$0x1E400] =	vst v63  }
.Ltmp3:
0x5c: {  	_ =	swait.ge [sflag:s24], $0x1C00;
	(pc) =	sbr.rel .LBB2_4-.Ltmp3, $4  }
0x5d: {  	[sflag:s24] =	ssyncset.done $0x0  }
0x5e: {  	[sflag:s24] =	ssyncadd.s32 $0xFFFFE400  }
0x5f: {  	[bflag:$0x0] =	sbarrier.arrive $0xFFFF  }
0x60: {  	s4 =	simm.s32 $0x0;
	s28 =	simm.s32 $0x0  }
.LBB2_7:
0x61: {  	_ =	swait.ge [sflag:s19], $0x2000  }
0x62: {  	[sflag:s19] =	ssyncset.done $0x0  }
0x63: {  	[sflag:s19] =	ssyncadd.s32 $0xFFFFE000  }
0x64: {  	[spmem:s2] =	stream.indirect.scatter.add.f32 [tilespmem:s14], [sflag:$0x8], $0x80, s13, s26, $0xb8;
	[tilespmem:$0x1E400] =	vst v63  }
0x65: {  	_ =	swait.ge [sflag:s10], $0x2000  }
0x66: {  	[sflag:s10] =	ssyncset.done $0x0  }
0x67: {  	s28 =	sadd.s32 $0x1, s28;
	[sflag:s10] =	ssyncadd.s32 $0xFFFFE000  }
0x68: {  	p0 =	sne.s32 s28, s8;
	_ =	swait.ge [sflag:s22], $0x2000  }
.Ltmp4:
0x69: {  	[sflag:s22] =	ssyncset.done $0x0;
	(pc) =	sbr.rel @!p0 .LBB2_8-.Ltmp4, $4  }
0x6a: {  	[sflag:s22] =	ssyncadd.s32 $0xFFFFE000  }
0x6b: {  	_ =	swait.ge [sflag:s9], $0x2000  }
0x6c: {  	[sflag:s9] =	ssyncset.done $0x0  }
0x6d: {  	[sflag:s9] =	ssyncadd.s32 $0xFFFFE000  }
.LBB2_4:
0x6e: {  	s11 =	smul.u32 $0x28, s28;
	_ =	sdelay $0x1  }
0x6f: {  	s11 =	sadd.s32 s7, s11  }
0x70: {  	s11 =	sshll.u32 s11, $0x7  }
0x71: {  	s11 =	sadd.s32 s12, s11  }
0x72: {  	s11 =	sshrl.u32 s11, $0x3  }
0x73: {  	s13 =	sadd.s32 s5, s11  }
0x74: {  	[tilespmem:s4], [sflag:$0x9] =	stream.linear.gather [hbm4b:s13+s4], $0x1400, $0x38;
	[tilespmem:$0x1E400] =	vst v63  }
0x75: {  	_ =	swait.ge [sflag:s24], $0x1400  }
0x76: {  	[sflag:s24] =	ssyncset.done $0x0  }
0x77: {  	s11 =	sadd.s32 s6, s11;
	[sflag:s24] =	ssyncadd.s32 $0xFFFFEC00  }
0x78: {  	[tilespmem:s25], [sflag:$0x9] =	stream.linear.gather [hbm4b:s11+s4], $0x1400, $0x38;
	[tilespmem:$0x1E400] =	vst v63  }
0x79: {  	_ =	swait.ge [sflag:s24], $0x1400  }
0x7a: {  	[sflag:s24] =	ssyncset.done $0x0  }
0x7b: {  	[sflag:s24] =	ssyncadd.s32 $0xFFFFEC00  }
0x7c: {  	[tilespmem:s23], [sflag:$0x1] =	stream.indirect.gather [hbm4b:s1+s26], $0x80, s4, s26, $0xb8;
	[tilespmem:$0x1E400] =	vst v63  }
0x7d: {  	s16 =	simm.s32 $0x80  }
0x7e: {  	[tilespmem:s29], [sflag:$0x2] =	stream.indirect.gather [hbm4b:s1+s26], $0x80, s16, s26, $0xb8;
	[tilespmem:$0x1E400] =	vst v63  }
0x7f: {  	_ =	swait.ge [sflag:s30], $0x2000  }
0x80: {  	[sflag:s30] =	ssyncset.done $0x0  }
0x81: {  	[sflag:s30] =	ssyncadd.s32 $0xFFFFE000  }
0x82: {  	[spmem:s2] =	stream.indirect.scatter.add.f32 [tilespmem:s23], [sflag:$0x5], $0x80, s25, s26, $0xb8;
	[tilespmem:$0x1E400] =	vst v63  }
0x83: {  	s13 =	simm.s32 $0x100  }
0x84: {  	[tilespmem:s0], [sflag:$0x3] =	stream.indirect.gather [hbm4b:s1+s26], $0x80, s13, s26, $0xb8;
	[tilespmem:$0x1E400] =	vst v63  }
0x85: {  	_ =	swait.ge [sflag:s3], $0x2000  }
0x86: {  	[sflag:s3] =	ssyncset.done $0x0  }
0x87: {  	s16 =	simm.s32 $0x1480;
	[sflag:s3] =	ssyncadd.s32 $0xFFFFE000  }
0x88: {  	[spmem:s2] =	stream.indirect.scatter.add.f32 [tilespmem:s29], [sflag:$0x6], $0x80, s16, s26, $0xb8;
	[tilespmem:$0x1E400] =	vst v63  }
0x89: {  	s13 =	simm.s32 $0x180  }
0x8a: {  	[tilespmem:s14], [sflag:$0x4] =	stream.indirect.gather [hbm4b:s1+s26], $0x80, s13, s26, $0xb8;
	[tilespmem:$0x1E400] =	vst v63  }
0x8b: {  	_ =	swait.ge [sflag:s15], $0x2000  }
0x8c: {  	[sflag:s15] =	ssyncset.done $0x0  }
0x8d: {  	s16 =	simm.s32 $0x1500;
	[sflag:s15] =	ssyncadd.s32 $0xFFFFE000  }
0x8e: {  	[spmem:s2] =	stream.indirect.scatter.add.f32 [tilespmem:s0], [sflag:$0x7], $0x80, s16, s26, $0xb8;
	[tilespmem:$0x1E400] =	vst v63  }
0x8f: {  	_ =	swait.ge [sflag:s17], $0x2000  }
0x90: {  	[sflag:s17] =	ssyncset.done $0x0  }
0x91: {  	[sflag:s17] =	ssyncadd.s32 $0xFFFFE000  }
0x92: {  	[tilespmem:s23], [sflag:$0x1] =	stream.indirect.gather [hbm4b:s1+s26], $0x80, s18, s26, $0xb8;
	[tilespmem:$0x1E400] =	vst v63  }
0x93: {  	_ =	swait.ge [sflag:s19], $0x2000  }
0x94: {  	[sflag:s19] =	ssyncset.done $0x0  }
0x95: {  	[sflag:s19] =	ssyncadd.s32 $0xFFFFE000  }
0x96: {  	[spmem:s2] =	stream.indirect.scatter.add.f32 [tilespmem:s14], [sflag:$0x8], $0x80, s20, s26, $0xb8;
	[tilespmem:$0x1E400] =	vst v63  }
0x97: {  	_ =	swait.ge [sflag:s10], $0x2000  }
0x98: {  	[sflag:s10] =	ssyncset.done $0x0  }
0x99: {  	s31 =	simm.s32 $0x0;
	[sflag:s10] =	ssyncadd.s32 $0xFFFFE000  }
0x9a: {  	[tilespmem:s29], [sflag:$0x2] =	stream.indirect.gather [hbm4b:s1+s26], $0x80, s21, s26, $0xb8;
	[tilespmem:$0x1E400] =	vst v63  }
.LBB2_5:
0x9b: {  	_ =	swait.ge [sflag:s30], $0x2000  }
0x9c: {  	s11 =	sshra.s32 s31, $0x2;
	[sflag:s30] =	ssyncset.done $0x0  }
0x9d: {  	s13 =	sadd.s32 $0x1600, s11;
	[sflag:s30] =	ssyncadd.s32 $0xFFFFE000  }
0x9e: {  	[spmem:s2] =	stream.indirect.scatter.add.f32 [tilespmem:s23], [sflag:$0x5], $0x80, s13, s26, $0xb8;
	[tilespmem:$0x1E400] =	vst v63  }
0x9f: {  	_ =	swait.ge [sflag:s22], $0x2000  }
0xa0: {  	[sflag:s22] =	ssyncset.done $0x0  }
0xa1: {  	s16 =	sadd.s32 $0x300, s11;
	[sflag:s22] =	ssyncadd.s32 $0xFFFFE000  }
0xa2: {  	[tilespmem:s0], [sflag:$0x3] =	stream.indirect.gather [hbm4b:s1+s26], $0x80, s16, s26, $0xb8;
	[tilespmem:$0x1E400] =	vst v63  }
0xa3: {  	_ =	swait.ge [sflag:s3], $0x2000  }
0xa4: {  	[sflag:s3] =	ssyncset.done $0x0  }
0xa5: {  	s16 =	sadd.s32 $0x1680, s11;
	[sflag:s3] =	ssyncadd.s32 $0xFFFFE000  }
0xa6: {  	[spmem:s2] =	stream.indirect.scatter.add.f32 [tilespmem:s29], [sflag:$0x6], $0x80, s16, s26, $0xb8;
	[tilespmem:$0x1E400] =	vst v63  }
0xa7: {  	_ =	swait.ge [sflag:s9], $0x2000  }
0xa8: {  	[sflag:s9] =	ssyncset.done $0x0  }
0xa9: {  	s16 =	sadd.s32 $0x380, s11;
	[sflag:s9] =	ssyncadd.s32 $0xFFFFE000  }
0xaa: {  	[tilespmem:s14], [sflag:$0x4] =	stream.indirect.gather [hbm4b:s1+s26], $0x80, s16, s26, $0xb8;
	[tilespmem:$0x1E400] =	vst v63  }
0xab: {  	_ =	swait.ge [sflag:s15], $0x2000  }
0xac: {  	p0 =	seq.s32 s31, $0x4000;
	[sflag:s15] =	ssyncset.done $0x0  }
.Ltmp5:
0xad: {  	s16 =	sadd.s32 $0x1700, s11;
	[sflag:s15] =	ssyncadd.s32 $0xFFFFE000;
	(pc) =	sbr.rel @p0 .LBB2_7-.Ltmp5, $4  }
0xae: {  	[spmem:s2] =	stream.indirect.scatter.add.f32 [tilespmem:s0], [sflag:$0x7], $0x80, s16, s26, $0xb8;
	[tilespmem:$0x1E400] =	vst v63  }
0xaf: {  	_ =	swait.ge [sflag:s17], $0x2000  }
0xb0: {  	[sflag:s17] =	ssyncset.done $0x0  }
0xb1: {  	s13 =	sadd.s32 $0x1780, s11;
	[sflag:s17] =	ssyncadd.s32 $0xFFFFE000  }
0xb2: {  	s16 =	sadd.s32 $0x400, s11  }
0xb3: {  	[tilespmem:s23], [sflag:$0x1] =	stream.indirect.gather [hbm4b:s1+s26], $0x80, s16, s26, $0xb8;
	[tilespmem:$0x1E400] =	vst v63  }
0xb4: {  	_ =	swait.ge [sflag:s19], $0x2000  }
0xb5: {  	[sflag:s19] =	ssyncset.done $0x0  }
0xb6: {  	[sflag:s19] =	ssyncadd.s32 $0xFFFFE000  }
0xb7: {  	[spmem:s2] =	stream.indirect.scatter.add.f32 [tilespmem:s14], [sflag:$0x8], $0x80, s13, s26, $0xb8;
	[tilespmem:$0x1E400] =	vst v63  }
.Ltmp6:
0xb8: {  	_ = 	snop;
	(pc) =	sbr.rel .LBB2_5-.Ltmp6, $4  }
0xb9: {  	_ =	swait.ge [sflag:s10], $0x2000  }
0xba: {  	[sflag:s10] =	ssyncset.done $0x0  }
0xbb: {  	s31 =	sadd.s32 $0x800, s31;
	s16 =	sadd.s32 $0x480, s11;
	[sflag:s10] =	ssyncadd.s32 $0xFFFFE000  }
0xbc: {  	[tilespmem:s29], [sflag:$0x2] =	stream.indirect.gather [hbm4b:s1+s26], $0x80, s16, s26, $0xb8;
	[tilespmem:$0x1E400] =	vst v63  }
.LBB2_9:
0xbd: {  	_ =	sfence.sel $0x180000  }
0xbe: {  	[bflag:$0x0] =	sbarrier.arrive $0xFFFF  }
0xbf: {  	_ =	strace $0x9000004A  }
0xc0: {  	s0 =	stileid.u32;
	[bflag:$0x2] =	sbarrier.arrive $0xFFFF  }
0xc1: {  	p0 =	sne.s32 s0, $0x0;
	s0 =	rddreg [dreg:$0x3]  }
0xc2: {  	s0 =	sadd.s32 @!p0 $0x100000, s0  }
0xc3: {  	[sflag:s0] =	ssyncadd.tile.s32 @!p0 $0x1;
	_ =	shalt  }
.Lfunc_end2:
_tile_overlayer_lowered:
.L_overlay_start_2:
0xc4: {  	(tag) =	ssettag $0x2  }
0xc5: {  	s0 =	rddreg [dreg:$0x0];
	s2 =	stileid.u32  }
0xc6: {  	s1 =	rddreg [dreg:$0x1];
	p0 =	sne.s32 s2, $0x0  }
0xc7: {  	s3 =	rddreg [dreg:$0x2];
	[bflag:$0x3] =	sbarrier.arrive $0xFFFF;
	s2 =	simm.s32 @!p0 $0x1C09  }
0xc8: {  	[timem:s3], [sflag:s2] =	dma.local @!p0 [hbm:s0], s1  }
0xc9: {  	s0 =	simm.s32 @!p0 $0x9  }
0xca: {  	_ =	swait.ge @!p0 [sflag:s0], s1  }
0xcb: {  	s1 =	ssub.s32 @!p0 $0x0, s1;
	[sflag:s0] =	ssyncset.done @!p0 $0x0  }
0xcc: {  	[sflag:s0] =	ssyncadd.s32 @!p0 s1  }
0xcd: {  	[bflag:$0x3] =	sbarrier.arrive $0xFFFF  }
0xce: {  	_ =	shalt  }

// kernel: kernel.7.cloned.1.call-start
scs
__scs_entry_jumppad:
0x0: {  	(pc) =	sbr.rel $0x88, $3  }
0x1: {  	(tag) =	ssettag $0x0;
	lr =	simm.s32 $0x1  }
0x2: {  	[smem:$0x3F97] =	sst lr;
	_ =	strace $0xD0000000  }
0x3: {  	_ = 	snop  }
0x4: {  	_ = 	snop  }
0x5: {  	_ = 	snop  }
0x6: {  	_ = 	snop  }
0x7: {  	_ = 	snop  }
__scs_overlays_trampoline_lowered:
0x8: {  	[smem:$0x3FA6] =	sst s0  }
0x9: {  	[smem:$0x3FA7] =	sst s1  }
0xa: {  	[smem:$0x3FA8] =	sst s2  }
0xb: {  	[smem:$0x3FA9] =	sst s3  }
0xc: {  	[smem:$0x3FAA] =	sst s4  }
0xd: {  	[smem:$0x3FAB] =	sst s5  }
0xe: {  	[smem:$0x3FAC] =	sst s6  }
0xf: {  	[smem:$0x3FAD] =	sst s7  }
0x10: {  	[smem:$0x3FAE] =	sst s8  }
0x11: {  	[smem:$0x3FAF] =	sst s9;
	s0 =	simm.s32 @!p0 $0x0  }
0x12: {  	s1 =	sld [smem:$0x3F95];
	s0 =	simm.s32 @p0 $0x1  }
0x13: {  	[smem:$0x3FB0] =	sst s0;
	s0 =	simm.s32 @!p1 $0x0  }
0x14: {  	s2 =	sld [smem:$0x3F94];
	s0 =	simm.s32 @p1 $0x1  }
0x15: {  	[smem:$0x3FB1] =	sst s0;
	s0 =	simm.s32 @!p2 $0x0  }
0x16: {  	s3 =	sld [smem:$0x3FDB];
	s0 =	simm.s32 @p2 $0x1  }
0x17: {  	s4 =	simm.s32 $0x1BF5;
	[smem:$0x3FB3] =	sst s0  }
0x18: {  	s0 =	sld [smem:$0x3F96];
	_ =	swait.ge [sflag:s4], $0x0  }
0x19: {  	s7 =	sld [smem:$0x3F97]  }
0x1a: {  	s8 =	sadd.s32 $0xFFFFE003, lr  }
0x1b: {  	s9 =	sadd.s32 $0xFFFFFEF7, lr;
	s5 =	simm.s32 $0xFFFFFFFF;
	p2 =	slt.u32 s8, $0xFFFFF086  }
0x1c: {  	p1 =	slt.u32 s9, $0xF7A;
	s5 =	simm.s32 @!p2 $0x0  }
0x1d: {  	s5 =	simm.s32 @p1 $0x1;
	p0 =	seq.s32 s7, s2  }
0x1e: {  	s7 =	smul.u32 @!p0 $0xF7A, s2;
	p2 =	seq.s32 @!p0 s5, $0x0  }
0x1f: {  	s9 =	smul.u32 $0xF7A, s1;
	s8 =	simm.s32 @!p0 $0x1BF5;
	p2 =	por !p2, p0  }
0x20: {  	[sflag:s8] =	ssyncset.s32 @!p0 $0xFFFFF086;
	s6 =	sadd.s32 @!p0 s3, s7;
	s7 =	simm.s32 @!p0 $0x108  }
0x21: {  	s3 =	sadd.s32 s3, s9;
	s6 =	sadd.s32 @!p0 $0x88, s6;
	s7 =	simm.s32 @p2 $0x1082  }
0x22: {  	[simem:s7], [sflag:s8] =	dma.local @!p0 [hbm:s6], $0xF7A  }
0x23: {  	s9 =	sor.u32 $0xD0000000, s2;
	s6 =	simm.s32 $0x108;
	_ =	swait.ge @!p0 [sflag:s8], $0x0  }
0x24: {  	s3 =	sadd.s32 $0x88, s3;
	s6 =	simm.s32 @!p1 $0x1082;
	[sflag:s4] =	ssyncset.s32 $0xFFFFF086  }
0x25: {  	[simem:s6], [sflag:s4] =	dma.local [hbm:s3], $0xF7A  }
0x26: {  	[smem:$0x3F97] =	sst s1;
	(tag) =	ssettag s2;
	_ =	strace s9  }
0x27: {  	s1 =	sld [smem:$0x3FA7]  }
0x28: {  	s2 =	sld [smem:$0x3FA8]  }
0x29: {  	s4 =	sld [smem:$0x3FAA]  }
0x2a: {  	p0 =	seq.s32 s5, $0x0;
	s5 =	sld [smem:$0x3FAB]  }
0x2b: {  	s6 =	sld [smem:$0x3FAC]  }
0x2c: {  	s7 =	sld [smem:$0x3FAD]  }
0x2d: {  	s3 =	simm.s32 $0x108;
	s8 =	sld [smem:$0x3FAE]  }
0x2e: {  	s3 =	simm.s32 @!p0 $0x1082;
	s9 =	sld [smem:$0x3FAF]  }
0x2f: {  	lr =	sadd.s32 s0, s3;
	s0 =	sld [smem:$0x3FA6]  }
0x30: {  	s3 =	sld [smem:$0x3FA9]  }
0x31: {  	[smem:$0x3FB2] =	sst s10  }
0x32: {  	s10 =	sld [smem:$0x3FB0];
	_ =	sdelay $0x3  }
0x33: {  	p0 =	seq.s32 s10, $0x1;
	s10 =	sld [smem:$0x3FB2];
	_ =	sdelay $0x3  }
0x34: {  	[smem:$0x3FB2] =	sst s10  }
0x35: {  	s10 =	sld [smem:$0x3FB1];
	_ =	sdelay $0x3  }
0x36: {  	p1 =	seq.s32 s10, $0x1;
	s10 =	sld [smem:$0x3FB2];
	_ =	sdelay $0x3  }
0x37: {  	[smem:$0x3FB2] =	sst s10  }
0x38: {  	s10 =	sld [smem:$0x3FB3]  }
0x39: {  	_ = 	snop;
	(pc) =	sbr.ind lr, $3  }
0x3a: {  	_ = 	snop  }
0x3b: {  	_ = 	snop  }
0x3c: {  	p2 =	seq.s32 s10, $0x1;
	s10 =	sld [smem:$0x3FB2]  }
0x3d: {  	_ =	shalt  }
0x3e: {  	_ =	shalt  }
0x3f: {  	_ =	shalt  }
0x40: {  	_ =	shalt  }
0x41: {  	_ =	shalt  }
0x42: {  	_ =	shalt  }
0x43: {  	_ =	shalt  }
0x44: {  	_ =	shalt  }
0x45: {  	_ =	shalt  }
0x46: {  	_ =	shalt  }
0x47: {  	_ =	shalt  }
0x48: {  	_ =	shalt  }
0x49: {  	_ =	shalt  }
0x4a: {  	_ =	shalt  }
0x4b: {  	_ =	shalt  }
0x4c: {  	_ =	shalt  }
0x4d: {  	_ =	shalt  }
0x4e: {  	_ =	shalt  }
0x4f: {  	_ =	shalt  }
0x50: {  	_ =	shalt  }
0x51: {  	_ =	shalt  }
0x52: {  	_ =	shalt  }
0x53: {  	_ =	shalt  }
0x54: {  	_ =	shalt  }
0x55: {  	_ =	shalt  }
0x56: {  	_ =	shalt  }
0x57: {  	_ =	shalt  }
0x58: {  	_ =	shalt  }
0x59: {  	_ =	shalt  }
0x5a: {  	_ =	shalt  }
0x5b: {  	_ =	shalt  }
0x5c: {  	_ =	shalt  }
0x5d: {  	_ =	shalt  }
0x5e: {  	_ =	shalt  }
0x5f: {  	_ =	shalt  }
0x60: {  	_ =	shalt  }
0x61: {  	_ =	shalt  }
0x62: {  	_ =	shalt  }
0x63: {  	_ =	shalt  }
0x64: {  	_ =	shalt  }
0x65: {  	_ =	shalt  }
0x66: {  	_ =	shalt  }
0x67: {  	_ =	shalt  }
0x68: {  	_ =	shalt  }
0x69: {  	_ =	shalt  }
0x6a: {  	_ =	shalt  }
0x6b: {  	_ =	shalt  }
0x6c: {  	_ =	shalt  }
0x6d: {  	_ =	shalt  }
0x6e: {  	_ =	shalt  }
0x6f: {  	_ =	shalt  }
0x70: {  	_ =	shalt  }
0x71: {  	_ =	shalt  }
0x72: {  	_ =	shalt  }
0x73: {  	_ =	shalt  }
0x74: {  	_ =	shalt  }
0x75: {  	_ =	shalt  }
0x76: {  	_ =	shalt  }
0x77: {  	_ =	shalt  }
0x78: {  	_ =	shalt  }
0x79: {  	_ =	shalt  }
0x7a: {  	_ =	shalt  }
0x7b: {  	_ =	shalt  }
0x7c: {  	_ =	shalt  }
0x7d: {  	_ =	shalt  }
0x7e: {  	_ =	shalt  }
0x7f: {  	_ =	shalt  }
0x80: {  	_ =	shalt  }
0x81: {  	_ =	shalt  }
0x82: {  	_ =	shalt  }
0x83: {  	_ =	shalt  }
0x84: {  	_ =	shalt  }
0x85: {  	_ =	shalt  }
0x86: {  	_ =	shalt  }
0x87: {  	_ =	shalt  }
.Lfunc_end0:
.L_simem_size_0:
called_computation_lowered:
.L_overlay_start_0:
0x88: {  	s2 =	sld [smem:$0x3FD9]  }
0x89: {  	s3 =	sld [smem:$0x3FFE];
	_ =	sdelay $0x1  }
0x8a: {  	s1 =	srdreg.scid  }
0x8b: {  	s0 =	sand.u32 $0x1, s1  }
0x8c: {  	s17 =	sshll.u32 s0, $0xA;
	s2 =	sadd.s32 s3, s2  }
0x8d: {  	s2 =	sadd.s32 s2, s17  }
0x8e: {  	[smem:$0x3FBE] =	sst s2  }
0x8f: {  	_ = 	snop  }
0x90: {  	s2 =	sld [smem:$0x3FD0];
	(tm) =	ssettm $0x1  }
0x91: {  	s18 =	sld [smem:$0x3FFB];
	_ =	sdelay $0x3  }
0x92: {  	_ =	strace s18  }
0x93: {  	s3 =	sld [smem:$0x3FFC];
	_ =	sdelay $0x3  }
0x94: {  	_ =	strace s3  }
0x95: {  	s3 =	sld [smem:$0x3FFD];
	_ =	sdelay $0x3  }
0x96: {  	_ =	strace s3  }
0x97: {  	_ =	strace $0x8FFFFFFF  }
0x98: {  	s19 =	sld [smem:$0x3FDB];
	_ =	sdelay $0x1  }
0x99: {  	s4 =	simm.s32 $_scs_section_size  }
0x9a: {  	s5 =	simm.s32 $_size__tile_overlayer_lowered;
	s6 =	simm.s32 $_tile_overlayer_lowered  }
0x9b: {  	s22 =	simm.s32 $0x1BFF;
	s21 =	sshll.u32 s6, $0x1;
	s3 =	sadd.s32 s4, s19  }
0x9c: {  	s7 =	simm.s32 $0x0;
	s20 =	sshll.u32 s5, $0x1;
	s5 =	sadd.s32 s21, s3  }
0x9d: {  	[timem:s7], [sflag:s22] =	dma.local [hbm:s5], s20  }
0x9e: {  	_ =	swait.ge [sflag:s22], s20  }
0x9f: {  	s4 =	ssub.s32 $0x0, s20;
	[sflag:s22] =	ssyncset.done $0x0  }
0xa0: {  	[sflag:s22] =	ssyncadd.s32 s4;
	_ =	sdelay $0x1  }
0xa1: {  	s23 =	simm.s32 $0x1B8B  }
0xa2: {  	_ =	swait.ge [sflag:s23], $0x1  }
0xa3: {  	[sflag:s23] =	ssyncset.done $0x0  }
0xa4: {  	s25 =	simm.s32 $0x1B8E;
	s24 =	sld [smem:$0x3FFE];
	[sflag:s23] =	ssyncadd.s32 $0xFFFFFFFF  }
0xa5: {  	s26 =	simm.s32 $execute0_lowered;
	[smem:$0x3FD2] =	sst s25  }
0xa6: {  	s5 =	sshll.u32 s26, $0x1;
	_ =	strace $0x80000046;
	[dreg:$0x1] =	wrdreg $0xFFFFFFFF  }
0xa7: {  	s28 =	simm.s32 $_size_execute0_lowered;
	s3 =	sadd.s32 s3, s5;
	[dreg:$0x0] =	wrdreg $0x0  }
0xa8: {  	s5 =	sshll.u32 s28, $0x1;
	[dreg:$0x2] =	wrdreg s3  }
0xa9: {  	[dreg:$0x3] =	wrdreg s5  }
0xaa: {  	[dreg:$0x4] =	wrdreg $0xC0  }
0xab: {  	_ =	task [dreg:s7], $0x5FFFF  }
0xac: {  	[dreg:$0x1] =	wrdreg $0xFFFFFFFF  }
0xad: {  	[dreg:$0x0] =	wrdreg $0x60  }
0xae: {  	[dreg:$0x2] =	wrdreg s2  }
0xaf: {  	[dreg:$0x3] =	wrdreg s24  }
0xb0: {  	[dreg:$0x4] =	wrdreg $0x90000  }
0xb1: {  	[dreg:$0x5] =	wrdreg $0x9  }
0xb2: {  	_ =	task.clear_ibuf [dreg:s7], $0x6FFFF;
	_ =	strace $0x90000046  }
0xb3: {  	s29 =	simm.s32 $0x9;
	_ =	strace $0x80000048  }
0xb4: {  	_ =	swait.ge [sflag:s29], $0x1  }
0xb5: {  	[sflag:s29] =	ssyncadd.s32 $0xFFFFFFFF  }
0xb6: {  	_ =	strace $0x90000048  }
0xb7: {  	_ =	sfence  }
0xb8: {  	s30 =	sld [smem:$0x0];
	_ =	sdelay $0x2  }
0xb9: {  	s31 =	sshll.u32 s1, $0xD;
	s1 =	sshrl.u32 s1, $0x2  }
0xba: {  	s3 =	sand.u32 $0x4000, s31;
	s1 =	sadd.s32 s1, s30  }
0xbb: {  	s0 =	sor.u32 s3, s0;
	s1 =	sshll.u32 s1, $0x11  }
0xbc: {  	s0 =	sor.u32 s1, s0  }
0xbd: {  	s0 =	sadd.s32 $0x8F2B, s0  }
0xbe: {  	[sflag:s0] =	ssyncadd.remote.s32 $0x1  }
0xbf: {  	_ =	sfence.sel $0xFFFF  }
0xc0: {  	[dreg:$0x0] =	wrdreg $0xFFFFFFFF;
	(pc) =	sbr.abs _section_cstart, $3  }
0xc1: {  	[dreg:$0x1] =	wrdreg $0xFFFFFFFF  }
0xc2: {  	_ =	task.clear_ibuf [dreg:s7], $0x2FFFF;
	_ =	strace $0x9FFFFFFF  }
0xc3: {  	(tm) =	ssettm $0x7FFFFFFF  }
tec
execute0_lowered:
.L_overlay_start_1:
0x0: {  	(tag) =	ssettag $0x1  }
0x1: {  	s1 =	rddreg [dreg:$0x0]  }
0x2: {  	s0 =	rddreg [dreg:$0x1]  }
0x3: {  	s2 =	rddreg [dreg:$0x2]  }
0x4: {  	s3 =	srdreg.scid;
	s4 =	simm.s32 $0x0;
	s13 =	stileid.u32  }
0x5: {  	s28 =	simm.s32 $0x3000;
	s29 =	simm.s32 $0x1;
	s6 =	smul.u32 $0x13C00, s13  }
0x6: {  	s30 =	simm.s32 $0x1CC00;
	s3 =	sand.u32 $0x1, s3;
	s25 =	smul.u32 $0x4F000, s13  }
0x7: {  	s22 =	sshrl.u32 s13, $0x2;
	s7 =	sshll.u32 s13, $0x8;
	s13 =	smul.u32 $0xA000, s13  }
0x8: {  	s31 =	simm.s32 $0x5000;
	[smem:$0x7FF] =	sst s4;
	s5 =	smul.u32 $0x13C000, s3  }
0x9: {  	_ =	strace $0x80000047;
	s8 =	smul.u32 $0x13C00, s22;
	s9 =	sshll.u32 s3, $0x7  }
0xa: {  	s7 =	sand.u32 $0x300, s7;
	s24 =	ssub.s32 $0x2, s3;
	s11 =	ssub.s32 $0x0, s3  }
0xb: {  	s7 =	sor.u32 s9, s7;
	s26 =	sshrl.u32 s24, $0x1;
	s6 =	sadd.s32 s6, s5  }
0xc: {  	s5 =	sadd.s32 $0x2A00, s0;
	s7 =	sor.u32 s8, s7;
	s12 =	ssub.s32 s24, s26  }
0xd: {  	s10 =	sshrl.u32 s6, $0x3;
	s6 =	sadd.s32 $0x16A00, s0;
	s7 =	sshrl.u32 s7, $0x3  }
0xe: {  	s17 =	smax.u32 s12, $0x1;
	s23 =	sadd.s32 s10, s0;
	s0 =	sadd.s32 s7, s0  }
0xf: {  	p0 =	seq.s32 s3, $0x0;
	[dreg:$0x8] =	wrdreg s17;
	s0 =	sadd.s32 $0x2AA00, s0  }
0x10: {  	s10 =	sshrl.u32 s25, $0x2;
	s16 =	sadd.s32 $0x34800, s23;
	[dreg:$0x6] =	wrdreg s0  }
0x11: {  	s3 =	simm.s32 $0x7000;
	s18 =	sadd.s32 s10, s2;
	[dreg:$0x7] =	wrdreg s16  }
0x12: {  	s14 =	sand.u32 $0x7800, s11;
	s15 =	sadd.s32 $0x12000, s18;
	[dreg:$0x4] =	wrdreg s18  }
0x13: {  	s9 =	simm.s32 $0x3;
	s19 =	sadd.s32 $0x2000, s18;
	[dreg:$0x5] =	wrdreg s15  }
0x14: {  	s11 =	simm.s32 $0x5;
	s20 =	sadd.s32 $0x4000, s18;
	[dreg:$0x9] =	wrdreg s19  }
0x15: {  	s12 =	simm.s32 $0x4;
	s21 =	sadd.s32 $0x6000, s18;
	[dreg:$0xa] =	wrdreg s20  }
0x16: {  	s7 =	simm.s32 $0xF;
	s22 =	sadd.s32 $0x8000, s18;
	[dreg:$0xb] =	wrdreg s21  }
0x17: {  	s7 =	simm.s32 @!p0 $0x5;
	s23 =	sadd.s32 $0xA000, s18;
	[dreg:$0xc] =	wrdreg s22  }
0x18: {  	s10 =	sadd.s32 s13, s14;
	s24 =	sadd.s32 $0xC000, s18;
	[dreg:$0xd] =	wrdreg s23  }
.Ltmp0:
0x19: {  	s25 =	sadd.s32 $0xE000, s18;
	[dreg:$0xe] =	wrdreg s24;
	(pc) =	sbr.rel .LBB2_1-.Ltmp0, $4  }
0x1a: {  	s13 =	simm.s32 $0x6;
	s26 =	sadd.s32 $0x10000, s18;
	[dreg:$0xf] =	wrdreg s25  }
0x1b: {  	s14 =	simm.s32 $0x7;
	s0 =	simm.s32 $0x2;
	[dreg:$0x10] =	wrdreg s26  }
0x1c: {  	s22 =	simm.s32 $0x1000;
	s23 =	simm.s32 $0x9;
	s24 =	simm.s32 $0x800  }
0x1d: {  	v0 =	vimm.f32 $0.0e+00;
	v1 =	vimm.f32 $1.000000000e+00;
	s25 =	simm.s32 $0x40;
	s26 =	simm.s32 $0x80;
	s15 =	simm.s32 $0x8  }
.LBB2_10:
0x1e: {  	s8 =	rddreg [dreg:$0x6];
	s16 =	simm.s32 $0x400  }
0x1f: {  	[hbm4b:s8+s26] =	stream.strided.scatter [tilespmem:s30], [sflag:$0x9], $0x2780, s16, s26, $0x38;
	[tilespmem:$0x1F380] =	vst v63  }
0x20: {  	_ =	swait.ge [sflag:s23], $0x2780  }
0x21: {  	[sflag:s23] =	ssyncset.done $0x0  }
0x22: {  	[sflag:s23] =	ssyncadd.s32 $0xFFFFD880  }
0x23: {  	s19 =	stileid.u32;
	[bflag:$0x0] =	sbarrier.arrive $0xFFFF  }
0x24: {  	s8 =	sshll.u32 s19, $0x6;
	s18 =	rddreg [dreg:$0x4]  }
0x25: {  	s8 =	sor.u32 $0x1C09, s8;
	s17 =	rddreg [dreg:$0x7];
	s20 =	sshrl.u32 s18, $0x3  }
0x26: {  	[hbm:s17], [sflag:s8] =	dma.local [spmem:s20], $0x2780  }
0x27: {  	_ =	swait.ge [sflag:s23], $0x2780  }
0x28: {  	s4 =	sadd.s32 $0x1, s4;
	s21 =	rddreg [dreg:$0x8]  }
0x29: {  	p0 =	sne.s32 s4, s21  }
.Ltmp1:
0x2a: {  	_ = 	snop;
	(pc) =	sbr.rel @!p0 .LBB2_11-.Ltmp1, $3  }
0x2b: {  	_ =	sdelay $0x1  }
0x2c: {  	[sflag:s23] =	ssyncset.done $0x0  }
0x2d: {  	[sflag:s23] =	ssyncadd.s32 $0xFFFFD880  }
.LBB2_1:
0x2e: {  	s16 =	simm.s32 $0x0;
	s17 =	simm.s32 $0x200  }
.LBB2_2:
0x2f: {  	p0 =	sne.s32 s17, $0x7E00;
	[tilespmem:s16+$0x1070] =	vst v0  }
0x30: {  	[tilespmem:s16+$0x1000] =	vst v0  }
0x31: {  	[tilespmem:s16+$0x1010] =	vst v0  }
.Ltmp2:
0x32: {  	[tilespmem:s16+$0x1020] =	vst v0;
	(pc) =	sbr.rel @p0 .LBB2_2-.Ltmp2, $4  }
0x33: {  	[tilespmem:s16+$0x1030] =	vst v0  }
0x34: {  	[tilespmem:s16+$0x1040] =	vst v0  }
0x35: {  	[tilespmem:s16+$0x1050] =	vst v0  }
0x36: {  	[tilespmem:s16+$0x1060] =	vst v0;
	s16 =	sshra.s32 s17, $0x2;
	s17 =	sadd.s32 $0x200, s17  }
0x37: {  	[tilespmem:s16+$0x1070] =	vst v0  }
0x38: {  	[tilespmem:s16+$0x1000] =	vst v0  }
0x39: {  	[tilespmem:s16+$0x1010] =	vst v0  }
0x3a: {  	[tilespmem:s16+$0x1020] =	vst v0  }
0x3b: {  	[tilespmem:s16+$0x1030] =	vst v0  }
0x3c: {  	[tilespmem:s16+$0x1040] =	vst v0  }
0x3d: {  	[tilespmem:s16+$0x1050] =	vst v0  }
0x3e: {  	[tilespmem:s16+$0x1060] =	vst v0  }
0x3f: {  	[spmem:s18] =	stream.linear.scatter [tilespmem:s22], [sflag:$0x9], $0x2000, $0x38;
	[tilespmem:$0x1F380] =	vst v63  }
0x40: {  	_ =	swait.ge [sflag:s23], $0x2000  }
0x41: {  	[sflag:s23] =	ssyncset.done $0x0  }
0x42: {  	s8 =	rddreg [dreg:$0x9];
	[sflag:s23] =	ssyncadd.s32 $0xFFFFE000  }
0x43: {  	[spmem:s8] =	stream.linear.scatter [tilespmem:s22], [sflag:$0x9], $0x2000, $0x38;
	[tilespmem:$0x1F380] =	vst v63  }
0x44: {  	_ =	swait.ge [sflag:s23], $0x2000  }
0x45: {  	[sflag:s23] =	ssyncset.done $0x0  }
0x46: {  	s20 =	rddreg [dreg:$0xa];
	[sflag:s23] =	ssyncadd.s32 $0xFFFFE000  }
0x47: {  	[spmem:s20] =	stream.linear.scatter [tilespmem:s22], [sflag:$0x9], $0x2000, $0x38;
	[tilespmem:$0x1F380] =	vst v63  }
0x48: {  	_ =	swait.ge [sflag:s23], $0x2000  }
0x49: {  	[sflag:s23] =	ssyncset.done $0x0  }
0x4a: {  	s21 =	rddreg [dreg:$0xb];
	[sflag:s23] =	ssyncadd.s32 $0xFFFFE000  }
0x4b: {  	[spmem:s21] =	stream.linear.scatter [tilespmem:s22], [sflag:$0x9], $0x2000, $0x38;
	[tilespmem:$0x1F380] =	vst v63  }
0x4c: {  	_ =	swait.ge [sflag:s23], $0x2000  }
0x4d: {  	[sflag:s23] =	ssyncset.done $0x0  }
0x4e: {  	s16 =	rddreg [dreg:$0xc];
	[sflag:s23] =	ssyncadd.s32 $0xFFFFE000  }
0x4f: {  	[spmem:s16] =	stream.linear.scatter [tilespmem:s22], [sflag:$0x9], $0x2000, $0x38;
	[tilespmem:$0x1F380] =	vst v63  }
0x50: {  	_ =	swait.ge [sflag:s23], $0x2000  }
0x51: {  	[sflag:s23] =	ssyncset.done $0x0  }
0x52: {  	s17 =	rddreg [dreg:$0xd];
	[sflag:s23] =	ssyncadd.s32 $0xFFFFE000  }
0x53: {  	[spmem:s17] =	stream.linear.scatter [tilespmem:s22], [sflag:$0x9], $0x2000, $0x38;
	[tilespmem:$0x1F380] =	vst v63  }
0x54: {  	_ =	swait.ge [sflag:s23], $0x2000  }
0x55: {  	[sflag:s23] =	ssyncset.done $0x0  }
0x56: {  	s18 =	rddreg [dreg:$0xe];
	[sflag:s23] =	ssyncadd.s32 $0xFFFFE000  }
0x57: {  	[spmem:s18] =	stream.linear.scatter [tilespmem:s22], [sflag:$0x9], $0x2000, $0x38;
	[tilespmem:$0x1F380] =	vst v63  }
0x58: {  	_ =	swait.ge [sflag:s23], $0x2000  }
0x59: {  	[sflag:s23] =	ssyncset.done $0x0  }
0x5a: {  	s19 =	rddreg [dreg:$0xf];
	[sflag:s23] =	ssyncadd.s32 $0xFFFFE000  }
0x5b: {  	[spmem:s19] =	stream.linear.scatter [tilespmem:s22], [sflag:$0x9], $0x2000, $0x38;
	[tilespmem:$0x1F380] =	vst v63  }
0x5c: {  	_ =	swait.ge [sflag:s23], $0x2000  }
0x5d: {  	[sflag:s23] =	ssyncset.done $0x0  }
0x5e: {  	s20 =	rddreg [dreg:$0x10];
	[sflag:s23] =	ssyncadd.s32 $0xFFFFE000  }
0x5f: {  	[spmem:s20] =	stream.linear.scatter [tilespmem:s22], [sflag:$0x9], $0x2000, $0x38;
	[tilespmem:$0x1F380] =	vst v63  }
0x60: {  	_ =	swait.ge [sflag:s23], $0x2000  }
0x61: {  	[sflag:s23] =	ssyncset.done $0x0  }
0x62: {  	s21 =	rddreg [dreg:$0x5];
	[sflag:s23] =	ssyncadd.s32 $0xFFFFE000  }
0x63: {  	[spmem:s21] =	stream.linear.scatter [tilespmem:s22], [sflag:$0x9], $0x1C00, $0x38;
	[tilespmem:$0x1F380] =	vst v63  }
0x64: {  	_ =	swait.ge [sflag:s23], $0x1C00  }
0x65: {  	[sflag:s23] =	ssyncset.done $0x0  }
0x66: {  	s16 =	simm.s32 $0x40;
	s17 =	simm.s32 $0x0;
	[sflag:s23] =	ssyncadd.s32 $0xFFFFE400  }
.LBB2_4:
0x67: {  	p0 =	sne.s32 s16, $0x9DC0;
	[tilespmem:s17+$0x1CC00] =	vst v0;
	s17 =	smov.u32 s16;
	s16 =	sadd.s32 $0x40, s16  }
.Ltmp3:
0x68: {  	(pc) =	sbr.rel @p0 .LBB2_4-.Ltmp3, $2  }
0x69: {  	_ =	sdelay $0x2  }
0x6a: {  	s17 =	sshra.s32 s17, $0x2  }
.Ltmp4:
0x6b: {  	(pc) =	sbr.rel .LBB2_6-.Ltmp4, $4  }
0x6c: {  	_ = 	snop  }
0x6d: {  	[tilespmem:s17+$0x1CC00] =	vst v0  }
0x6e: {  	[bflag:$0x0] =	sbarrier.arrive $0xFFFF  }
0x6f: {  	s16 =	simm.s32 $0x0;
	s17 =	simm.s32 $0x0  }
.LBB2_9:
0x70: {  	s17 =	sadd.s32 $0x1, s17  }
0x71: {  	_ =	swait.ge [sflag:s14], $0x2000;
	p0 =	sne.s32 s17, s7  }
.Ltmp5:
0x72: {  	[sflag:s14] =	ssyncset.done $0x0;
	(pc) =	sbr.rel @!p0 .LBB2_10-.Ltmp5, $4  }
0x73: {  	[sflag:s14] =	ssyncadd.s32 $0xFFFFE000  }
0x74: {  	_ =	swait.ge [sflag:s15], $0x2000  }
0x75: {  	[sflag:s15] =	ssyncset.done $0x0  }
0x76: {  	[sflag:s15] =	ssyncadd.s32 $0xFFFFE000  }
.LBB2_6:
0x77: {  	s18 =	sshll.u32 s17, $0xB  }
0x78: {  	s18 =	sadd.s32 s18, s10  }
0x79: {  	s18 =	sshrl.u32 s18, $0x3  }
0x7a: {  	s19 =	sadd.s32 s5, s18  }
0x7b: {  	[tilespmem:s16], [sflag:$0x9] =	stream.linear.gather [hbm4b:s19+s16], $0x800, $0x38;
	[tilespmem:$0x1F380] =	vst v63  }
0x7c: {  	_ =	swait.ge [sflag:s23], $0x800  }
0x7d: {  	[sflag:s23] =	ssyncset.done $0x0  }
0x7e: {  	s18 =	sadd.s32 s6, s18;
	[sflag:s23] =	ssyncadd.s32 $0xFFFFF800  }
0x7f: {  	[tilespmem:s24], [sflag:$0x9] =	stream.linear.gather [hbm4b:s18+s16], $0x800, $0x38;
	[tilespmem:$0x1F380] =	vst v63  }
0x80: {  	_ =	swait.ge [sflag:s23], $0x800  }
0x81: {  	[sflag:s23] =	ssyncset.done $0x0  }
0x82: {  	[sflag:s23] =	ssyncadd.s32 $0xFFFFF800  }
0x83: {  	[tilespmem:s22], [sflag:$0x1] =	stream.indirect.gather [hbm4b:s1+s25], $0x80, s16, s25, $0xb8;
	[tilespmem:$0x1F380] =	vst v63  }
0x84: {  	s18 =	simm.s32 $0x0  }
0x85: {  	[tilespmem:s28], [sflag:$0x2] =	stream.indirect.gather [hbm4b:s1+s25], $0x80, s26, s25, $0xb8;
	[tilespmem:$0x1F380] =	vst v63  }
.LBB2_7:
0x86: {  	_ =	swait.ge [sflag:s29], $0x2000  }
0x87: {  	s19 =	sshra.s32 s18, $0x2;
	[sflag:s29] =	ssyncset.done $0x0  }
0x88: {  	s20 =	sadd.s32 $0x800, s19;
	[sflag:s29] =	ssyncadd.s32 $0xFFFFE000  }
0x89: {  	[spmem:s2] =	stream.indirect.scatter.add.f32 [tilespmem:s22], [sflag:$0x5], $0x80, s20, s25, $0xb8;
	[tilespmem:$0x1F380] =	vst v63  }
0x8a: {  	v2 =	vld [tilespmem:s19+$0x800];
	_ =	sdelay $0x7  }
0x8b: {  	[tilespmem:v2+s30+$0x0] =	vst.idx.add.f32.msk $0xffff, v1  }
0x8c: {  	v2 =	vld [tilespmem:s19+$0x810];
	_ =	sdelay $0x7  }
0x8d: {  	[tilespmem:v2+s30+$0x0] =	vst.idx.add.f32.msk $0xffff, v1  }
0x8e: {  	v2 =	vld [tilespmem:s19+$0x820];
	_ =	sdelay $0x7  }
0x8f: {  	[tilespmem:v2+s30+$0x0] =	vst.idx.add.f32.msk $0xffff, v1  }
0x90: {  	v2 =	vld [tilespmem:s19+$0x830];
	_ =	sdelay $0x6  }
0x91: {  	p0 =	seq.s32 s18, $0x0  }
0x92: {  	s20 =	simm.s32 @!p0 $0x7;
	[tilespmem:v2+s30+$0x0] =	vst.idx.add.f32.msk $0xffff, v1  }
0x93: {  	_ =	swait.ge @!p0 [sflag:s20], $0x2000  }
0x94: {  	[sflag:s20] =	ssyncset.done @!p0 $0x0  }
0x95: {  	s21 =	sadd.s32 $0x100, s19;
	[sflag:s20] =	ssyncadd.s32 @!p0 $0xFFFFE000  }
0x96: {  	[tilespmem:s31], [sflag:$0x3] =	stream.indirect.gather [hbm4b:s1+s25], $0x80, s21, s25, $0xb8;
	[tilespmem:$0x1F380] =	vst v63  }
0x97: {  	_ =	swait.ge [sflag:s0], $0x2000  }
0x98: {  	[sflag:s0] =	ssyncset.done $0x0  }
0x99: {  	s8 =	sadd.s32 $0x880, s19;
	[sflag:s0] =	ssyncadd.s32 $0xFFFFE000  }
0x9a: {  	[spmem:s2] =	stream.indirect.scatter.add.f32 [tilespmem:s28], [sflag:$0x6], $0x80, s8, s25, $0xb8;
	[tilespmem:$0x1F380] =	vst v63  }
0x9b: {  	v2 =	vld [tilespmem:s19+$0x880];
	_ =	sdelay $0x7  }
0x9c: {  	[tilespmem:v2+s30+$0x0] =	vst.idx.add.f32.msk $0xffff, v1  }
0x9d: {  	v2 =	vld [tilespmem:s19+$0x890];
	_ =	sdelay $0x7  }
0x9e: {  	[tilespmem:v2+s30+$0x0] =	vst.idx.add.f32.msk $0xffff, v1  }
0x9f: {  	v2 =	vld [tilespmem:s19+$0x8A0];
	_ =	sdelay $0x7  }
0xa0: {  	[tilespmem:v2+s30+$0x0] =	vst.idx.add.f32.msk $0xffff, v1  }
0xa1: {  	v2 =	vld [tilespmem:s19+$0x8B0];
	_ =	sdelay $0x7  }
0xa2: {  	s20 =	simm.s32 @!p0 $0x8;
	[tilespmem:v2+s30+$0x0] =	vst.idx.add.f32.msk $0xffff, v1  }
0xa3: {  	_ =	swait.ge @!p0 [sflag:s20], $0x2000  }
0xa4: {  	[sflag:s20] =	ssyncset.done @!p0 $0x0  }
0xa5: {  	s21 =	sadd.s32 $0x180, s19;
	[sflag:s20] =	ssyncadd.s32 @!p0 $0xFFFFE000  }
0xa6: {  	[tilespmem:s3], [sflag:$0x4] =	stream.indirect.gather [hbm4b:s1+s25], $0x80, s21, s25, $0xb8;
	[tilespmem:$0x1F380] =	vst v63  }
0xa7: {  	_ =	swait.ge [sflag:s9], $0x2000  }
0xa8: {  	[sflag:s9] =	ssyncset.done $0x0  }
0xa9: {  	s8 =	sadd.s32 $0x900, s19;
	[sflag:s9] =	ssyncadd.s32 $0xFFFFE000  }
0xaa: {  	[spmem:s2] =	stream.indirect.scatter.add.f32 [tilespmem:s31], [sflag:$0x7], $0x80, s8, s25, $0xb8;
	[tilespmem:$0x1F380] =	vst v63  }
0xab: {  	v2 =	vld [tilespmem:s19+$0x900];
	_ =	sdelay $0x7  }
0xac: {  	[tilespmem:v2+s30+$0x0] =	vst.idx.add.f32.msk $0xffff, v1  }
0xad: {  	v2 =	vld [tilespmem:s19+$0x910];
	_ =	sdelay $0x7  }
0xae: {  	[tilespmem:v2+s30+$0x0] =	vst.idx.add.f32.msk $0xffff, v1  }
0xaf: {  	v2 =	vld [tilespmem:s19+$0x920];
	_ =	sdelay $0x7  }
0xb0: {  	[tilespmem:v2+s30+$0x0] =	vst.idx.add.f32.msk $0xffff, v1  }
0xb1: {  	v2 =	vld [tilespmem:s19+$0x930];
	_ =	sdelay $0x7  }
0xb2: {  	[tilespmem:v2+s30+$0x0] =	vst.idx.add.f32.msk $0xffff, v1  }
0xb3: {  	p0 =	seq.s32 s18, $0x1800;
	_ =	swait.ge [sflag:s11], $0x2000  }
0xb4: {  	s20 =	sshra.s32 @!p0 s18, $0x2;
	s21 =	simm.s32 @!p0 $0x40;
	[sflag:s11] =	ssyncset.done $0x0  }
0xb5: {  	s20 =	sadd.s32 @!p0 $0x200, s20;
	s8 =	simm.s32 @!p0 $0x1000;
	[sflag:s11] =	ssyncadd.s32 $0xFFFFE000  }
0xb6: {  	[tilespmem:s8], [sflag:$0x1] =	stream.indirect.gather @!p0 [hbm4b:s1+s21], $0x80, s20, s21, $0xb8;
	[tilespmem:$0x1F380] =	vst v63  }
0xb7: {  	_ =	swait.ge [sflag:s12], $0x2000  }
0xb8: {  	[sflag:s12] =	ssyncset.done $0x0  }
0xb9: {  	s21 =	sadd.s32 $0x980, s19;
	[sflag:s12] =	ssyncadd.s32 $0xFFFFE000  }
0xba: {  	[spmem:s2] =	stream.indirect.scatter.add.f32 [tilespmem:s3], [sflag:$0x8], $0x80, s21, s25, $0xb8;
	[tilespmem:$0x1F380] =	vst v63  }
0xbb: {  	v2 =	vld [tilespmem:s19+$0x980];
	_ =	sdelay $0x7  }
0xbc: {  	[tilespmem:v2+s30+$0x0] =	vst.idx.add.f32.msk $0xffff, v1  }
0xbd: {  	v2 =	vld [tilespmem:s19+$0x990];
	_ =	sdelay $0x7  }
0xbe: {  	[tilespmem:v2+s30+$0x0] =	vst.idx.add.f32.msk $0xffff, v1  }
0xbf: {  	v2 =	vld [tilespmem:s19+$0x9A0];
	_ =	sdelay $0x7  }
0xc0: {  	[tilespmem:v2+s30+$0x0] =	vst.idx.add.f32.msk $0xffff, v1  }
0xc1: {  	v2 =	vld [tilespmem:s19+$0x9B0];
	_ =	sdelay $0x6  }
.Ltmp6:
0xc2: {  	_ = 	snop;
	(pc) =	sbr.rel @p0 .LBB2_9-.Ltmp6, $4  }
0xc3: {  	[tilespmem:v2+s30+$0x0] =	vst.idx.add.f32.msk $0xffff, v1  }
0xc4: {  	_ =	swait.ge [sflag:s13], $0x2000  }
0xc5: {  	[sflag:s13] =	ssyncset.done $0x0  }
0xc6: {  	[sflag:s13] =	ssyncadd.s32 $0xFFFFE000  }
.Ltmp7:
0xc7: {  	(pc) =	sbr.rel .LBB2_7-.Ltmp7, $3  }
0xc8: {  	_ =	sdelay $0x1  }
0xc9: {  	s8 =	sadd.s32 $0x280, s19;
	s18 =	sadd.s32 $0x800, s18  }
0xca: {  	[tilespmem:s28], [sflag:$0x2] =	stream.indirect.gather [hbm4b:s1+s25], $0x80, s8, s25, $0xb8;
	[tilespmem:$0x1F380] =	vst v63  }
.LBB2_11:
0xcb: {  	_ =	sfence.sel $0x180000  }
0xcc: {  	[bflag:$0x0] =	sbarrier.arrive $0xFFFF  }
0xcd: {  	_ =	strace $0x90000047  }
0xce: {  	s0 =	stileid.u32;
	[bflag:$0x2] =	sbarrier.arrive $0xFFFF  }
0xcf: {  	p0 =	sne.s32 s0, $0x0;
	s0 =	rddreg [dreg:$0x3]  }
0xd0: {  	s0 =	sadd.s32 @!p0 $0x100000, s0  }
0xd1: {  	[sflag:s0] =	ssyncadd.tile.s32 @!p0 $0x1;
	_ =	shalt  }
.Lfunc_end2:
_tile_overlayer_lowered:
.L_overlay_start_2:
0xd2: {  	(tag) =	ssettag $0x2  }
0xd3: {  	s0 =	rddreg [dreg:$0x0];
	s2 =	stileid.u32  }
0xd4: {  	s1 =	rddreg [dreg:$0x1];
	p0 =	sne.s32 s2, $0x0  }
0xd5: {  	s3 =	rddreg [dreg:$0x2];
	[bflag:$0x3] =	sbarrier.arrive $0xFFFF;
	s2 =	simm.s32 @!p0 $0x1C09  }
0xd6: {  	[timem:s3], [sflag:s2] =	dma.local @!p0 [hbm:s0], s1  }
0xd7: {  	s0 =	simm.s32 @!p0 $0x9  }
0xd8: {  	_ =	swait.ge @!p0 [sflag:s0], s1  }
0xd9: {  	s1 =	ssub.s32 @!p0 $0x0, s1;
	[sflag:s0] =	ssyncset.done @!p0 $0x0  }
0xda: {  	[sflag:s0] =	ssyncadd.s32 @!p0 s1  }
0xdb: {  	[bflag:$0x3] =	sbarrier.arrive $0xFFFF  }
0xdc: {  	_ =	shalt  }

</sc_bundles>
